<compile_context>
chip_gen: v7x
topology: tpu7x:2x2x1
jax: 0.10.2.dev20260603
libtpu: 0.0.44.dev20260713+nightly
codegen_flags: <defaults>
</compile_context>

<pallas_src>
import functools

import jax
import jax.numpy as jnp
from jax import lax
from jax.experimental import pallas as pl
from jax.experimental.pallas import tpu as pltpu
from jax.experimental.pallas import tpu_sc as plsc

N_NODE = 10000
E_EDGES = 160000
H = 256
HH = 128
D_E = 16
N_LAYERS_K = 2
NTILE = 16
EPT = E_EDGES // NTILE

SCH = 80
SNCH = EPT // SCH

PCH = 80
PNCH = EPT // PCH

ALN = 624
TAIL = N_NODE - ALN * NTILE

_MESH = plsc.VectorSubcoreMesh(core_axis_name="c", subcore_axis_name="s")


def _tiled_init(s, zeros, accs):
    for acc in accs:
        pltpu.sync_copy(zeros.at[pl.ds(0, ALN)], acc.at[pl.ds(s * ALN, ALN)])

    @pl.when(s == NTILE - 1)
    def _():
        for acc in accs:
            pltpu.sync_copy(zeros.at[pl.ds(0, TAIL)],
                            acc.at[pl.ds(ALN * NTILE, TAIL)])


def _tiled_copy_out(s, outs):
    for acc, out_slicer in outs:
        pltpu.sync_copy(acc.at[pl.ds(s * ALN, ALN)], out_slicer(s * ALN, ALN))

    @pl.when(s == NTILE - 1)
    def _():
        for acc, out_slicer in outs:
            pltpu.sync_copy(acc.at[pl.ds(ALN * NTILE, TAIL)],
                            out_slicer(ALN * NTILE, TAIL))



def _segsum_body(htab_cp, srcidx_cp, dstidx_cp, htab_pc, srcidx_pc,
                 dstidx_pc, zeros, out_cp, out_pc,
                 src_v, dst_v, buf_a, buf_b, accum, gsem_a, gsem_b):
    c = lax.axis_index("c")
    s = lax.axis_index("s")
    _segsum_one(c, s, htab_cp, srcidx_cp, dstidx_cp, zeros, out_cp,
                src_v, dst_v, buf_a, buf_b, accum, gsem_a, gsem_b)
    plsc.subcore_barrier()
    _segsum_one(c, s, htab_pc, srcidx_pc, dstidx_pc, zeros, out_pc,
                src_v, dst_v, buf_a, buf_b, accum, gsem_a, gsem_b)


def _segsum_one(c, s, htable, srcidx, dstidx, zeros, out,
                src_v, dst_v, buf_a, buf_b, accum, gsem_a, gsem_b):
    pltpu.sync_copy(srcidx.at[c, s], src_v)
    pltpu.sync_copy(dstidx.at[s], dst_v)
    _tiled_init(s, zeros, [accum])
    plsc.subcore_barrier()

    def gather(g, buf, sem):
        pltpu.async_copy(htable.at[src_v.at[pl.ds(g * SCH, SCH)]], buf, sem)

    def gather_wait(g, buf, sem):
        pltpu.make_async_copy(htable.at[src_v.at[pl.ds(g * SCH, SCH)]],
                              buf, sem).wait()

    gather(0, buf_a, gsem_a)
    gather(1, buf_b, gsem_b)

    def body(t, carry):
        g = t * 2
        gather_wait(g, buf_a, gsem_a)
        pltpu.sync_copy(buf_a, accum.at[dst_v.at[g]], add=True)

        @pl.when(g + 2 < SNCH)
        def _():
            gather(g + 2, buf_a, gsem_a)

        gather_wait(g + 1, buf_b, gsem_b)
        pltpu.sync_copy(buf_b, accum.at[dst_v.at[g + 1]], add=True)

        @pl.when(g + 3 < SNCH)
        def _():
            gather(g + 3, buf_b, gsem_b)

        return carry

    lax.fori_loop(0, SNCH // 2, body, 0)

    gather_wait(SNCH - 1, buf_a, gsem_a)
    pltpu.sync_copy(buf_a, accum.at[dst_v.at[SNCH - 1]], add=True)

    plsc.subcore_barrier()
    _tiled_copy_out(s, [(accum, lambda o, n: out.at[c, pl.ds(o, n)])])


_segsum = functools.partial(
    pl.kernel,
    out_type=(jax.ShapeDtypeStruct((2, N_NODE, HH), jnp.float32),
              jax.ShapeDtypeStruct((2, N_NODE, HH), jnp.float32)),
    mesh=_MESH,
    scratch_types=[
        pltpu.VMEM((EPT,), jnp.int32),
        pltpu.VMEM((SNCH, SCH), jnp.int32),
        pltpu.VMEM((SCH, HH), jnp.float32),
        pltpu.VMEM((SCH, HH), jnp.float32),
        pltpu.VMEM_SHARED((N_NODE, HH), jnp.float32),
        pltpu.SemaphoreType.DMA,
        pltpu.SemaphoreType.DMA,
    ],
)(_segsum_body)


def _pre_body(efeat, dstidx, zeros, zeros_chunk, sd_out,
              dst_v, fbufs, stagings, accum, efsems, ssems):
    c = lax.axis_index("c")
    s = lax.axis_index("s")
    pltpu.sync_copy(dstidx.at[c, s], dst_v)
    one_hot = jnp.where(lax.iota(jnp.int32, 16) == 0,
                        jnp.float32(1.0), jnp.float32(0.0))
    for staging in stagings:
        pltpu.sync_copy(zeros_chunk, staging)

        def set_ones(j, carry):
            staging[j, pl.ds(D_E, 16)] = one_hot
            return carry

        lax.fori_loop(0, PCH, set_ones, 0)
    _tiled_init(s, zeros, [accum])

    def ef_fetch(g, b):
        pltpu.async_copy(efeat.at[c, s, g], fbufs[b], efsems[b])

    def ef_wait(g, b):
        pltpu.make_async_copy(efeat.at[c, s, g], fbufs[b], efsems[b]).wait()

    def place(b):
        def step(j, carry):
            stagings[b][j, pl.ds(0, D_E)] = fbufs[b][0, pl.ds(j * D_E, D_E)]
            return carry

        lax.fori_loop(0, PCH, step, 0)

    def scatter(g, b):
        pltpu.async_copy(stagings[b], accum.at[dst_v.at[g, 0]], ssems[b],
                         add=True)

    def scatter_wait(g, b):
        pltpu.make_async_copy(stagings[b], accum.at[dst_v.at[g, 0]],
                              ssems[b]).wait()

    ef_fetch(0, 0)
    ef_fetch(1, 1)
    plsc.subcore_barrier()

    def body(t, carry):
        g = t * 2
        for b in range(2):
            @pl.when(t > 0)
            def _():
                scatter_wait(g + b - 2, b)

            ef_wait(g + b, b)
            place(b)

            @pl.when(g + b + 2 < PNCH)
            def _():
                ef_fetch(g + b + 2, b)

            scatter(g + b, b)
        return carry

    lax.fori_loop(0, PNCH // 2, body, 0)

    scatter_wait(PNCH - 3, 0)
    ef_wait(PNCH - 1, 0)
    place(0)
    scatter(PNCH - 1, 0)
    scatter_wait(PNCH - 1, 0)
    scatter_wait(PNCH - 2, 1)

    plsc.subcore_barrier()
    _tiled_copy_out(s, [(accum, lambda o, n: sd_out.at[c, pl.ds(o, n)])])


_precompute = functools.partial(
    pl.kernel,
    out_type=jax.ShapeDtypeStruct((2, N_NODE, HH), jnp.float32),
    mesh=_MESH,
    scratch_types=[
        pltpu.VMEM((PNCH, 1, PCH), jnp.int32),
        [pltpu.VMEM((1, PCH * D_E), jnp.float32)] * 2,
        [pltpu.VMEM((PCH, HH), jnp.float32)] * 2,
        pltpu.VMEM_SHARED((N_NODE, HH), jnp.float32),
        [pltpu.SemaphoreType.DMA] * 2,
        [pltpu.SemaphoreType.DMA] * 2,
    ],
)(_pre_body)



_BN = 2000


def _embed_body(h_ref, w_ref, b_ref, out_ref):
    x = jnp.dot(h_ref[...], w_ref[...],
                preferred_element_type=jnp.float32) + b_ref[...]
    out_ref[0] = x[:, :HH]
    out_ref[1] = x[:, HH:]


def _embed(h, W, b):
    n, d = h.shape
    return pl.pallas_call(
        _embed_body,
        grid=(n // _BN,),
        in_specs=[pl.BlockSpec((_BN, d), lambda i: (i, 0)),
                  pl.BlockSpec((d, H), lambda i: (0, 0)),
                  pl.BlockSpec((1, H), lambda i: (0, 0))],
        out_specs=pl.BlockSpec((2, _BN, HH), lambda i: (0, i, 0)),
        out_shape=jax.ShapeDtypeStruct((2, n, HH), jnp.float32),
    )(h, W, b.reshape(1, H))


def _conv_update_body(split_out, h2, s2, sd, wm, ws, wn, bm, bs, bn,
                      out_ref):
    Wm = wm[...]
    h = jnp.concatenate([h2[0], h2[1]], axis=1)
    Sg = jnp.concatenate([s2[0], s2[1]], axis=1)
    sdv = sd[...]
    sef = sdv[:, :D_E]
    degv = sdv[:, D_E:D_E + 1]
    agg_u = (jnp.dot(Sg, Wm[:H], preferred_element_type=jnp.float32)
             + jnp.dot(sef, Wm[H:], preferred_element_type=jnp.float32)
             + degv * bm[...])
    agg = agg_u / jnp.maximum(degv, 1.0)
    x = (jnp.dot(h, ws[...], preferred_element_type=jnp.float32)
         + jnp.dot(agg, wn[...], preferred_element_type=jnp.float32)
         + bs[...] + bn[...])
    x = jnp.maximum(x, 0.0)
    nrm = jnp.sqrt(jnp.sum(x * x, axis=1, keepdims=True))
    x = x / (nrm + 1e-6)
    if split_out:
        out_ref[0] = x[:, :HH]
        out_ref[1] = x[:, HH:]
    else:
        out_ref[...] = x


def _conv_update(h2, s2, sd, Wm, bm, Ws, bs, Wn, bn, split_out):
    if split_out:
        out_spec = pl.BlockSpec((2, _BN, HH), lambda i: (0, i, 0))
        out_shape = jax.ShapeDtypeStruct((2, N_NODE, HH), jnp.float32)
    else:
        out_spec = pl.BlockSpec((_BN, H), lambda i: (i, 0))
        out_shape = jax.ShapeDtypeStruct((N_NODE, H), jnp.float32)
    return pl.pallas_call(
        functools.partial(_conv_update_body, split_out),
        grid=(N_NODE // _BN,),
        in_specs=[pl.BlockSpec((2, _BN, HH), lambda i: (0, i, 0)),
                  pl.BlockSpec((2, _BN, HH), lambda i: (0, i, 0)),
                  pl.BlockSpec((_BN, HH), lambda i: (i, 0)),
                  pl.BlockSpec((H + D_E, H), lambda i: (0, 0)),
                  pl.BlockSpec((H, H), lambda i: (0, 0)),
                  pl.BlockSpec((H, H), lambda i: (0, 0)),
                  pl.BlockSpec((1, H), lambda i: (0, 0)),
                  pl.BlockSpec((1, H), lambda i: (0, 0)),
                  pl.BlockSpec((1, H), lambda i: (0, 0))],
        out_specs=out_spec,
        out_shape=out_shape,
    )(h2, s2, sd, Wm, Ws, Wn,
      bm.reshape(1, H), bs.reshape(1, H), bn.reshape(1, H))



def kernel(h_customer, h_product, edge_index_c2p, edge_index_p2c,
           edge_feat_c2p, edge_feat_p2c,
           W_user, b_user, W_item, b_item,
           W_msg_c2p, b_msg_c2p, W_self_c2p, b_self_c2p, W_neigh_c2p, b_neigh_c2p,
           W_msg_p2c, b_msg_p2c, W_self_p2c, b_self_p2c, W_neigh_p2c, b_neigh_p2c):
    f32 = jnp.float32
    i32 = jnp.int32
    N = N_NODE

    src_cp = edge_index_c2p[0].astype(i32)
    dst_cp = edge_index_c2p[1].astype(i32)
    src_pc = edge_index_p2c[0].astype(i32)
    dst_pc = edge_index_p2c[1].astype(i32)

    srcidx_cp = jnp.stack([src_cp, src_cp + N]).reshape(2, NTILE, EPT)
    srcidx_pc = jnp.stack([src_pc, src_pc + N]).reshape(2, NTILE, EPT)
    dstidx_cp = dst_cp.reshape(NTILE, SNCH, SCH)
    dstidx_pc = dst_pc.reshape(NTILE, SNCH, SCH)

    efeat_both = jnp.stack(
        [edge_feat_c2p.reshape(NTILE, PNCH, 1, PCH * D_E),
         edge_feat_p2c.reshape(NTILE, PNCH, 1, PCH * D_E)])
    pre_dst_both = jnp.stack([dst_cp.reshape(NTILE, PNCH, 1, PCH),
                              dst_pc.reshape(NTILE, PNCH, 1, PCH)])
    zeros_hh = jnp.zeros((ALN, HH), f32)

    sefdeg = _precompute(efeat_both, pre_dst_both, zeros_hh,
                         jnp.zeros((PCH, HH), f32))
    sd_p = sefdeg[0]
    sd_c = sefdeg[1]

    hc2 = _embed(h_customer, W_user, b_user)
    hp2 = _embed(h_product, W_item, b_item)

    prev_sc = sefdeg
    for l in range(N_LAYERS_K):
        split = l < N_LAYERS_K - 1
        hc2_d, _ = lax.optimization_barrier((hc2, prev_sc))
        s_cp, s_pc = _segsum(hc2_d.reshape(2 * N, HH), srcidx_cp,
                             dstidx_cp, hp2.reshape(2 * N, HH),
                             srcidx_pc, dstidx_pc, zeros_hh)
        prev_sc = s_pc
        new_hp = _conv_update(hp2, s_cp, sd_p,
                              W_msg_c2p[l], b_msg_c2p[l], W_self_c2p[l],
                              b_self_c2p[l], W_neigh_c2p[l], b_neigh_c2p[l],
                              split)
        new_hc = _conv_update(hc2, s_pc, sd_c,
                              W_msg_p2c[l], b_msg_p2c[l], W_self_p2c[l],
                              b_self_p2c[l], W_neigh_p2c[l], b_neigh_p2c[l],
                              split)
        hc2, hp2 = new_hc, new_hp

    return hc2, hp2

# --- scband reference (transcript-rebuilt; emitter-appended) ---
"""Pipeline reference for scband-conv-model-49589692400131 (READ-ONLY COPY).

The authoritative reference and input builder live on the scoring server;
editing this copy changes nothing except your own understanding.
"""

import jax, jax.numpy as jnp
import numpy as np

N_C, N_P = 10000, 10000
E = 160000
D_C, D_P, H, D_E = 128, 256, 256, 16
N_LAYERS = 2  # n_layers=3 -> (n_layers-2)=1 inner conv + 1 final conv = 2 HeteroGraphConv layers


def setup_inputs(seed: int = 0) -> dict:
    key = jax.random.key(seed)
    ks = jax.random.split(key, 24)
    inp = {}
    inp['h_customer'] = jax.random.normal(ks[0], (N_C, D_C), jnp.float32)
    inp['h_product'] = jax.random.normal(ks[1], (N_P, D_P), jnp.float32)
    inp['edge_index_c2p'] = jax.random.randint(ks[2], (2, E), 0, N_C)
    inp['edge_index_p2c'] = jax.random.randint(ks[3], (2, E), 0, N_P)
    inp['edge_feat_c2p'] = jax.random.normal(ks[4], (E, D_E), jnp.float32)
    inp['edge_feat_p2c'] = jax.random.normal(ks[5], (E, D_E), jnp.float32)
    # NodeEmbedding projections
    inp['W_user'] = jax.random.normal(ks[6], (D_C, H), jnp.float32) * 0.05
    inp['b_user'] = jnp.zeros((H,), jnp.float32)
    inp['W_item'] = jax.random.normal(ks[7], (D_P, H), jnp.float32) * 0.05
    inp['b_item'] = jnp.zeros((H,), jnp.float32)
    # per-etype ConvLayer params, stacked over the 2 hetero conv layers
    k = 8
    for et in ('c2p', 'p2c'):
        inp[f'W_msg_{et}'] = jax.random.normal(ks[k], (N_LAYERS, H + D_E, H), jnp.float32) * 0.05; k += 1
        inp[f'b_msg_{et}'] = jnp.zeros((N_LAYERS, H), jnp.float32)
        inp[f'W_self_{et}'] = jax.random.normal(ks[k], (N_LAYERS, H, H), jnp.float32) * 0.05; k += 1
        inp[f'b_self_{et}'] = jnp.zeros((N_LAYERS, H), jnp.float32)
        inp[f'W_neigh_{et}'] = jax.random.normal(ks[k], (N_LAYERS, H, H), jnp.float32) * 0.05; k += 1
        inp[f'b_neigh_{et}'] = jnp.zeros((N_LAYERS, H), jnp.float32)
    return inp


def _conv(h_src, h_dst, src, dst, efeat, n_dst, Wm, bm, Ws, bs, Wn, bn):
    # message: linear over [h_src || edge_feat]
    m = jnp.concatenate([jnp.take(h_src, src, axis=0), efeat], axis=-1) @ Wm + bm
    # mean aggregation over incoming edges (scatter-add + degree normalization)
    agg = jax.ops.segment_sum(m, dst, num_segments=n_dst)
    deg = jax.ops.segment_sum(jnp.ones((src.shape[0],), m.dtype), dst, num_segments=n_dst)
    agg = agg / jnp.clip(deg, 1.0, None)[:, None]
    out = jax.nn.relu(h_dst @ Ws + bs + agg @ Wn + bn)
    # norm=True -> L2 normalize node representations
    out = out / (jnp.linalg.norm(out, axis=-1, keepdims=True) + 1e-6)
    return out


def reference(h_customer, h_product, edge_index_c2p, edge_index_p2c,
              edge_feat_c2p, edge_feat_p2c,
              W_user, b_user, W_item, b_item,
              W_msg_c2p, b_msg_c2p, W_self_c2p, b_self_c2p, W_neigh_c2p, b_neigh_c2p,
              W_msg_p2c, b_msg_p2c, W_self_p2c, b_self_p2c, W_neigh_p2c, b_neigh_p2c):
    # embedding layer
    hc = h_customer @ W_user + b_user
    hp = h_product @ W_item + b_item
    src_cp, dst_cp = edge_index_c2p[0], edge_index_c2p[1]
    src_pc, dst_pc = edge_index_p2c[0], edge_index_p2c[1]
    for l in range(N_LAYERS):
        new_hp = _conv(hc, hp, src_cp, dst_cp, edge_feat_c2p, N_P,
                       W_msg_c2p[l], b_msg_c2p[l], W_self_c2p[l], b_self_c2p[l],
                       W_neigh_c2p[l], b_neigh_c2p[l])
        new_hc = _conv(hp, hc, src_pc, dst_pc, edge_feat_p2c, N_C,
                       W_msg_p2c[l], b_msg_p2c[l], W_self_p2c[l], b_self_p2c[l],
                       W_neigh_p2c[l], b_neigh_p2c[l])
        hc, hp = new_hc, new_hp
    return hc, hp

if __name__ == "__main__":
    import jax
    _d = setup_inputs()
    print(jax.jit(kernel)(*tuple(_d.values())))

</pallas_src>

<mosaic_0001>
#map = affine_map<(d0, d1) -> (0, 0, 0, 0, 0)>
#map1 = affine_map<(d0, d1) -> (0, 0)>
#map2 = affine_map<(d0, d1) -> (0, 0, 0)>
module attributes {stable_mosaic.version = 14 : i64} {
  func.func @_pre_body(%arg0: i32, %arg1: i32, %arg2: memref<2x16x125x1x1280xf32, #tpu.memory_space<hbm>>, %arg3: memref<2x16x125x1x80xi32, #tpu.memory_space<hbm>>, %arg4: memref<624x128xf32, #tpu.memory_space<hbm>>, %arg5: memref<80x128xf32, #tpu.memory_space<hbm>>, %arg6: memref<2x10000x128xf32, #tpu.memory_space<hbm>>, %arg7: memref<125x1x80xi32, #tpu.memory_space<vmem>>, %arg8: memref<1x1280xf32, #tpu.memory_space<vmem>>, %arg9: memref<1x1280xf32, #tpu.memory_space<vmem>>, %arg10: memref<80x128xf32, #tpu.memory_space<vmem>>, %arg11: memref<80x128xf32, #tpu.memory_space<vmem>>, %arg12: memref<10000x128xf32, #tpu.memory_space<vmem_shared>>, %arg13: memref<!tpu.dma_semaphore, #tpu.memory_space<semaphore_mem>>, %arg14: memref<!tpu.dma_semaphore, #tpu.memory_space<semaphore_mem>>, %arg15: memref<!tpu.dma_semaphore, #tpu.memory_space<semaphore_mem>>, %arg16: memref<!tpu.dma_semaphore, #tpu.memory_space<semaphore_mem>>) attributes {dimension_semantics = [#tpu.dimension_semantics<core_parallel>, #tpu.dimension_semantics<subcore_parallel>], iteration_bounds = array<i64: 2, 16>, scalar_prefetch = 0 : i64, scratch_operands = 10 : i64, tpu.core_type = #tpu.core_type<sc_vector_subcore>, window_params = [{transform_indices = #map}, {transform_indices = #map}, {transform_indices = #map1}, {transform_indices = #map1}, {transform_indices = #map2}]} {
    "tpu.region"() ({
      %run_scoped3A = tpu.sem_alloc : memref<!tpu.dma_semaphore, #tpu.memory_space<semaphore_mem>>
      %dma_start3A_98 = arith.constant 0 : i32
      %dma_start3A_99 = arith.constant 0 : i32
      %dma_start3A_100 = arith.constant 0 : i32
      %dma_start3A_101 = tpu.memref_slice %arg3[%arg0, %arg1, %dma_start3A_98, %dma_start3A_99, %dma_start3A_100] : memref<2x16x125x1x80xi32, #tpu.memory_space<hbm>> -> memref<1x1x125x1x80xi32, #tpu.memory_space<hbm>>
      %dma_start3A_102 = tpu.memref_squeeze %dma_start3A_101 : memref<1x1x125x1x80xi32, #tpu.memory_space<hbm>> -> memref<125x1x80xi32, #tpu.memory_space<hbm>>
      %dma_start3A_103 = arith.constant 0 : i32
      %dma_start3A_104 = arith.constant 0 : i32
      %dma_start3A_105 = arith.constant 0 : i32
      %dma_start3A_106 = tpu.memref_slice %arg3[%arg0, %arg1, %dma_start3A_103, %dma_start3A_104, %dma_start3A_105] : memref<2x16x125x1x80xi32, #tpu.memory_space<hbm>> -> memref<1x1x125x1x80xi32, #tpu.memory_space<hbm>>
      %dma_start3A_107 = tpu.memref_squeeze %dma_start3A_106 : memref<1x1x125x1x80xi32, #tpu.memory_space<hbm>> -> memref<125x1x80xi32, #tpu.memory_space<hbm>>
      tpu.enqueue_dma source(%dma_start3A_107 : memref<125x1x80xi32, #tpu.memory_space<hbm>>) target(%arg7 : memref<125x1x80xi32, #tpu.memory_space<vmem>>) target_semaphore(%run_scoped3A : memref<!tpu.dma_semaphore, #tpu.memory_space<semaphore_mem>>)
      %dma_wait3A_108 = arith.constant 0 : i32
      %dma_wait3A_109 = arith.constant 0 : i32
      %dma_wait3A_110 = arith.constant 0 : i32
      %dma_wait3A_111 = tpu.memref_slice %arg3[%arg0, %arg1, %dma_wait3A_108, %dma_wait3A_109, %dma_wait3A_110] : memref<2x16x125x1x80xi32, #tpu.memory_space<hbm>> -> memref<1x1x125x1x80xi32, #tpu.memory_space<hbm>>
      %dma_wait3A_112 = tpu.memref_squeeze %dma_wait3A_111 : memref<1x1x125x1x80xi32, #tpu.memory_space<hbm>> -> memref<125x1x80xi32, #tpu.memory_space<hbm>>
      %dma_wait3A_113 = arith.constant 0 : i32
      %dma_wait3A_114 = arith.constant 0 : i32
      %dma_wait3A_115 = arith.constant 0 : i32
      %dma_wait3A_116 = tpu.memref_slice %arg3[%arg0, %arg1, %dma_wait3A_113, %dma_wait3A_114, %dma_wait3A_115] : memref<2x16x125x1x80xi32, #tpu.memory_space<hbm>> -> memref<1x1x125x1x80xi32, #tpu.memory_space<hbm>>
      %dma_wait3A_117 = tpu.memref_squeeze %dma_wait3A_116 : memref<1x1x125x1x80xi32, #tpu.memory_space<hbm>> -> memref<125x1x80xi32, #tpu.memory_space<hbm>>
      tpu.wait_dma2 semaphore(%run_scoped3A : memref<!tpu.dma_semaphore, #tpu.memory_space<semaphore_mem>>) src(%dma_wait3A_117 : memref<125x1x80xi32, #tpu.memory_space<hbm>>) dst(%arg7 : memref<125x1x80xi32, #tpu.memory_space<vmem>>)
      tpu.yield
    }) : () -> ()
    %iota3A = tpu.iota {dimensions = array<i32: 0>} : vector<16xi32>
    %eq3A = arith.constant 0 : i32
    %eq3A_0 = vector.broadcast %eq3A : i32 to vector<16xi32>
    %eq3A_1 = arith.cmpi eq, %iota3A, %eq3A_0 : vector<16xi32>
    %jit3A = arith.constant 1.000000e+00 : f32
    %jit3A_2 = arith.constant 0.000000e+00 : f32
    %broadcast_in_dim3A = vector.broadcast %jit3A : f32 to vector<16xf32>
    %broadcast_in_dim3A_3 = vector.broadcast %jit3A_2 : f32 to vector<16xf32>
    %select_n3A = arith.select %eq3A_1, %broadcast_in_dim3A, %broadcast_in_dim3A_3 : vector<16xi1>, vector<16xf32>
    "tpu.region"() ({
      %run_scoped3A = tpu.sem_alloc : memref<!tpu.dma_semaphore, #tpu.memory_space<semaphore_mem>>
      tpu.enqueue_dma source(%arg5 : memref<80x128xf32, #tpu.memory_space<hbm>>) target(%arg10 : memref<80x128xf32, #tpu.memory_space<vmem>>) target_semaphore(%run_scoped3A : memref<!tpu.dma_semaphore, #tpu.memory_space<semaphore_mem>>)
      tpu.wait_dma2 semaphore(%run_scoped3A : memref<!tpu.dma_semaphore, #tpu.memory_space<semaphore_mem>>) src(%arg5 : memref<80x128xf32, #tpu.memory_space<hbm>>) dst(%arg10 : memref<80x128xf32, #tpu.memory_space<vmem>>)
      tpu.yield
    }) : () -> ()
    %scan3A = arith.constant 0 : i32
    %scan3A_4 = arith.constant 0 : i32
    %scan3A_5 = arith.constant 80 : i32
    %scan3A_6 = arith.addi %scan3A_4, %scan3A_5 : i32
    %scan3A_7 = arith.constant 1 : i32
    scf.for %scan3A_98 = %scan3A_4 to %scan3A_6 step %scan3A_7  : i32 {
      %swap3A = arith.index_cast %scan3A_98 : i32 to index
      %swap3A_99 = arith.constant 16 : index
      %swap3A_100 = tpu.vector_load %arg10[%swap3A, %swap3A_99] {strides = array<i32>} : memref<80x128xf32, #tpu.memory_space<vmem>>, vector<1x16xf32>,
      %swap3A_101 = vector.shape_cast %swap3A_100 : vector<1x16xf32> to vector<16xf32>
      %swap3A_102 = vector.shape_cast %select_n3A : vector<16xf32> to vector<1x16xf32>
      tpu.vector_store %arg10[%swap3A, %swap3A_99], %swap3A_102 {strides = array<i32>} : memref<80x128xf32, #tpu.memory_space<vmem>>, vector<1x16xf32>,
    }
    %scan3A_8 = arith.constant 80 : i32
    "tpu.region"() ({
      %run_scoped3A = tpu.sem_alloc : memref<!tpu.dma_semaphore, #tpu.memory_space<semaphore_mem>>
      tpu.enqueue_dma source(%arg5 : memref<80x128xf32, #tpu.memory_space<hbm>>) target(%arg11 : memref<80x128xf32, #tpu.memory_space<vmem>>) target_semaphore(%run_scoped3A : memref<!tpu.dma_semaphore, #tpu.memory_space<semaphore_mem>>)
      tpu.wait_dma2 semaphore(%run_scoped3A : memref<!tpu.dma_semaphore, #tpu.memory_space<semaphore_mem>>) src(%arg5 : memref<80x128xf32, #tpu.memory_space<hbm>>) dst(%arg11 : memref<80x128xf32, #tpu.memory_space<vmem>>)
      tpu.yield
    }) : () -> ()
    %scan3A_9 = arith.constant 0 : i32
    %scan3A_10 = arith.constant 0 : i32
    %scan3A_11 = arith.constant 80 : i32
    %scan3A_12 = arith.addi %scan3A_10, %scan3A_11 : i32
    %scan3A_13 = arith.constant 1 : i32
    scf.for %scan3A_98 = %scan3A_10 to %scan3A_12 step %scan3A_13  : i32 {
      %swap3A = arith.index_cast %scan3A_98 : i32 to index
      %swap3A_99 = arith.constant 16 : index
      %swap3A_100 = tpu.vector_load %arg11[%swap3A, %swap3A_99] {strides = array<i32>} : memref<80x128xf32, #tpu.memory_space<vmem>>, vector<1x16xf32>,
      %swap3A_101 = vector.shape_cast %swap3A_100 : vector<1x16xf32> to vector<16xf32>
      %swap3A_102 = vector.shape_cast %select_n3A : vector<16xf32> to vector<1x16xf32>
      tpu.vector_store %arg11[%swap3A, %swap3A_99], %swap3A_102 {strides = array<i32>} : memref<80x128xf32, #tpu.memory_space<vmem>>, vector<1x16xf32>,
    }
    %scan3A_14 = arith.constant 80 : i32
    %mul3A = arith.constant 624 : i32
    %mul3A_15 = arith.muli %arg1, %mul3A : i32
    "tpu.region"() ({
      %run_scoped3A = tpu.sem_alloc : memref<!tpu.dma_semaphore, #tpu.memory_space<semaphore_mem>>
      %dma_start3A_98 = arith.constant 0 : i32
      %dma_start3A_99 = tpu.memref_slice %arg12[%mul3A_15, %dma_start3A_98] : memref<10000x128xf32, #tpu.memory_space<vmem_shared>> -> memref<624x128xf32, #tpu.memory_space<vmem_shared>>
      %dma_start3A_100 = arith.constant 0 : i32
      %dma_start3A_101 = arith.constant 0 : i32
      %dma_start3A_102 = tpu.memref_slice %arg4[%dma_start3A_100, %dma_start3A_101] : memref<624x128xf32, #tpu.memory_space<hbm>> -> memref<624x128xf32, #tpu.memory_space<hbm>>
      tpu.enqueue_dma source(%dma_start3A_102 : memref<624x128xf32, #tpu.memory_space<hbm>>) target(%dma_start3A_99 : memref<624x128xf32, #tpu.memory_space<vmem_shared>>) target_semaphore(%run_scoped3A : memref<!tpu.dma_semaphore, #tpu.memory_space<semaphore_mem>>)
      %dma_wait3A_103 = arith.constant 0 : i32
      %dma_wait3A_104 = tpu.memref_slice %arg12[%mul3A_15, %dma_wait3A_103] : memref<10000x128xf32, #tpu.memory_space<vmem_shared>> -> memref<624x128xf32, #tpu.memory_space<vmem_shared>>
      %dma_wait3A_105 = arith.constant 0 : i32
      %dma_wait3A_106 = arith.constant 0 : i32
      %dma_wait3A_107 = tpu.memref_slice %arg4[%dma_wait3A_105, %dma_wait3A_106] : memref<624x128xf32, #tpu.memory_space<hbm>> -> memref<624x128xf32, #tpu.memory_space<hbm>>
      tpu.wait_dma2 semaphore(%run_scoped3A : memref<!tpu.dma_semaphore, #tpu.memory_space<semaphore_mem>>) src(%dma_wait3A_107 : memref<624x128xf32, #tpu.memory_space<hbm>>) dst(%dma_wait3A_104 : memref<624x128xf32, #tpu.memory_space<vmem_shared>>)
      tpu.yield
    }) : () -> ()
    %eq3A_16 = arith.constant 15 : i32
    %eq3A_17 = arith.cmpi eq, %arg1, %eq3A_16 : i32
    %convert_element_type3A = arith.extui %eq3A_17 : i1 to i32
    %cond3A = arith.constant 0 : i32
    %cond3A_18 = arith.cmpi ne, %convert_element_type3A, %cond3A : i32
    scf.if %cond3A_18 {
      "tpu.region"() ({
        %run_scoped3A = tpu.sem_alloc : memref<!tpu.dma_semaphore, #tpu.memory_space<semaphore_mem>>
        %dma_start3A_98 = arith.constant 9984 : i32
        %dma_start3A_99 = arith.constant 0 : i32
        %dma_start3A_100 = tpu.memref_slice %arg12[%dma_start3A_98, %dma_start3A_99] : memref<10000x128xf32, #tpu.memory_space<vmem_shared>> -> memref<16x128xf32, #tpu.memory_space<vmem_shared>>
        %dma_start3A_101 = arith.constant 0 : i32
        %dma_start3A_102 = arith.constant 0 : i32
        %dma_start3A_103 = tpu.memref_slice %arg4[%dma_start3A_101, %dma_start3A_102] : memref<624x128xf32, #tpu.memory_space<hbm>> -> memref<16x128xf32, #tpu.memory_space<hbm>>
        tpu.enqueue_dma source(%dma_start3A_103 : memref<16x128xf32, #tpu.memory_space<hbm>>) target(%dma_start3A_100 : memref<16x128xf32, #tpu.memory_space<vmem_shared>>) target_semaphore(%run_scoped3A : memref<!tpu.dma_semaphore, #tpu.memory_space<semaphore_mem>>)
        %dma_wait3A_104 = arith.constant 9984 : i32
        %dma_wait3A_105 = arith.constant 0 : i32
        %dma_wait3A_106 = tpu.memref_slice %arg12[%dma_wait3A_104, %dma_wait3A_105] : memref<10000x128xf32, #tpu.memory_space<vmem_shared>> -> memref<16x128xf32, #tpu.memory_space<vmem_shared>>
        %dma_wait3A_107 = arith.constant 0 : i32
        %dma_wait3A_108 = arith.constant 0 : i32
        %dma_wait3A_109 = tpu.memref_slice %arg4[%dma_wait3A_107, %dma_wait3A_108] : memref<624x128xf32, #tpu.memory_space<hbm>> -> memref<16x128xf32, #tpu.memory_space<hbm>>
        tpu.wait_dma2 semaphore(%run_scoped3A : memref<!tpu.dma_semaphore, #tpu.memory_space<semaphore_mem>>) src(%dma_wait3A_109 : memref<16x128xf32, #tpu.memory_space<hbm>>) dst(%dma_wait3A_106 : memref<16x128xf32, #tpu.memory_space<vmem_shared>>)
        tpu.yield
      }) : () -> ()
    } else {
    }
    %dma_start3A = arith.constant 0 : i32
    %dma_start3A_19 = arith.constant 0 : i32
    %dma_start3A_20 = arith.constant 0 : i32
    %dma_start3A_21 = tpu.memref_slice %arg2[%arg0, %arg1, %dma_start3A, %dma_start3A_19, %dma_start3A_20] : memref<2x16x125x1x1280xf32, #tpu.memory_space<hbm>> -> memref<1x1x1x1x1280xf32, #tpu.memory_space<hbm>>
    %dma_start3A_22 = tpu.memref_squeeze %dma_start3A_21 : memref<1x1x1x1x1280xf32, #tpu.memory_space<hbm>> -> memref<1x1280xf32, #tpu.memory_space<hbm>>
    %dma_start3A_23 = arith.constant 0 : i32
    %dma_start3A_24 = arith.constant 0 : i32
    %dma_start3A_25 = tpu.memref_slice %arg2[%arg0, %arg1, %dma_start3A, %dma_start3A_23, %dma_start3A_24] : memref<2x16x125x1x1280xf32, #tpu.memory_space<hbm>> -> memref<1x1x1x1x1280xf32, #tpu.memory_space<hbm>>
    %dma_start3A_26 = tpu.memref_squeeze %dma_start3A_25 : memref<1x1x1x1x1280xf32, #tpu.memory_space<hbm>> -> memref<1x1280xf32, #tpu.memory_space<hbm>>
    tpu.enqueue_dma source(%dma_start3A_26 : memref<1x1280xf32, #tpu.memory_space<hbm>>) target(%arg8 : memref<1x1280xf32, #tpu.memory_space<vmem>>) target_semaphore(%arg13 : memref<!tpu.dma_semaphore, #tpu.memory_space<semaphore_mem>>)
    %dma_start3A_27 = arith.constant 1 : i32
    %dma_start3A_28 = arith.constant 0 : i32
    %dma_start3A_29 = arith.constant 0 : i32
    %dma_start3A_30 = tpu.memref_slice %arg2[%arg0, %arg1, %dma_start3A_27, %dma_start3A_28, %dma_start3A_29] : memref<2x16x125x1x1280xf32, #tpu.memory_space<hbm>> -> memref<1x1x1x1x1280xf32, #tpu.memory_space<hbm>>
    %dma_start3A_31 = tpu.memref_squeeze %dma_start3A_30 : memref<1x1x1x1x1280xf32, #tpu.memory_space<hbm>> -> memref<1x1280xf32, #tpu.memory_space<hbm>>
    %dma_start3A_32 = arith.constant 0 : i32
    %dma_start3A_33 = arith.constant 0 : i32
    %dma_start3A_34 = tpu.memref_slice %arg2[%arg0, %arg1, %dma_start3A_27, %dma_start3A_32, %dma_start3A_33] : memref<2x16x125x1x1280xf32, #tpu.memory_space<hbm>> -> memref<1x1x1x1x1280xf32, #tpu.memory_space<hbm>>
    %dma_start3A_35 = tpu.memref_squeeze %dma_start3A_34 : memref<1x1x1x1x1280xf32, #tpu.memory_space<hbm>> -> memref<1x1280xf32, #tpu.memory_space<hbm>>
    tpu.enqueue_dma source(%dma_start3A_35 : memref<1x1280xf32, #tpu.memory_space<hbm>>) target(%arg9 : memref<1x1280xf32, #tpu.memory_space<vmem>>) target_semaphore(%arg14 : memref<!tpu.dma_semaphore, #tpu.memory_space<semaphore_mem>>)
    %barrier3A = arith.constant 0 : index
    tpu.barrier barrier_id(%barrier3A)
    %scan3A_36 = arith.constant 0 : i32
    %scan3A_37 = arith.constant 0 : i32
    %scan3A_38 = arith.constant 62 : i32
    %scan3A_39 = arith.addi %scan3A_37, %scan3A_38 : i32
    %scan3A_40 = arith.constant 1 : i32
    scf.for %scan3A_98 = %scan3A_37 to %scan3A_39 step %scan3A_40  : i32 {
      %mul3A_99 = arith.constant 2 : i32
      %mul3A_100 = arith.muli %scan3A_98, %mul3A_99 : i32
      %gt3A = arith.constant 0 : i32
      %gt3A_101 = arith.cmpi sgt, %scan3A_98, %gt3A : i32
      %convert_element_type3A_102 = arith.extui %gt3A_101 : i1 to i32
      %cond3A_103 = arith.constant 0 : i32
      %cond3A_104 = arith.cmpi ne, %convert_element_type3A_102, %cond3A_103 : i32
      scf.if %cond3A_104 {
        %add3A_176 = arith.constant 0 : i32
        %add3A_177 = arith.addi %mul3A_100, %add3A_176 : i32
        %sub3A = arith.constant 2 : i32
        %sub3A_178 = arith.subi %add3A_177, %sub3A : i32
        %dma_wait3A_179 = arith.constant 0 : i32
        %dma_wait3A_180 = arith.constant 0 : i32
        %dma_wait3A_181 = tpu.memref_slice %arg7[%sub3A_178, %dma_wait3A_179, %dma_wait3A_180] : memref<125x1x80xi32, #tpu.memory_space<vmem>> -> memref<1x1x80xi32, #tpu.memory_space<vmem>>
        %dma_wait3A_182 = tpu.memref_squeeze %dma_wait3A_181 : memref<1x1x80xi32, #tpu.memory_space<vmem>> -> memref<80xi32, #tpu.memory_space<vmem>>
        %dma_wait3A_183 = arith.constant 0 : i32
        %dma_wait3A_184 = arith.constant 0 : i32
        %dma_wait3A_185 = tpu.memref_slice %arg12[%dma_wait3A_183, %dma_wait3A_184] : memref<10000x128xf32, #tpu.memory_space<vmem_shared>> -> memref<10000x128xf32, #tpu.memory_space<vmem_shared>>
        tpu.wait_indirect_dma semaphore(%arg15 : memref<!tpu.dma_semaphore, #tpu.memory_space<semaphore_mem>>) src(%arg10 : memref<80x128xf32, #tpu.memory_space<vmem>>) dst(%dma_wait3A_185 : memref<10000x128xf32, #tpu.memory_space<vmem_shared>>)
      } else {
      }
      %add3A = arith.constant 0 : i32
      %add3A_105 = arith.addi %mul3A_100, %add3A : i32
      %dma_wait3A_106 = arith.constant 0 : i32
      %dma_wait3A_107 = arith.constant 0 : i32
      %dma_wait3A_108 = tpu.memref_slice %arg2[%arg0, %arg1, %add3A_105, %dma_wait3A_106, %dma_wait3A_107] : memref<2x16x125x1x1280xf32, #tpu.memory_space<hbm>> -> memref<1x1x1x1x1280xf32, #tpu.memory_space<hbm>>
      %dma_wait3A_109 = tpu.memref_squeeze %dma_wait3A_108 : memref<1x1x1x1x1280xf32, #tpu.memory_space<hbm>> -> memref<1x1280xf32, #tpu.memory_space<hbm>>
      %dma_wait3A_110 = arith.constant 0 : i32
      %dma_wait3A_111 = arith.constant 0 : i32
      %dma_wait3A_112 = tpu.memref_slice %arg2[%arg0, %arg1, %add3A_105, %dma_wait3A_110, %dma_wait3A_111] : memref<2x16x125x1x1280xf32, #tpu.memory_space<hbm>> -> memref<1x1x1x1x1280xf32, #tpu.memory_space<hbm>>
      %dma_wait3A_113 = tpu.memref_squeeze %dma_wait3A_112 : memref<1x1x1x1x1280xf32, #tpu.memory_space<hbm>> -> memref<1x1280xf32, #tpu.memory_space<hbm>>
      tpu.wait_dma2 semaphore(%arg13 : memref<!tpu.dma_semaphore, #tpu.memory_space<semaphore_mem>>) src(%dma_wait3A_113 : memref<1x1280xf32, #tpu.memory_space<hbm>>) dst(%arg8 : memref<1x1280xf32, #tpu.memory_space<vmem>>)
      %scan3A_114 = arith.constant 0 : i32
      %scan3A_115 = arith.constant 0 : i32
      %scan3A_116 = arith.constant 80 : i32
      %scan3A_117 = arith.addi %scan3A_115, %scan3A_116 : i32
      %scan3A_118 = arith.constant 1 : i32
      scf.for %scan3A_176 = %scan3A_115 to %scan3A_117 step %scan3A_118  : i32 {
        %mul3A_177 = arith.constant 16 : i32
        %mul3A_178 = arith.muli %scan3A_176, %mul3A_177 : i32
        %get3A = arith.constant 0 : i32
        %get3A_179 = arith.index_cast %get3A : i32 to index
        %get3A_180 = arith.index_cast %mul3A_178 : i32 to index
        %get3A_181 = tpu.vector_load %arg8[%get3A_179, %get3A_180] {strides = array<i32>} : memref<1x1280xf32, #tpu.memory_space<vmem>>, vector<1x16xf32>,
        %get3A_182 = vector.shape_cast %get3A_181 : vector<1x16xf32> to vector<16xf32>
        %swap3A = arith.index_cast %scan3A_176 : i32 to index
        %swap3A_183 = arith.constant 0 : index
        %swap3A_184 = tpu.vector_load %arg10[%swap3A, %swap3A_183] {strides = array<i32>} : memref<80x128xf32, #tpu.memory_space<vmem>>, vector<1x16xf32>,
        %swap3A_185 = vector.shape_cast %swap3A_184 : vector<1x16xf32> to vector<16xf32>
        %swap3A_186 = vector.shape_cast %get3A_182 : vector<16xf32> to vector<1x16xf32>
        tpu.vector_store %arg10[%swap3A, %swap3A_183], %swap3A_186 {strides = array<i32>} : memref<80x128xf32, #tpu.memory_space<vmem>>, vector<1x16xf32>,
      }
      %scan3A_119 = arith.constant 80 : i32
      %add3A_120 = arith.constant 0 : i32
      %add3A_121 = arith.addi %mul3A_100, %add3A_120 : i32
      %add3A_122 = arith.constant 2 : i32
      %add3A_123 = arith.addi %add3A_121, %add3A_122 : i32
      %lt3A = arith.constant 125 : i32
      %lt3A_124 = arith.cmpi slt, %add3A_123, %lt3A : i32
      %convert_element_type3A_125 = arith.extui %lt3A_124 : i1 to i32
      %cond3A_126 = arith.constant 0 : i32
      %cond3A_127 = arith.cmpi ne, %convert_element_type3A_125, %cond3A_126 : i32
      scf.if %cond3A_127 {
        %add3A_176 = arith.constant 0 : i32
        %add3A_177 = arith.addi %mul3A_100, %add3A_176 : i32
        %add3A_178 = arith.constant 2 : i32
        %add3A_179 = arith.addi %add3A_177, %add3A_178 : i32
        %dma_start3A_180 = arith.constant 0 : i32
        %dma_start3A_181 = arith.constant 0 : i32
        %dma_start3A_182 = tpu.memref_slice %arg2[%arg0, %arg1, %add3A_179, %dma_start3A_180, %dma_start3A_181] : memref<2x16x125x1x1280xf32, #tpu.memory_space<hbm>> -> memref<1x1x1x1x1280xf32, #tpu.memory_space<hbm>>
        %dma_start3A_183 = tpu.memref_squeeze %dma_start3A_182 : memref<1x1x1x1x1280xf32, #tpu.memory_space<hbm>> -> memref<1x1280xf32, #tpu.memory_space<hbm>>
        %dma_start3A_184 = arith.constant 0 : i32
        %dma_start3A_185 = arith.constant 0 : i32
        %dma_start3A_186 = tpu.memref_slice %arg2[%arg0, %arg1, %add3A_179, %dma_start3A_184, %dma_start3A_185] : memref<2x16x125x1x1280xf32, #tpu.memory_space<hbm>> -> memref<1x1x1x1x1280xf32, #tpu.memory_space<hbm>>
        %dma_start3A_187 = tpu.memref_squeeze %dma_start3A_186 : memref<1x1x1x1x1280xf32, #tpu.memory_space<hbm>> -> memref<1x1280xf32, #tpu.memory_space<hbm>>
        tpu.enqueue_dma source(%dma_start3A_187 : memref<1x1280xf32, #tpu.memory_space<hbm>>) target(%arg8 : memref<1x1280xf32, #tpu.memory_space<vmem>>) target_semaphore(%arg13 : memref<!tpu.dma_semaphore, #tpu.memory_space<semaphore_mem>>)
      } else {
      }
      %add3A_128 = arith.constant 0 : i32
      %add3A_129 = arith.addi %mul3A_100, %add3A_128 : i32
      %dma_start3A_130 = arith.constant 0 : i32
      %dma_start3A_131 = arith.constant 0 : i32
      %dma_start3A_132 = tpu.memref_slice %arg7[%add3A_129, %dma_start3A_130, %dma_start3A_131] : memref<125x1x80xi32, #tpu.memory_space<vmem>> -> memref<1x1x80xi32, #tpu.memory_space<vmem>>
      %dma_start3A_133 = tpu.memref_squeeze %dma_start3A_132 : memref<1x1x80xi32, #tpu.memory_space<vmem>> -> memref<80xi32, #tpu.memory_space<vmem>>
      %dma_start3A_134 = arith.constant 0 : i32
      %dma_start3A_135 = arith.constant 0 : i32
      %dma_start3A_136 = tpu.memref_slice %arg12[%dma_start3A_134, %dma_start3A_135] : memref<10000x128xf32, #tpu.memory_space<vmem_shared>> -> memref<10000x128xf32, #tpu.memory_space<vmem_shared>>
      tpu.enqueue_indirect_dma source(%arg10 : memref<80x128xf32, #tpu.memory_space<vmem>>) target(%dma_start3A_136 : memref<10000x128xf32, #tpu.memory_space<vmem_shared>>) offsets(%dma_start3A_133 : memref<80xi32, #tpu.memory_space<vmem>>) semaphore(%arg15 : memref<!tpu.dma_semaphore, #tpu.memory_space<semaphore_mem>>) {add = true}
      %gt3A_137 = arith.constant 0 : i32
      %gt3A_138 = arith.cmpi sgt, %scan3A_98, %gt3A_137 : i32
      %convert_element_type3A_139 = arith.extui %gt3A_138 : i1 to i32
      %cond3A_140 = arith.constant 0 : i32
      %cond3A_141 = arith.cmpi ne, %convert_element_type3A_139, %cond3A_140 : i32
      scf.if %cond3A_141 {
        %add3A_176 = arith.constant 1 : i32
        %add3A_177 = arith.addi %mul3A_100, %add3A_176 : i32
        %sub3A = arith.constant 2 : i32
        %sub3A_178 = arith.subi %add3A_177, %sub3A : i32
        %dma_wait3A_179 = arith.constant 0 : i32
        %dma_wait3A_180 = arith.constant 0 : i32
        %dma_wait3A_181 = tpu.memref_slice %arg7[%sub3A_178, %dma_wait3A_179, %dma_wait3A_180] : memref<125x1x80xi32, #tpu.memory_space<vmem>> -> memref<1x1x80xi32, #tpu.memory_space<vmem>>
        %dma_wait3A_182 = tpu.memref_squeeze %dma_wait3A_181 : memref<1x1x80xi32, #tpu.memory_space<vmem>> -> memref<80xi32, #tpu.memory_space<vmem>>
        %dma_wait3A_183 = arith.constant 0 : i32
        %dma_wait3A_184 = arith.constant 0 : i32
        %dma_wait3A_185 = tpu.memref_slice %arg12[%dma_wait3A_183, %dma_wait3A_184] : memref<10000x128xf32, #tpu.memory_space<vmem_shared>> -> memref<10000x128xf32, #tpu.memory_space<vmem_shared>>
        tpu.wait_indirect_dma semaphore(%arg16 : memref<!tpu.dma_semaphore, #tpu.memory_space<semaphore_mem>>) src(%arg11 : memref<80x128xf32, #tpu.memory_space<vmem>>) dst(%dma_wait3A_185 : memref<10000x128xf32, #tpu.memory_space<vmem_shared>>)
      } else {
      }
      %add3A_142 = arith.constant 1 : i32
      %add3A_143 = arith.addi %mul3A_100, %add3A_142 : i32
      %dma_wait3A_144 = arith.constant 0 : i32
      %dma_wait3A_145 = arith.constant 0 : i32
      %dma_wait3A_146 = tpu.memref_slice %arg2[%arg0, %arg1, %add3A_143, %dma_wait3A_144, %dma_wait3A_145] : memref<2x16x125x1x1280xf32, #tpu.memory_space<hbm>> -> memref<1x1x1x1x1280xf32, #tpu.memory_space<hbm>>
      %dma_wait3A_147 = tpu.memref_squeeze %dma_wait3A_146 : memref<1x1x1x1x1280xf32, #tpu.memory_space<hbm>> -> memref<1x1280xf32, #tpu.memory_space<hbm>>
      %dma_wait3A_148 = arith.constant 0 : i32
      %dma_wait3A_149 = arith.constant 0 : i32
      %dma_wait3A_150 = tpu.memref_slice %arg2[%arg0, %arg1, %add3A_143, %dma_wait3A_148, %dma_wait3A_149] : memref<2x16x125x1x1280xf32, #tpu.memory_space<hbm>> -> memref<1x1x1x1x1280xf32, #tpu.memory_space<hbm>>
      %dma_wait3A_151 = tpu.memref_squeeze %dma_wait3A_150 : memref<1x1x1x1x1280xf32, #tpu.memory_space<hbm>> -> memref<1x1280xf32, #tpu.memory_space<hbm>>
      tpu.wait_dma2 semaphore(%arg14 : memref<!tpu.dma_semaphore, #tpu.memory_space<semaphore_mem>>) src(%dma_wait3A_151 : memref<1x1280xf32, #tpu.memory_space<hbm>>) dst(%arg9 : memref<1x1280xf32, #tpu.memory_space<vmem>>)
      %scan3A_152 = arith.constant 0 : i32
      %scan3A_153 = arith.constant 0 : i32
      %scan3A_154 = arith.constant 80 : i32
      %scan3A_155 = arith.addi %scan3A_153, %scan3A_154 : i32
      %scan3A_156 = arith.constant 1 : i32
      scf.for %scan3A_176 = %scan3A_153 to %scan3A_155 step %scan3A_156  : i32 {
        %mul3A_177 = arith.constant 16 : i32
        %mul3A_178 = arith.muli %scan3A_176, %mul3A_177 : i32
        %get3A = arith.constant 0 : i32
        %get3A_179 = arith.index_cast %get3A : i32 to index
        %get3A_180 = arith.index_cast %mul3A_178 : i32 to index
        %get3A_181 = tpu.vector_load %arg9[%get3A_179, %get3A_180] {strides = array<i32>} : memref<1x1280xf32, #tpu.memory_space<vmem>>, vector<1x16xf32>,
        %get3A_182 = vector.shape_cast %get3A_181 : vector<1x16xf32> to vector<16xf32>
        %swap3A = arith.index_cast %scan3A_176 : i32 to index
        %swap3A_183 = arith.constant 0 : index
        %swap3A_184 = tpu.vector_load %arg11[%swap3A, %swap3A_183] {strides = array<i32>} : memref<80x128xf32, #tpu.memory_space<vmem>>, vector<1x16xf32>,
        %swap3A_185 = vector.shape_cast %swap3A_184 : vector<1x16xf32> to vector<16xf32>
        %swap3A_186 = vector.shape_cast %get3A_182 : vector<16xf32> to vector<1x16xf32>
        tpu.vector_store %arg11[%swap3A, %swap3A_183], %swap3A_186 {strides = array<i32>} : memref<80x128xf32, #tpu.memory_space<vmem>>, vector<1x16xf32>,
      }
      %scan3A_157 = arith.constant 80 : i32
      %add3A_158 = arith.constant 1 : i32
      %add3A_159 = arith.addi %mul3A_100, %add3A_158 : i32
      %add3A_160 = arith.constant 2 : i32
      %add3A_161 = arith.addi %add3A_159, %add3A_160 : i32
      %lt3A_162 = arith.constant 125 : i32
      %lt3A_163 = arith.cmpi slt, %add3A_161, %lt3A_162 : i32
      %convert_element_type3A_164 = arith.extui %lt3A_163 : i1 to i32
      %cond3A_165 = arith.constant 0 : i32
      %cond3A_166 = arith.cmpi ne, %convert_element_type3A_164, %cond3A_165 : i32
      scf.if %cond3A_166 {
        %add3A_176 = arith.constant 1 : i32
        %add3A_177 = arith.addi %mul3A_100, %add3A_176 : i32
        %add3A_178 = arith.constant 2 : i32
        %add3A_179 = arith.addi %add3A_177, %add3A_178 : i32
        %dma_start3A_180 = arith.constant 0 : i32
        %dma_start3A_181 = arith.constant 0 : i32
        %dma_start3A_182 = tpu.memref_slice %arg2[%arg0, %arg1, %add3A_179, %dma_start3A_180, %dma_start3A_181] : memref<2x16x125x1x1280xf32, #tpu.memory_space<hbm>> -> memref<1x1x1x1x1280xf32, #tpu.memory_space<hbm>>
        %dma_start3A_183 = tpu.memref_squeeze %dma_start3A_182 : memref<1x1x1x1x1280xf32, #tpu.memory_space<hbm>> -> memref<1x1280xf32, #tpu.memory_space<hbm>>
        %dma_start3A_184 = arith.constant 0 : i32
        %dma_start3A_185 = arith.constant 0 : i32
        %dma_start3A_186 = tpu.memref_slice %arg2[%arg0, %arg1, %add3A_179, %dma_start3A_184, %dma_start3A_185] : memref<2x16x125x1x1280xf32, #tpu.memory_space<hbm>> -> memref<1x1x1x1x1280xf32, #tpu.memory_space<hbm>>
        %dma_start3A_187 = tpu.memref_squeeze %dma_start3A_186 : memref<1x1x1x1x1280xf32, #tpu.memory_space<hbm>> -> memref<1x1280xf32, #tpu.memory_space<hbm>>
        tpu.enqueue_dma source(%dma_start3A_187 : memref<1x1280xf32, #tpu.memory_space<hbm>>) target(%arg9 : memref<1x1280xf32, #tpu.memory_space<vmem>>) target_semaphore(%arg14 : memref<!tpu.dma_semaphore, #tpu.memory_space<semaphore_mem>>)
      } else {
      }
      %add3A_167 = arith.constant 1 : i32
      %add3A_168 = arith.addi %mul3A_100, %add3A_167 : i32
      %dma_start3A_169 = arith.constant 0 : i32
      %dma_start3A_170 = arith.constant 0 : i32
      %dma_start3A_171 = tpu.memref_slice %arg7[%add3A_168, %dma_start3A_169, %dma_start3A_170] : memref<125x1x80xi32, #tpu.memory_space<vmem>> -> memref<1x1x80xi32, #tpu.memory_space<vmem>>
      %dma_start3A_172 = tpu.memref_squeeze %dma_start3A_171 : memref<1x1x80xi32, #tpu.memory_space<vmem>> -> memref<80xi32, #tpu.memory_space<vmem>>
      %dma_start3A_173 = arith.constant 0 : i32
      %dma_start3A_174 = arith.constant 0 : i32
      %dma_start3A_175 = tpu.memref_slice %arg12[%dma_start3A_173, %dma_start3A_174] : memref<10000x128xf32, #tpu.memory_space<vmem_shared>> -> memref<10000x128xf32, #tpu.memory_space<vmem_shared>>
      tpu.enqueue_indirect_dma source(%arg11 : memref<80x128xf32, #tpu.memory_space<vmem>>) target(%dma_start3A_175 : memref<10000x128xf32, #tpu.memory_space<vmem_shared>>) offsets(%dma_start3A_172 : memref<80xi32, #tpu.memory_space<vmem>>) semaphore(%arg16 : memref<!tpu.dma_semaphore, #tpu.memory_space<semaphore_mem>>) {add = true}
    }
    %scan3A_41 = arith.constant 62 : i32
    %dma_wait3A = arith.constant 122 : i32
    %dma_wait3A_42 = arith.constant 0 : i32
    %dma_wait3A_43 = arith.constant 0 : i32
    %dma_wait3A_44 = tpu.memref_slice %arg7[%dma_wait3A, %dma_wait3A_42, %dma_wait3A_43] : memref<125x1x80xi32, #tpu.memory_space<vmem>> -> memref<1x1x80xi32, #tpu.memory_space<vmem>>
    %dma_wait3A_45 = tpu.memref_squeeze %dma_wait3A_44 : memref<1x1x80xi32, #tpu.memory_space<vmem>> -> memref<80xi32, #tpu.memory_space<vmem>>
    %dma_wait3A_46 = arith.constant 0 : i32
    %dma_wait3A_47 = arith.constant 0 : i32
    %dma_wait3A_48 = tpu.memref_slice %arg12[%dma_wait3A_46, %dma_wait3A_47] : memref<10000x128xf32, #tpu.memory_space<vmem_shared>> -> memref<10000x128xf32, #tpu.memory_space<vmem_shared>>
    tpu.wait_indirect_dma semaphore(%arg15 : memref<!tpu.dma_semaphore, #tpu.memory_space<semaphore_mem>>) src(%arg10 : memref<80x128xf32, #tpu.memory_space<vmem>>) dst(%dma_wait3A_48 : memref<10000x128xf32, #tpu.memory_space<vmem_shared>>)
    %dma_wait3A_49 = arith.constant 124 : i32
    %dma_wait3A_50 = arith.constant 0 : i32
    %dma_wait3A_51 = arith.constant 0 : i32
    %dma_wait3A_52 = tpu.memref_slice %arg2[%arg0, %arg1, %dma_wait3A_49, %dma_wait3A_50, %dma_wait3A_51] : memref<2x16x125x1x1280xf32, #tpu.memory_space<hbm>> -> memref<1x1x1x1x1280xf32, #tpu.memory_space<hbm>>
    %dma_wait3A_53 = tpu.memref_squeeze %dma_wait3A_52 : memref<1x1x1x1x1280xf32, #tpu.memory_space<hbm>> -> memref<1x1280xf32, #tpu.memory_space<hbm>>
    %dma_wait3A_54 = arith.constant 0 : i32
    %dma_wait3A_55 = arith.constant 0 : i32
    %dma_wait3A_56 = tpu.memref_slice %arg2[%arg0, %arg1, %dma_wait3A_49, %dma_wait3A_54, %dma_wait3A_55] : memref<2x16x125x1x1280xf32, #tpu.memory_space<hbm>> -> memref<1x1x1x1x1280xf32, #tpu.memory_space<hbm>>
    %dma_wait3A_57 = tpu.memref_squeeze %dma_wait3A_56 : memref<1x1x1x1x1280xf32, #tpu.memory_space<hbm>> -> memref<1x1280xf32, #tpu.memory_space<hbm>>
    tpu.wait_dma2 semaphore(%arg13 : memref<!tpu.dma_semaphore, #tpu.memory_space<semaphore_mem>>) src(%dma_wait3A_57 : memref<1x1280xf32, #tpu.memory_space<hbm>>) dst(%arg8 : memref<1x1280xf32, #tpu.memory_space<vmem>>)
    %scan3A_58 = arith.constant 0 : i32
    %scan3A_59 = arith.constant 0 : i32
    %scan3A_60 = arith.constant 80 : i32
    %scan3A_61 = arith.addi %scan3A_59, %scan3A_60 : i32
    %scan3A_62 = arith.constant 1 : i32
    scf.for %scan3A_98 = %scan3A_59 to %scan3A_61 step %scan3A_62  : i32 {
      %mul3A_99 = arith.constant 16 : i32
      %mul3A_100 = arith.muli %scan3A_98, %mul3A_99 : i32
      %get3A = arith.constant 0 : i32
      %get3A_101 = arith.index_cast %get3A : i32 to index
      %get3A_102 = arith.index_cast %mul3A_100 : i32 to index
      %get3A_103 = tpu.vector_load %arg8[%get3A_101, %get3A_102] {strides = array<i32>} : memref<1x1280xf32, #tpu.memory_space<vmem>>, vector<1x16xf32>,
      %get3A_104 = vector.shape_cast %get3A_103 : vector<1x16xf32> to vector<16xf32>
      %swap3A = arith.index_cast %scan3A_98 : i32 to index
      %swap3A_105 = arith.constant 0 : index
      %swap3A_106 = tpu.vector_load %arg10[%swap3A, %swap3A_105] {strides = array<i32>} : memref<80x128xf32, #tpu.memory_space<vmem>>, vector<1x16xf32>,
      %swap3A_107 = vector.shape_cast %swap3A_106 : vector<1x16xf32> to vector<16xf32>
      %swap3A_108 = vector.shape_cast %get3A_104 : vector<16xf32> to vector<1x16xf32>
      tpu.vector_store %arg10[%swap3A, %swap3A_105], %swap3A_108 {strides = array<i32>} : memref<80x128xf32, #tpu.memory_space<vmem>>, vector<1x16xf32>,
    }
    %scan3A_63 = arith.constant 80 : i32
    %dma_start3A_64 = arith.constant 124 : i32
    %dma_start3A_65 = arith.constant 0 : i32
    %dma_start3A_66 = arith.constant 0 : i32
    %dma_start3A_67 = tpu.memref_slice %arg7[%dma_start3A_64, %dma_start3A_65, %dma_start3A_66] : memref<125x1x80xi32, #tpu.memory_space<vmem>> -> memref<1x1x80xi32, #tpu.memory_space<vmem>>
    %dma_start3A_68 = tpu.memref_squeeze %dma_start3A_67 : memref<1x1x80xi32, #tpu.memory_space<vmem>> -> memref<80xi32, #tpu.memory_space<vmem>>
    %dma_start3A_69 = arith.constant 0 : i32
    %dma_start3A_70 = arith.constant 0 : i32
    %dma_start3A_71 = tpu.memref_slice %arg12[%dma_start3A_69, %dma_start3A_70] : memref<10000x128xf32, #tpu.memory_space<vmem_shared>> -> memref<10000x128xf32, #tpu.memory_space<vmem_shared>>
    tpu.enqueue_indirect_dma source(%arg10 : memref<80x128xf32, #tpu.memory_space<vmem>>) target(%dma_start3A_71 : memref<10000x128xf32, #tpu.memory_space<vmem_shared>>) offsets(%dma_start3A_68 : memref<80xi32, #tpu.memory_space<vmem>>) semaphore(%arg15 : memref<!tpu.dma_semaphore, #tpu.memory_space<semaphore_mem>>) {add = true}
    %dma_wait3A_72 = arith.constant 124 : i32
    %dma_wait3A_73 = arith.constant 0 : i32
    %dma_wait3A_74 = arith.constant 0 : i32
    %dma_wait3A_75 = tpu.memref_slice %arg7[%dma_wait3A_72, %dma_wait3A_73, %dma_wait3A_74] : memref<125x1x80xi32, #tpu.memory_space<vmem>> -> memref<1x1x80xi32, #tpu.memory_space<vmem>>
    %dma_wait3A_76 = tpu.memref_squeeze %dma_wait3A_75 : memref<1x1x80xi32, #tpu.memory_space<vmem>> -> memref<80xi32, #tpu.memory_space<vmem>>
    %dma_wait3A_77 = arith.constant 0 : i32
    %dma_wait3A_78 = arith.constant 0 : i32
    %dma_wait3A_79 = tpu.memref_slice %arg12[%dma_wait3A_77, %dma_wait3A_78] : memref<10000x128xf32, #tpu.memory_space<vmem_shared>> -> memref<10000x128xf32, #tpu.memory_space<vmem_shared>>
    tpu.wait_indirect_dma semaphore(%arg15 : memref<!tpu.dma_semaphore, #tpu.memory_space<semaphore_mem>>) src(%arg10 : memref<80x128xf32, #tpu.memory_space<vmem>>) dst(%dma_wait3A_79 : memref<10000x128xf32, #tpu.memory_space<vmem_shared>>)
    %dma_wait3A_80 = arith.constant 123 : i32
    %dma_wait3A_81 = arith.constant 0 : i32
    %dma_wait3A_82 = arith.constant 0 : i32
    %dma_wait3A_83 = tpu.memref_slice %arg7[%dma_wait3A_80, %dma_wait3A_81, %dma_wait3A_82] : memref<125x1x80xi32, #tpu.memory_space<vmem>> -> memref<1x1x80xi32, #tpu.memory_space<vmem>>
    %dma_wait3A_84 = tpu.memref_squeeze %dma_wait3A_83 : memref<1x1x80xi32, #tpu.memory_space<vmem>> -> memref<80xi32, #tpu.memory_space<vmem>>
    %dma_wait3A_85 = arith.constant 0 : i32
    %dma_wait3A_86 = arith.constant 0 : i32
    %dma_wait3A_87 = tpu.memref_slice %arg12[%dma_wait3A_85, %dma_wait3A_86] : memref<10000x128xf32, #tpu.memory_space<vmem_shared>> -> memref<10000x128xf32, #tpu.memory_space<vmem_shared>>
    tpu.wait_indirect_dma semaphore(%arg16 : memref<!tpu.dma_semaphore, #tpu.memory_space<semaphore_mem>>) src(%arg11 : memref<80x128xf32, #tpu.memory_space<vmem>>) dst(%dma_wait3A_87 : memref<10000x128xf32, #tpu.memory_space<vmem_shared>>)
    %barrier3A_88 = arith.constant 0 : index
    tpu.barrier barrier_id(%barrier3A_88)
    %mul3A_89 = arith.constant 624 : i32
    %mul3A_90 = arith.muli %arg1, %mul3A_89 : i32
    %mul3A_91 = arith.constant 624 : i32
    %mul3A_92 = arith.muli %arg1, %mul3A_91 : i32
    "tpu.region"() ({
      %run_scoped3A = tpu.sem_alloc : memref<!tpu.dma_semaphore, #tpu.memory_space<semaphore_mem>>
      %dma_start3A_98 = arith.constant 0 : i32
      %dma_start3A_99 = tpu.memref_slice %arg6[%arg0, %mul3A_92, %dma_start3A_98] : memref<2x10000x128xf32, #tpu.memory_space<hbm>> -> memref<1x624x128xf32, #tpu.memory_space<hbm>>
      %dma_start3A_100 = tpu.memref_squeeze %dma_start3A_99 : memref<1x624x128xf32, #tpu.memory_space<hbm>> -> memref<624x128xf32, #tpu.memory_space<hbm>>
      %dma_start3A_101 = arith.constant 0 : i32
      %dma_start3A_102 = tpu.memref_slice %arg12[%mul3A_90, %dma_start3A_101] : memref<10000x128xf32, #tpu.memory_space<vmem_shared>> -> memref<624x128xf32, #tpu.memory_space<vmem_shared>>
      tpu.enqueue_dma source(%dma_start3A_102 : memref<624x128xf32, #tpu.memory_space<vmem_shared>>) target(%dma_start3A_100 : memref<624x128xf32, #tpu.memory_space<hbm>>) target_semaphore(%run_scoped3A : memref<!tpu.dma_semaphore, #tpu.memory_space<semaphore_mem>>)
      %dma_wait3A_103 = arith.constant 0 : i32
      %dma_wait3A_104 = tpu.memref_slice %arg6[%arg0, %mul3A_92, %dma_wait3A_103] : memref<2x10000x128xf32, #tpu.memory_space<hbm>> -> memref<1x624x128xf32, #tpu.memory_space<hbm>>
      %dma_wait3A_105 = tpu.memref_squeeze %dma_wait3A_104 : memref<1x624x128xf32, #tpu.memory_space<hbm>> -> memref<624x128xf32, #tpu.memory_space<hbm>>
      %dma_wait3A_106 = arith.constant 0 : i32
      %dma_wait3A_107 = tpu.memref_slice %arg12[%mul3A_90, %dma_wait3A_106] : memref<10000x128xf32, #tpu.memory_space<vmem_shared>> -> memref<624x128xf32, #tpu.memory_space<vmem_shared>>
      tpu.wait_dma2 semaphore(%run_scoped3A : memref<!tpu.dma_semaphore, #tpu.memory_space<semaphore_mem>>) src(%dma_wait3A_107 : memref<624x128xf32, #tpu.memory_space<vmem_shared>>) dst(%dma_wait3A_105 : memref<624x128xf32, #tpu.memory_space<hbm>>)
      tpu.yield
    }) : () -> ()
    %eq3A_93 = arith.constant 15 : i32
    %eq3A_94 = arith.cmpi eq, %arg1, %eq3A_93 : i32
    %convert_element_type3A_95 = arith.extui %eq3A_94 : i1 to i32
    %cond3A_96 = arith.constant 0 : i32
    %cond3A_97 = arith.cmpi ne, %convert_element_type3A_95, %cond3A_96 : i32
    scf.if %cond3A_97 {
      "tpu.region"() ({
        %run_scoped3A = tpu.sem_alloc : memref<!tpu.dma_semaphore, #tpu.memory_space<semaphore_mem>>
        %dma_start3A_98 = arith.constant 9984 : i32
        %dma_start3A_99 = arith.constant 0 : i32
        %dma_start3A_100 = tpu.memref_slice %arg6[%arg0, %dma_start3A_98, %dma_start3A_99] : memref<2x10000x128xf32, #tpu.memory_space<hbm>> -> memref<1x16x128xf32, #tpu.memory_space<hbm>>
        %dma_start3A_101 = tpu.memref_squeeze %dma_start3A_100 : memref<1x16x128xf32, #tpu.memory_space<hbm>> -> memref<16x128xf32, #tpu.memory_space<hbm>>
        %dma_start3A_102 = arith.constant 9984 : i32
        %dma_start3A_103 = arith.constant 0 : i32
        %dma_start3A_104 = tpu.memref_slice %arg12[%dma_start3A_102, %dma_start3A_103] : memref<10000x128xf32, #tpu.memory_space<vmem_shared>> -> memref<16x128xf32, #tpu.memory_space<vmem_shared>>
        tpu.enqueue_dma source(%dma_start3A_104 : memref<16x128xf32, #tpu.memory_space<vmem_shared>>) target(%dma_start3A_101 : memref<16x128xf32, #tpu.memory_space<hbm>>) target_semaphore(%run_scoped3A : memref<!tpu.dma_semaphore, #tpu.memory_space<semaphore_mem>>)
        %dma_wait3A_105 = arith.constant 9984 : i32
        %dma_wait3A_106 = arith.constant 0 : i32
        %dma_wait3A_107 = tpu.memref_slice %arg6[%arg0, %dma_wait3A_105, %dma_wait3A_106] : memref<2x10000x128xf32, #tpu.memory_space<hbm>> -> memref<1x16x128xf32, #tpu.memory_space<hbm>>
        %dma_wait3A_108 = tpu.memref_squeeze %dma_wait3A_107 : memref<1x16x128xf32, #tpu.memory_space<hbm>> -> memref<16x128xf32, #tpu.memory_space<hbm>>
        %dma_wait3A_109 = arith.constant 9984 : i32
        %dma_wait3A_110 = arith.constant 0 : i32
        %dma_wait3A_111 = tpu.memref_slice %arg12[%dma_wait3A_109, %dma_wait3A_110] : memref<10000x128xf32, #tpu.memory_space<vmem_shared>> -> memref<16x128xf32, #tpu.memory_space<vmem_shared>>
        tpu.wait_dma2 semaphore(%run_scoped3A : memref<!tpu.dma_semaphore, #tpu.memory_space<semaphore_mem>>) src(%dma_wait3A_111 : memref<16x128xf32, #tpu.memory_space<vmem_shared>>) dst(%dma_wait3A_108 : memref<16x128xf32, #tpu.memory_space<hbm>>)
        tpu.yield
      }) : () -> ()
    } else {
    }
    return
  }
}

#map = affine_map<(d0, d1) -> (0, 0)>
#map1 = affine_map<(d0, d1) -> (0, 0, 0)>
module attributes {stable_mosaic.version = 14 : i64} {
  func.func @_segsum_body(%arg0: i32, %arg1: i32, %arg2: memref<20000x128xf32, #tpu.memory_space<hbm>>, %arg3: memref<2x16x10000xi32, #tpu.memory_space<hbm>>, %arg4: memref<16x125x80xi32, #tpu.memory_space<hbm>>, %arg5: memref<20000x128xf32, #tpu.memory_space<hbm>>, %arg6: memref<2x16x10000xi32, #tpu.memory_space<hbm>>, %arg7: memref<16x125x80xi32, #tpu.memory_space<hbm>>, %arg8: memref<624x128xf32, #tpu.memory_space<hbm>>, %arg9: memref<2x10000x128xf32, #tpu.memory_space<hbm>>, %arg10: memref<2x10000x128xf32, #tpu.memory_space<hbm>>, %arg11: memref<10000xi32, #tpu.memory_space<vmem>>, %arg12: memref<125x80xi32, #tpu.memory_space<vmem>>, %arg13: memref<80x128xf32, #tpu.memory_space<vmem>>, %arg14: memref<80x128xf32, #tpu.memory_space<vmem>>, %arg15: memref<10000x128xf32, #tpu.memory_space<vmem_shared>>, %arg16: memref<!tpu.dma_semaphore, #tpu.memory_space<semaphore_mem>>, %arg17: memref<!tpu.dma_semaphore, #tpu.memory_space<semaphore_mem>>) attributes {dimension_semantics = [#tpu.dimension_semantics<core_parallel>, #tpu.dimension_semantics<subcore_parallel>], iteration_bounds = array<i64: 2, 16>, scalar_prefetch = 0 : i64, scratch_operands = 7 : i64, tpu.core_type = #tpu.core_type<sc_vector_subcore>, window_params = [{transform_indices = #map}, {transform_indices = #map1}, {transform_indices = #map1}, {transform_indices = #map}, {transform_indices = #map1}, {transform_indices = #map1}, {transform_indices = #map}, {transform_indices = #map1}, {transform_indices = #map1}]} {
    "tpu.region"() ({
      %run_scoped3A_72 = tpu.sem_alloc : memref<!tpu.dma_semaphore, #tpu.memory_space<semaphore_mem>>
      %dma_start3A_73 = arith.constant 0 : i32
      %dma_start3A_74 = tpu.memref_slice %arg3[%arg0, %arg1, %dma_start3A_73] : memref<2x16x10000xi32, #tpu.memory_space<hbm>> -> memref<1x1x10000xi32, #tpu.memory_space<hbm>>
      %dma_start3A_75 = tpu.memref_squeeze %dma_start3A_74 : memref<1x1x10000xi32, #tpu.memory_space<hbm>> -> memref<10000xi32, #tpu.memory_space<hbm>>
      %dma_start3A_76 = arith.constant 0 : i32
      %dma_start3A_77 = tpu.memref_slice %arg3[%arg0, %arg1, %dma_start3A_76] : memref<2x16x10000xi32, #tpu.memory_space<hbm>> -> memref<1x1x10000xi32, #tpu.memory_space<hbm>>
      %dma_start3A_78 = tpu.memref_squeeze %dma_start3A_77 : memref<1x1x10000xi32, #tpu.memory_space<hbm>> -> memref<10000xi32, #tpu.memory_space<hbm>>
      tpu.enqueue_dma source(%dma_start3A_78 : memref<10000xi32, #tpu.memory_space<hbm>>) target(%arg11 : memref<10000xi32, #tpu.memory_space<vmem>>) target_semaphore(%run_scoped3A_72 : memref<!tpu.dma_semaphore, #tpu.memory_space<semaphore_mem>>)
      %dma_wait3A_79 = arith.constant 0 : i32
      %dma_wait3A_80 = tpu.memref_slice %arg3[%arg0, %arg1, %dma_wait3A_79] : memref<2x16x10000xi32, #tpu.memory_space<hbm>> -> memref<1x1x10000xi32, #tpu.memory_space<hbm>>
      %dma_wait3A_81 = tpu.memref_squeeze %dma_wait3A_80 : memref<1x1x10000xi32, #tpu.memory_space<hbm>> -> memref<10000xi32, #tpu.memory_space<hbm>>
      %dma_wait3A_82 = arith.constant 0 : i32
      %dma_wait3A_83 = tpu.memref_slice %arg3[%arg0, %arg1, %dma_wait3A_82] : memref<2x16x10000xi32, #tpu.memory_space<hbm>> -> memref<1x1x10000xi32, #tpu.memory_space<hbm>>
      %dma_wait3A_84 = tpu.memref_squeeze %dma_wait3A_83 : memref<1x1x10000xi32, #tpu.memory_space<hbm>> -> memref<10000xi32, #tpu.memory_space<hbm>>
      tpu.wait_dma2 semaphore(%run_scoped3A_72 : memref<!tpu.dma_semaphore, #tpu.memory_space<semaphore_mem>>) src(%dma_wait3A_84 : memref<10000xi32, #tpu.memory_space<hbm>>) dst(%arg11 : memref<10000xi32, #tpu.memory_space<vmem>>)
      tpu.yield
    }) : () -> ()
    "tpu.region"() ({
      %run_scoped3A_72 = tpu.sem_alloc : memref<!tpu.dma_semaphore, #tpu.memory_space<semaphore_mem>>
      %dma_start3A_73 = arith.constant 0 : i32
      %dma_start3A_74 = arith.constant 0 : i32
      %dma_start3A_75 = tpu.memref_slice %arg4[%arg1, %dma_start3A_73, %dma_start3A_74] : memref<16x125x80xi32, #tpu.memory_space<hbm>> -> memref<1x125x80xi32, #tpu.memory_space<hbm>>
      %dma_start3A_76 = tpu.memref_squeeze %dma_start3A_75 : memref<1x125x80xi32, #tpu.memory_space<hbm>> -> memref<125x80xi32, #tpu.memory_space<hbm>>
      %dma_start3A_77 = arith.constant 0 : i32
      %dma_start3A_78 = arith.constant 0 : i32
      %dma_start3A_79 = tpu.memref_slice %arg4[%arg1, %dma_start3A_77, %dma_start3A_78] : memref<16x125x80xi32, #tpu.memory_space<hbm>> -> memref<1x125x80xi32, #tpu.memory_space<hbm>>
      %dma_start3A_80 = tpu.memref_squeeze %dma_start3A_79 : memref<1x125x80xi32, #tpu.memory_space<hbm>> -> memref<125x80xi32, #tpu.memory_space<hbm>>
      tpu.enqueue_dma source(%dma_start3A_80 : memref<125x80xi32, #tpu.memory_space<hbm>>) target(%arg12 : memref<125x80xi32, #tpu.memory_space<vmem>>) target_semaphore(%run_scoped3A_72 : memref<!tpu.dma_semaphore, #tpu.memory_space<semaphore_mem>>)
      %dma_wait3A_81 = arith.constant 0 : i32
      %dma_wait3A_82 = arith.constant 0 : i32
      %dma_wait3A_83 = tpu.memref_slice %arg4[%arg1, %dma_wait3A_81, %dma_wait3A_82] : memref<16x125x80xi32, #tpu.memory_space<hbm>> -> memref<1x125x80xi32, #tpu.memory_space<hbm>>
      %dma_wait3A_84 = tpu.memref_squeeze %dma_wait3A_83 : memref<1x125x80xi32, #tpu.memory_space<hbm>> -> memref<125x80xi32, #tpu.memory_space<hbm>>
      %dma_wait3A_85 = arith.constant 0 : i32
      %dma_wait3A_86 = arith.constant 0 : i32
      %dma_wait3A_87 = tpu.memref_slice %arg4[%arg1, %dma_wait3A_85, %dma_wait3A_86] : memref<16x125x80xi32, #tpu.memory_space<hbm>> -> memref<1x125x80xi32, #tpu.memory_space<hbm>>
      %dma_wait3A_88 = tpu.memref_squeeze %dma_wait3A_87 : memref<1x125x80xi32, #tpu.memory_space<hbm>> -> memref<125x80xi32, #tpu.memory_space<hbm>>
      tpu.wait_dma2 semaphore(%run_scoped3A_72 : memref<!tpu.dma_semaphore, #tpu.memory_space<semaphore_mem>>) src(%dma_wait3A_88 : memref<125x80xi32, #tpu.memory_space<hbm>>) dst(%arg12 : memref<125x80xi32, #tpu.memory_space<vmem>>)
      tpu.yield
    }) : () -> ()
    %mul3A = arith.constant 624 : i32
    %mul3A_0 = arith.muli %arg1, %mul3A : i32
    "tpu.region"() ({
      %run_scoped3A_72 = tpu.sem_alloc : memref<!tpu.dma_semaphore, #tpu.memory_space<semaphore_mem>>
      %dma_start3A_73 = arith.constant 0 : i32
      %dma_start3A_74 = tpu.memref_slice %arg15[%mul3A_0, %dma_start3A_73] : memref<10000x128xf32, #tpu.memory_space<vmem_shared>> -> memref<624x128xf32, #tpu.memory_space<vmem_shared>>
      %dma_start3A_75 = arith.constant 0 : i32
      %dma_start3A_76 = arith.constant 0 : i32
      %dma_start3A_77 = tpu.memref_slice %arg8[%dma_start3A_75, %dma_start3A_76] : memref<624x128xf32, #tpu.memory_space<hbm>> -> memref<624x128xf32, #tpu.memory_space<hbm>>
      tpu.enqueue_dma source(%dma_start3A_77 : memref<624x128xf32, #tpu.memory_space<hbm>>) target(%dma_start3A_74 : memref<624x128xf32, #tpu.memory_space<vmem_shared>>) target_semaphore(%run_scoped3A_72 : memref<!tpu.dma_semaphore, #tpu.memory_space<semaphore_mem>>)
      %dma_wait3A_78 = arith.constant 0 : i32
      %dma_wait3A_79 = tpu.memref_slice %arg15[%mul3A_0, %dma_wait3A_78] : memref<10000x128xf32, #tpu.memory_space<vmem_shared>> -> memref<624x128xf32, #tpu.memory_space<vmem_shared>>
      %dma_wait3A_80 = arith.constant 0 : i32
      %dma_wait3A_81 = arith.constant 0 : i32
      %dma_wait3A_82 = tpu.memref_slice %arg8[%dma_wait3A_80, %dma_wait3A_81] : memref<624x128xf32, #tpu.memory_space<hbm>> -> memref<624x128xf32, #tpu.memory_space<hbm>>
      tpu.wait_dma2 semaphore(%run_scoped3A_72 : memref<!tpu.dma_semaphore, #tpu.memory_space<semaphore_mem>>) src(%dma_wait3A_82 : memref<624x128xf32, #tpu.memory_space<hbm>>) dst(%dma_wait3A_79 : memref<624x128xf32, #tpu.memory_space<vmem_shared>>)
      tpu.yield
    }) : () -> ()
    %eq3A = arith.constant 15 : i32
    %eq3A_1 = arith.cmpi eq, %arg1, %eq3A : i32
    %convert_element_type3A = arith.extui %eq3A_1 : i1 to i32
    %cond3A = arith.constant 0 : i32
    %cond3A_2 = arith.cmpi ne, %convert_element_type3A, %cond3A : i32
    scf.if %cond3A_2 {
      "tpu.region"() ({
        %run_scoped3A_72 = tpu.sem_alloc : memref<!tpu.dma_semaphore, #tpu.memory_space<semaphore_mem>>
        %dma_start3A_73 = arith.constant 9984 : i32
        %dma_start3A_74 = arith.constant 0 : i32
        %dma_start3A_75 = tpu.memref_slice %arg15[%dma_start3A_73, %dma_start3A_74] : memref<10000x128xf32, #tpu.memory_space<vmem_shared>> -> memref<16x128xf32, #tpu.memory_space<vmem_shared>>
        %dma_start3A_76 = arith.constant 0 : i32
        %dma_start3A_77 = arith.constant 0 : i32
        %dma_start3A_78 = tpu.memref_slice %arg8[%dma_start3A_76, %dma_start3A_77] : memref<624x128xf32, #tpu.memory_space<hbm>> -> memref<16x128xf32, #tpu.memory_space<hbm>>
        tpu.enqueue_dma source(%dma_start3A_78 : memref<16x128xf32, #tpu.memory_space<hbm>>) target(%dma_start3A_75 : memref<16x128xf32, #tpu.memory_space<vmem_shared>>) target_semaphore(%run_scoped3A_72 : memref<!tpu.dma_semaphore, #tpu.memory_space<semaphore_mem>>)
        %dma_wait3A_79 = arith.constant 9984 : i32
        %dma_wait3A_80 = arith.constant 0 : i32
        %dma_wait3A_81 = tpu.memref_slice %arg15[%dma_wait3A_79, %dma_wait3A_80] : memref<10000x128xf32, #tpu.memory_space<vmem_shared>> -> memref<16x128xf32, #tpu.memory_space<vmem_shared>>
        %dma_wait3A_82 = arith.constant 0 : i32
        %dma_wait3A_83 = arith.constant 0 : i32
        %dma_wait3A_84 = tpu.memref_slice %arg8[%dma_wait3A_82, %dma_wait3A_83] : memref<624x128xf32, #tpu.memory_space<hbm>> -> memref<16x128xf32, #tpu.memory_space<hbm>>
        tpu.wait_dma2 semaphore(%run_scoped3A_72 : memref<!tpu.dma_semaphore, #tpu.memory_space<semaphore_mem>>) src(%dma_wait3A_84 : memref<16x128xf32, #tpu.memory_space<hbm>>) dst(%dma_wait3A_81 : memref<16x128xf32, #tpu.memory_space<vmem_shared>>)
        tpu.yield
      }) : () -> ()
    } else {
    }
    %barrier3A = arith.constant 0 : index
    tpu.barrier barrier_id(%barrier3A)
    %dma_start3A = arith.constant 0 : i32
    %dma_start3A_3 = tpu.memref_slice %arg11[%dma_start3A] : memref<10000xi32, #tpu.memory_space<vmem>> -> memref<80xi32, #tpu.memory_space<vmem>>
    %dma_start3A_4 = arith.constant 0 : i32
    %dma_start3A_5 = arith.constant 0 : i32
    %dma_start3A_6 = tpu.memref_slice %arg2[%dma_start3A_4, %dma_start3A_5] : memref<20000x128xf32, #tpu.memory_space<hbm>> -> memref<20000x128xf32, #tpu.memory_space<hbm>>
    tpu.enqueue_indirect_dma source(%dma_start3A_6 : memref<20000x128xf32, #tpu.memory_space<hbm>>) target(%arg13 : memref<80x128xf32, #tpu.memory_space<vmem>>) offsets(%dma_start3A_3 : memref<80xi32, #tpu.memory_space<vmem>>) semaphore(%arg16 : memref<!tpu.dma_semaphore, #tpu.memory_space<semaphore_mem>>)
    %dma_start3A_7 = arith.constant 80 : i32
    %dma_start3A_8 = tpu.memref_slice %arg11[%dma_start3A_7] : memref<10000xi32, #tpu.memory_space<vmem>> -> memref<80xi32, #tpu.memory_space<vmem>>
    %dma_start3A_9 = arith.constant 0 : i32
    %dma_start3A_10 = arith.constant 0 : i32
    %dma_start3A_11 = tpu.memref_slice %arg2[%dma_start3A_9, %dma_start3A_10] : memref<20000x128xf32, #tpu.memory_space<hbm>> -> memref<20000x128xf32, #tpu.memory_space<hbm>>
    tpu.enqueue_indirect_dma source(%dma_start3A_11 : memref<20000x128xf32, #tpu.memory_space<hbm>>) target(%arg14 : memref<80x128xf32, #tpu.memory_space<vmem>>) offsets(%dma_start3A_8 : memref<80xi32, #tpu.memory_space<vmem>>) semaphore(%arg17 : memref<!tpu.dma_semaphore, #tpu.memory_space<semaphore_mem>>)
    %scan3A = arith.constant 0 : i32
    %scan3A_12 = arith.constant 0 : i32
    %scan3A_13 = arith.constant 62 : i32
    %scan3A_14 = arith.addi %scan3A_12, %scan3A_13 : i32
    %scan3A_15 = arith.constant 1 : i32
    scf.for %scan3A_72 = %scan3A_12 to %scan3A_14 step %scan3A_15  : i32 {
      %mul3A_73 = arith.constant 2 : i32
      %mul3A_74 = arith.muli %scan3A_72, %mul3A_73 : i32
      %mul3A_75 = arith.constant 80 : i32
      %mul3A_76 = arith.muli %mul3A_74, %mul3A_75 : i32
      %dma_wait3A_77 = tpu.memref_slice %arg11[%mul3A_76] : memref<10000xi32, #tpu.memory_space<vmem>> -> memref<80xi32, #tpu.memory_space<vmem>>
      %dma_wait3A_78 = arith.constant 0 : i32
      %dma_wait3A_79 = arith.constant 0 : i32
      %dma_wait3A_80 = tpu.memref_slice %arg2[%dma_wait3A_78, %dma_wait3A_79] : memref<20000x128xf32, #tpu.memory_space<hbm>> -> memref<20000x128xf32, #tpu.memory_space<hbm>>
      tpu.wait_indirect_dma semaphore(%arg16 : memref<!tpu.dma_semaphore, #tpu.memory_space<semaphore_mem>>) src(%dma_wait3A_80 : memref<20000x128xf32, #tpu.memory_space<hbm>>) dst(%arg13 : memref<80x128xf32, #tpu.memory_space<vmem>>)
      "tpu.region"() ({
        %run_scoped3A_103 = tpu.sem_alloc : memref<!tpu.dma_semaphore, #tpu.memory_space<semaphore_mem>>
        %dma_start3A_104 = arith.constant 0 : i32
        %dma_start3A_105 = tpu.memref_slice %arg12[%mul3A_74, %dma_start3A_104] : memref<125x80xi32, #tpu.memory_space<vmem>> -> memref<1x80xi32, #tpu.memory_space<vmem>>
        %dma_start3A_106 = tpu.memref_squeeze %dma_start3A_105 : memref<1x80xi32, #tpu.memory_space<vmem>> -> memref<80xi32, #tpu.memory_space<vmem>>
        %dma_start3A_107 = arith.constant 0 : i32
        %dma_start3A_108 = arith.constant 0 : i32
        %dma_start3A_109 = tpu.memref_slice %arg15[%dma_start3A_107, %dma_start3A_108] : memref<10000x128xf32, #tpu.memory_space<vmem_shared>> -> memref<10000x128xf32, #tpu.memory_space<vmem_shared>>
        tpu.enqueue_indirect_dma source(%arg13 : memref<80x128xf32, #tpu.memory_space<vmem>>) target(%dma_start3A_109 : memref<10000x128xf32, #tpu.memory_space<vmem_shared>>) offsets(%dma_start3A_106 : memref<80xi32, #tpu.memory_space<vmem>>) semaphore(%run_scoped3A_103 : memref<!tpu.dma_semaphore, #tpu.memory_space<semaphore_mem>>) {add = true}
        %dma_wait3A_110 = arith.constant 0 : i32
        %dma_wait3A_111 = tpu.memref_slice %arg12[%mul3A_74, %dma_wait3A_110] : memref<125x80xi32, #tpu.memory_space<vmem>> -> memref<1x80xi32, #tpu.memory_space<vmem>>
        %dma_wait3A_112 = tpu.memref_squeeze %dma_wait3A_111 : memref<1x80xi32, #tpu.memory_space<vmem>> -> memref<80xi32, #tpu.memory_space<vmem>>
        %dma_wait3A_113 = arith.constant 0 : i32
        %dma_wait3A_114 = arith.constant 0 : i32
        %dma_wait3A_115 = tpu.memref_slice %arg15[%dma_wait3A_113, %dma_wait3A_114] : memref<10000x128xf32, #tpu.memory_space<vmem_shared>> -> memref<10000x128xf32, #tpu.memory_space<vmem_shared>>
        tpu.wait_indirect_dma semaphore(%run_scoped3A_103 : memref<!tpu.dma_semaphore, #tpu.memory_space<semaphore_mem>>) src(%arg13 : memref<80x128xf32, #tpu.memory_space<vmem>>) dst(%dma_wait3A_115 : memref<10000x128xf32, #tpu.memory_space<vmem_shared>>)
        tpu.yield
      }) : () -> ()
      %add3A = arith.constant 2 : i32
      %add3A_81 = arith.addi %mul3A_74, %add3A : i32
      %lt3A = arith.constant 125 : i32
      %lt3A_82 = arith.cmpi slt, %add3A_81, %lt3A : i32
      %convert_element_type3A_83 = arith.extui %lt3A_82 : i1 to i32
      %cond3A_84 = arith.constant 0 : i32
      %cond3A_85 = arith.cmpi ne, %convert_element_type3A_83, %cond3A_84 : i32
      scf.if %cond3A_85 {
        %add3A_103 = arith.constant 2 : i32
        %add3A_104 = arith.addi %mul3A_74, %add3A_103 : i32
        %mul3A_105 = arith.constant 80 : i32
        %mul3A_106 = arith.muli %add3A_104, %mul3A_105 : i32
        %dma_start3A_107 = tpu.memref_slice %arg11[%mul3A_106] : memref<10000xi32, #tpu.memory_space<vmem>> -> memref<80xi32, #tpu.memory_space<vmem>>
        %dma_start3A_108 = arith.constant 0 : i32
        %dma_start3A_109 = arith.constant 0 : i32
        %dma_start3A_110 = tpu.memref_slice %arg2[%dma_start3A_108, %dma_start3A_109] : memref<20000x128xf32, #tpu.memory_space<hbm>> -> memref<20000x128xf32, #tpu.memory_space<hbm>>
        tpu.enqueue_indirect_dma source(%dma_start3A_110 : memref<20000x128xf32, #tpu.memory_space<hbm>>) target(%arg13 : memref<80x128xf32, #tpu.memory_space<vmem>>) offsets(%dma_start3A_107 : memref<80xi32, #tpu.memory_space<vmem>>) semaphore(%arg16 : memref<!tpu.dma_semaphore, #tpu.memory_space<semaphore_mem>>)
      } else {
      }
      %add3A_86 = arith.constant 1 : i32
      %add3A_87 = arith.addi %mul3A_74, %add3A_86 : i32
      %mul3A_88 = arith.constant 80 : i32
      %mul3A_89 = arith.muli %add3A_87, %mul3A_88 : i32
      %dma_wait3A_90 = tpu.memref_slice %arg11[%mul3A_89] : memref<10000xi32, #tpu.memory_space<vmem>> -> memref<80xi32, #tpu.memory_space<vmem>>
      %dma_wait3A_91 = arith.constant 0 : i32
      %dma_wait3A_92 = arith.constant 0 : i32
      %dma_wait3A_93 = tpu.memref_slice %arg2[%dma_wait3A_91, %dma_wait3A_92] : memref<20000x128xf32, #tpu.memory_space<hbm>> -> memref<20000x128xf32, #tpu.memory_space<hbm>>
      tpu.wait_indirect_dma semaphore(%arg17 : memref<!tpu.dma_semaphore, #tpu.memory_space<semaphore_mem>>) src(%dma_wait3A_93 : memref<20000x128xf32, #tpu.memory_space<hbm>>) dst(%arg14 : memref<80x128xf32, #tpu.memory_space<vmem>>)
      %add3A_94 = arith.constant 1 : i32
      %add3A_95 = arith.addi %mul3A_74, %add3A_94 : i32
      "tpu.region"() ({
        %run_scoped3A_103 = tpu.sem_alloc : memref<!tpu.dma_semaphore, #tpu.memory_space<semaphore_mem>>
        %dma_start3A_104 = arith.constant 0 : i32
        %dma_start3A_105 = tpu.memref_slice %arg12[%add3A_95, %dma_start3A_104] : memref<125x80xi32, #tpu.memory_space<vmem>> -> memref<1x80xi32, #tpu.memory_space<vmem>>
        %dma_start3A_106 = tpu.memref_squeeze %dma_start3A_105 : memref<1x80xi32, #tpu.memory_space<vmem>> -> memref<80xi32, #tpu.memory_space<vmem>>
        %dma_start3A_107 = arith.constant 0 : i32
        %dma_start3A_108 = arith.constant 0 : i32
        %dma_start3A_109 = tpu.memref_slice %arg15[%dma_start3A_107, %dma_start3A_108] : memref<10000x128xf32, #tpu.memory_space<vmem_shared>> -> memref<10000x128xf32, #tpu.memory_space<vmem_shared>>
        tpu.enqueue_indirect_dma source(%arg14 : memref<80x128xf32, #tpu.memory_space<vmem>>) target(%dma_start3A_109 : memref<10000x128xf32, #tpu.memory_space<vmem_shared>>) offsets(%dma_start3A_106 : memref<80xi32, #tpu.memory_space<vmem>>) semaphore(%run_scoped3A_103 : memref<!tpu.dma_semaphore, #tpu.memory_space<semaphore_mem>>) {add = true}
        %dma_wait3A_110 = arith.constant 0 : i32
        %dma_wait3A_111 = tpu.memref_slice %arg12[%add3A_95, %dma_wait3A_110] : memref<125x80xi32, #tpu.memory_space<vmem>> -> memref<1x80xi32, #tpu.memory_space<vmem>>
        %dma_wait3A_112 = tpu.memref_squeeze %dma_wait3A_111 : memref<1x80xi32, #tpu.memory_space<vmem>> -> memref<80xi32, #tpu.memory_space<vmem>>
        %dma_wait3A_113 = arith.constant 0 : i32
        %dma_wait3A_114 = arith.constant 0 : i32
        %dma_wait3A_115 = tpu.memref_slice %arg15[%dma_wait3A_113, %dma_wait3A_114] : memref<10000x128xf32, #tpu.memory_space<vmem_shared>> -> memref<10000x128xf32, #tpu.memory_space<vmem_shared>>
        tpu.wait_indirect_dma semaphore(%run_scoped3A_103 : memref<!tpu.dma_semaphore, #tpu.memory_space<semaphore_mem>>) src(%arg14 : memref<80x128xf32, #tpu.memory_space<vmem>>) dst(%dma_wait3A_115 : memref<10000x128xf32, #tpu.memory_space<vmem_shared>>)
        tpu.yield
      }) : () -> ()
      %add3A_96 = arith.constant 3 : i32
      %add3A_97 = arith.addi %mul3A_74, %add3A_96 : i32
      %lt3A_98 = arith.constant 125 : i32
      %lt3A_99 = arith.cmpi slt, %add3A_97, %lt3A_98 : i32
      %convert_element_type3A_100 = arith.extui %lt3A_99 : i1 to i32
      %cond3A_101 = arith.constant 0 : i32
      %cond3A_102 = arith.cmpi ne, %convert_element_type3A_100, %cond3A_101 : i32
      scf.if %cond3A_102 {
        %add3A_103 = arith.constant 3 : i32
        %add3A_104 = arith.addi %mul3A_74, %add3A_103 : i32
        %mul3A_105 = arith.constant 80 : i32
        %mul3A_106 = arith.muli %add3A_104, %mul3A_105 : i32
        %dma_start3A_107 = tpu.memref_slice %arg11[%mul3A_106] : memref<10000xi32, #tpu.memory_space<vmem>> -> memref<80xi32, #tpu.memory_space<vmem>>
        %dma_start3A_108 = arith.constant 0 : i32
        %dma_start3A_109 = arith.constant 0 : i32
        %dma_start3A_110 = tpu.memref_slice %arg2[%dma_start3A_108, %dma_start3A_109] : memref<20000x128xf32, #tpu.memory_space<hbm>> -> memref<20000x128xf32, #tpu.memory_space<hbm>>
        tpu.enqueue_indirect_dma source(%dma_start3A_110 : memref<20000x128xf32, #tpu.memory_space<hbm>>) target(%arg14 : memref<80x128xf32, #tpu.memory_space<vmem>>) offsets(%dma_start3A_107 : memref<80xi32, #tpu.memory_space<vmem>>) semaphore(%arg17 : memref<!tpu.dma_semaphore, #tpu.memory_space<semaphore_mem>>)
      } else {
      }
    }
    %scan3A_16 = arith.constant 62 : i32
    %dma_wait3A = arith.constant 9920 : i32
    %dma_wait3A_17 = tpu.memref_slice %arg11[%dma_wait3A] : memref<10000xi32, #tpu.memory_space<vmem>> -> memref<80xi32, #tpu.memory_space<vmem>>
    %dma_wait3A_18 = arith.constant 0 : i32
    %dma_wait3A_19 = arith.constant 0 : i32
    %dma_wait3A_20 = tpu.memref_slice %arg2[%dma_wait3A_18, %dma_wait3A_19] : memref<20000x128xf32, #tpu.memory_space<hbm>> -> memref<20000x128xf32, #tpu.memory_space<hbm>>
    tpu.wait_indirect_dma semaphore(%arg16 : memref<!tpu.dma_semaphore, #tpu.memory_space<semaphore_mem>>) src(%dma_wait3A_20 : memref<20000x128xf32, #tpu.memory_space<hbm>>) dst(%arg13 : memref<80x128xf32, #tpu.memory_space<vmem>>)
    %run_scoped3A = arith.constant 124 : i32
    "tpu.region"() ({
      %run_scoped3A_72 = tpu.sem_alloc : memref<!tpu.dma_semaphore, #tpu.memory_space<semaphore_mem>>
      %dma_start3A_73 = arith.constant 0 : i32
      %dma_start3A_74 = tpu.memref_slice %arg12[%run_scoped3A, %dma_start3A_73] : memref<125x80xi32, #tpu.memory_space<vmem>> -> memref<1x80xi32, #tpu.memory_space<vmem>>
      %dma_start3A_75 = tpu.memref_squeeze %dma_start3A_74 : memref<1x80xi32, #tpu.memory_space<vmem>> -> memref<80xi32, #tpu.memory_space<vmem>>
      %dma_start3A_76 = arith.constant 0 : i32
      %dma_start3A_77 = arith.constant 0 : i32
      %dma_start3A_78 = tpu.memref_slice %arg15[%dma_start3A_76, %dma_start3A_77] : memref<10000x128xf32, #tpu.memory_space<vmem_shared>> -> memref<10000x128xf32, #tpu.memory_space<vmem_shared>>
      tpu.enqueue_indirect_dma source(%arg13 : memref<80x128xf32, #tpu.memory_space<vmem>>) target(%dma_start3A_78 : memref<10000x128xf32, #tpu.memory_space<vmem_shared>>) offsets(%dma_start3A_75 : memref<80xi32, #tpu.memory_space<vmem>>) semaphore(%run_scoped3A_72 : memref<!tpu.dma_semaphore, #tpu.memory_space<semaphore_mem>>) {add = true}
      %dma_wait3A_79 = arith.constant 0 : i32
      %dma_wait3A_80 = tpu.memref_slice %arg12[%run_scoped3A, %dma_wait3A_79] : memref<125x80xi32, #tpu.memory_space<vmem>> -> memref<1x80xi32, #tpu.memory_space<vmem>>
      %dma_wait3A_81 = tpu.memref_squeeze %dma_wait3A_80 : memref<1x80xi32, #tpu.memory_space<vmem>> -> memref<80xi32, #tpu.memory_space<vmem>>
      %dma_wait3A_82 = arith.constant 0 : i32
      %dma_wait3A_83 = arith.constant 0 : i32
      %dma_wait3A_84 = tpu.memref_slice %arg15[%dma_wait3A_82, %dma_wait3A_83] : memref<10000x128xf32, #tpu.memory_space<vmem_shared>> -> memref<10000x128xf32, #tpu.memory_space<vmem_shared>>
      tpu.wait_indirect_dma semaphore(%run_scoped3A_72 : memref<!tpu.dma_semaphore, #tpu.memory_space<semaphore_mem>>) src(%arg13 : memref<80x128xf32, #tpu.memory_space<vmem>>) dst(%dma_wait3A_84 : memref<10000x128xf32, #tpu.memory_space<vmem_shared>>)
      tpu.yield
    }) : () -> ()
    %barrier3A_21 = arith.constant 0 : index
    tpu.barrier barrier_id(%barrier3A_21)
    %mul3A_22 = arith.constant 624 : i32
    %mul3A_23 = arith.muli %arg1, %mul3A_22 : i32
    %mul3A_24 = arith.constant 624 : i32
    %mul3A_25 = arith.muli %arg1, %mul3A_24 : i32
    "tpu.region"() ({
      %run_scoped3A_72 = tpu.sem_alloc : memref<!tpu.dma_semaphore, #tpu.memory_space<semaphore_mem>>
      %dma_start3A_73 = arith.constant 0 : i32
      %dma_start3A_74 = tpu.memref_slice %arg9[%arg0, %mul3A_25, %dma_start3A_73] : memref<2x10000x128xf32, #tpu.memory_space<hbm>> -> memref<1x624x128xf32, #tpu.memory_space<hbm>>
      %dma_start3A_75 = tpu.memref_squeeze %dma_start3A_74 : memref<1x624x128xf32, #tpu.memory_space<hbm>> -> memref<624x128xf32, #tpu.memory_space<hbm>>
      %dma_start3A_76 = arith.constant 0 : i32
      %dma_start3A_77 = tpu.memref_slice %arg15[%mul3A_23, %dma_start3A_76] : memref<10000x128xf32, #tpu.memory_space<vmem_shared>> -> memref<624x128xf32, #tpu.memory_space<vmem_shared>>
      tpu.enqueue_dma source(%dma_start3A_77 : memref<624x128xf32, #tpu.memory_space<vmem_shared>>) target(%dma_start3A_75 : memref<624x128xf32, #tpu.memory_space<hbm>>) target_semaphore(%run_scoped3A_72 : memref<!tpu.dma_semaphore, #tpu.memory_space<semaphore_mem>>)
      %dma_wait3A_78 = arith.constant 0 : i32
      %dma_wait3A_79 = tpu.memref_slice %arg9[%arg0, %mul3A_25, %dma_wait3A_78] : memref<2x10000x128xf32, #tpu.memory_space<hbm>> -> memref<1x624x128xf32, #tpu.memory_space<hbm>>
      %dma_wait3A_80 = tpu.memref_squeeze %dma_wait3A_79 : memref<1x624x128xf32, #tpu.memory_space<hbm>> -> memref<624x128xf32, #tpu.memory_space<hbm>>
      %dma_wait3A_81 = arith.constant 0 : i32
      %dma_wait3A_82 = tpu.memref_slice %arg15[%mul3A_23, %dma_wait3A_81] : memref<10000x128xf32, #tpu.memory_space<vmem_shared>> -> memref<624x128xf32, #tpu.memory_space<vmem_shared>>
      tpu.wait_dma2 semaphore(%run_scoped3A_72 : memref<!tpu.dma_semaphore, #tpu.memory_space<semaphore_mem>>) src(%dma_wait3A_82 : memref<624x128xf32, #tpu.memory_space<vmem_shared>>) dst(%dma_wait3A_80 : memref<624x128xf32, #tpu.memory_space<hbm>>)
      tpu.yield
    }) : () -> ()
    %eq3A_26 = arith.constant 15 : i32
    %eq3A_27 = arith.cmpi eq, %arg1, %eq3A_26 : i32
    %convert_element_type3A_28 = arith.extui %eq3A_27 : i1 to i32
    %cond3A_29 = arith.constant 0 : i32
    %cond3A_30 = arith.cmpi ne, %convert_element_type3A_28, %cond3A_29 : i32
    scf.if %cond3A_30 {
      "tpu.region"() ({
        %run_scoped3A_72 = tpu.sem_alloc : memref<!tpu.dma_semaphore, #tpu.memory_space<semaphore_mem>>
        %dma_start3A_73 = arith.constant 9984 : i32
        %dma_start3A_74 = arith.constant 0 : i32
        %dma_start3A_75 = tpu.memref_slice %arg9[%arg0, %dma_start3A_73, %dma_start3A_74] : memref<2x10000x128xf32, #tpu.memory_space<hbm>> -> memref<1x16x128xf32, #tpu.memory_space<hbm>>
        %dma_start3A_76 = tpu.memref_squeeze %dma_start3A_75 : memref<1x16x128xf32, #tpu.memory_space<hbm>> -> memref<16x128xf32, #tpu.memory_space<hbm>>
        %dma_start3A_77 = arith.constant 9984 : i32
        %dma_start3A_78 = arith.constant 0 : i32
        %dma_start3A_79 = tpu.memref_slice %arg15[%dma_start3A_77, %dma_start3A_78] : memref<10000x128xf32, #tpu.memory_space<vmem_shared>> -> memref<16x128xf32, #tpu.memory_space<vmem_shared>>
        tpu.enqueue_dma source(%dma_start3A_79 : memref<16x128xf32, #tpu.memory_space<vmem_shared>>) target(%dma_start3A_76 : memref<16x128xf32, #tpu.memory_space<hbm>>) target_semaphore(%run_scoped3A_72 : memref<!tpu.dma_semaphore, #tpu.memory_space<semaphore_mem>>)
        %dma_wait3A_80 = arith.constant 9984 : i32
        %dma_wait3A_81 = arith.constant 0 : i32
        %dma_wait3A_82 = tpu.memref_slice %arg9[%arg0, %dma_wait3A_80, %dma_wait3A_81] : memref<2x10000x128xf32, #tpu.memory_space<hbm>> -> memref<1x16x128xf32, #tpu.memory_space<hbm>>
        %dma_wait3A_83 = tpu.memref_squeeze %dma_wait3A_82 : memref<1x16x128xf32, #tpu.memory_space<hbm>> -> memref<16x128xf32, #tpu.memory_space<hbm>>
        %dma_wait3A_84 = arith.constant 9984 : i32
        %dma_wait3A_85 = arith.constant 0 : i32
        %dma_wait3A_86 = tpu.memref_slice %arg15[%dma_wait3A_84, %dma_wait3A_85] : memref<10000x128xf32, #tpu.memory_space<vmem_shared>> -> memref<16x128xf32, #tpu.memory_space<vmem_shared>>
        tpu.wait_dma2 semaphore(%run_scoped3A_72 : memref<!tpu.dma_semaphore, #tpu.memory_space<semaphore_mem>>) src(%dma_wait3A_86 : memref<16x128xf32, #tpu.memory_space<vmem_shared>>) dst(%dma_wait3A_83 : memref<16x128xf32, #tpu.memory_space<hbm>>)
        tpu.yield
      }) : () -> ()
    } else {
    }
    %barrier3A_31 = arith.constant 0 : index
    tpu.barrier barrier_id(%barrier3A_31)
    "tpu.region"() ({
      %run_scoped3A_72 = tpu.sem_alloc : memref<!tpu.dma_semaphore, #tpu.memory_space<semaphore_mem>>
      %dma_start3A_73 = arith.constant 0 : i32
      %dma_start3A_74 = tpu.memref_slice %arg6[%arg0, %arg1, %dma_start3A_73] : memref<2x16x10000xi32, #tpu.memory_space<hbm>> -> memref<1x1x10000xi32, #tpu.memory_space<hbm>>
      %dma_start3A_75 = tpu.memref_squeeze %dma_start3A_74 : memref<1x1x10000xi32, #tpu.memory_space<hbm>> -> memref<10000xi32, #tpu.memory_space<hbm>>
      %dma_start3A_76 = arith.constant 0 : i32
      %dma_start3A_77 = tpu.memref_slice %arg6[%arg0, %arg1, %dma_start3A_76] : memref<2x16x10000xi32, #tpu.memory_space<hbm>> -> memref<1x1x10000xi32, #tpu.memory_space<hbm>>
      %dma_start3A_78 = tpu.memref_squeeze %dma_start3A_77 : memref<1x1x10000xi32, #tpu.memory_space<hbm>> -> memref<10000xi32, #tpu.memory_space<hbm>>
      tpu.enqueue_dma source(%dma_start3A_78 : memref<10000xi32, #tpu.memory_space<hbm>>) target(%arg11 : memref<10000xi32, #tpu.memory_space<vmem>>) target_semaphore(%run_scoped3A_72 : memref<!tpu.dma_semaphore, #tpu.memory_space<semaphore_mem>>)
      %dma_wait3A_79 = arith.constant 0 : i32
      %dma_wait3A_80 = tpu.memref_slice %arg6[%arg0, %arg1, %dma_wait3A_79] : memref<2x16x10000xi32, #tpu.memory_space<hbm>> -> memref<1x1x10000xi32, #tpu.memory_space<hbm>>
      %dma_wait3A_81 = tpu.memref_squeeze %dma_wait3A_80 : memref<1x1x10000xi32, #tpu.memory_space<hbm>> -> memref<10000xi32, #tpu.memory_space<hbm>>
      %dma_wait3A_82 = arith.constant 0 : i32
      %dma_wait3A_83 = tpu.memref_slice %arg6[%arg0, %arg1, %dma_wait3A_82] : memref<2x16x10000xi32, #tpu.memory_space<hbm>> -> memref<1x1x10000xi32, #tpu.memory_space<hbm>>
      %dma_wait3A_84 = tpu.memref_squeeze %dma_wait3A_83 : memref<1x1x10000xi32, #tpu.memory_space<hbm>> -> memref<10000xi32, #tpu.memory_space<hbm>>
      tpu.wait_dma2 semaphore(%run_scoped3A_72 : memref<!tpu.dma_semaphore, #tpu.memory_space<semaphore_mem>>) src(%dma_wait3A_84 : memref<10000xi32, #tpu.memory_space<hbm>>) dst(%arg11 : memref<10000xi32, #tpu.memory_space<vmem>>)
      tpu.yield
    }) : () -> ()
    "tpu.region"() ({
      %run_scoped3A_72 = tpu.sem_alloc : memref<!tpu.dma_semaphore, #tpu.memory_space<semaphore_mem>>
      %dma_start3A_73 = arith.constant 0 : i32
      %dma_start3A_74 = arith.constant 0 : i32
      %dma_start3A_75 = tpu.memref_slice %arg7[%arg1, %dma_start3A_73, %dma_start3A_74] : memref<16x125x80xi32, #tpu.memory_space<hbm>> -> memref<1x125x80xi32, #tpu.memory_space<hbm>>
      %dma_start3A_76 = tpu.memref_squeeze %dma_start3A_75 : memref<1x125x80xi32, #tpu.memory_space<hbm>> -> memref<125x80xi32, #tpu.memory_space<hbm>>
      %dma_start3A_77 = arith.constant 0 : i32
      %dma_start3A_78 = arith.constant 0 : i32
      %dma_start3A_79 = tpu.memref_slice %arg7[%arg1, %dma_start3A_77, %dma_start3A_78] : memref<16x125x80xi32, #tpu.memory_space<hbm>> -> memref<1x125x80xi32, #tpu.memory_space<hbm>>
      %dma_start3A_80 = tpu.memref_squeeze %dma_start3A_79 : memref<1x125x80xi32, #tpu.memory_space<hbm>> -> memref<125x80xi32, #tpu.memory_space<hbm>>
      tpu.enqueue_dma source(%dma_start3A_80 : memref<125x80xi32, #tpu.memory_space<hbm>>) target(%arg12 : memref<125x80xi32, #tpu.memory_space<vmem>>) target_semaphore(%run_scoped3A_72 : memref<!tpu.dma_semaphore, #tpu.memory_space<semaphore_mem>>)
      %dma_wait3A_81 = arith.constant 0 : i32
      %dma_wait3A_82 = arith.constant 0 : i32
      %dma_wait3A_83 = tpu.memref_slice %arg7[%arg1, %dma_wait3A_81, %dma_wait3A_82] : memref<16x125x80xi32, #tpu.memory_space<hbm>> -> memref<1x125x80xi32, #tpu.memory_space<hbm>>
      %dma_wait3A_84 = tpu.memref_squeeze %dma_wait3A_83 : memref<1x125x80xi32, #tpu.memory_space<hbm>> -> memref<125x80xi32, #tpu.memory_space<hbm>>
      %dma_wait3A_85 = arith.constant 0 : i32
      %dma_wait3A_86 = arith.constant 0 : i32
      %dma_wait3A_87 = tpu.memref_slice %arg7[%arg1, %dma_wait3A_85, %dma_wait3A_86] : memref<16x125x80xi32, #tpu.memory_space<hbm>> -> memref<1x125x80xi32, #tpu.memory_space<hbm>>
      %dma_wait3A_88 = tpu.memref_squeeze %dma_wait3A_87 : memref<1x125x80xi32, #tpu.memory_space<hbm>> -> memref<125x80xi32, #tpu.memory_space<hbm>>
      tpu.wait_dma2 semaphore(%run_scoped3A_72 : memref<!tpu.dma_semaphore, #tpu.memory_space<semaphore_mem>>) src(%dma_wait3A_88 : memref<125x80xi32, #tpu.memory_space<hbm>>) dst(%arg12 : memref<125x80xi32, #tpu.memory_space<vmem>>)
      tpu.yield
    }) : () -> ()
    %mul3A_32 = arith.constant 624 : i32
    %mul3A_33 = arith.muli %arg1, %mul3A_32 : i32
    "tpu.region"() ({
      %run_scoped3A_72 = tpu.sem_alloc : memref<!tpu.dma_semaphore, #tpu.memory_space<semaphore_mem>>
      %dma_start3A_73 = arith.constant 0 : i32
      %dma_start3A_74 = tpu.memref_slice %arg15[%mul3A_33, %dma_start3A_73] : memref<10000x128xf32, #tpu.memory_space<vmem_shared>> -> memref<624x128xf32, #tpu.memory_space<vmem_shared>>
      %dma_start3A_75 = arith.constant 0 : i32
      %dma_start3A_76 = arith.constant 0 : i32
      %dma_start3A_77 = tpu.memref_slice %arg8[%dma_start3A_75, %dma_start3A_76] : memref<624x128xf32, #tpu.memory_space<hbm>> -> memref<624x128xf32, #tpu.memory_space<hbm>>
      tpu.enqueue_dma source(%dma_start3A_77 : memref<624x128xf32, #tpu.memory_space<hbm>>) target(%dma_start3A_74 : memref<624x128xf32, #tpu.memory_space<vmem_shared>>) target_semaphore(%run_scoped3A_72 : memref<!tpu.dma_semaphore, #tpu.memory_space<semaphore_mem>>)
      %dma_wait3A_78 = arith.constant 0 : i32
      %dma_wait3A_79 = tpu.memref_slice %arg15[%mul3A_33, %dma_wait3A_78] : memref<10000x128xf32, #tpu.memory_space<vmem_shared>> -> memref<624x128xf32, #tpu.memory_space<vmem_shared>>
      %dma_wait3A_80 = arith.constant 0 : i32
      %dma_wait3A_81 = arith.constant 0 : i32
      %dma_wait3A_82 = tpu.memref_slice %arg8[%dma_wait3A_80, %dma_wait3A_81] : memref<624x128xf32, #tpu.memory_space<hbm>> -> memref<624x128xf32, #tpu.memory_space<hbm>>
      tpu.wait_dma2 semaphore(%run_scoped3A_72 : memref<!tpu.dma_semaphore, #tpu.memory_space<semaphore_mem>>) src(%dma_wait3A_82 : memref<624x128xf32, #tpu.memory_space<hbm>>) dst(%dma_wait3A_79 : memref<624x128xf32, #tpu.memory_space<vmem_shared>>)
      tpu.yield
    }) : () -> ()
    %eq3A_34 = arith.constant 15 : i32
    %eq3A_35 = arith.cmpi eq, %arg1, %eq3A_34 : i32
    %convert_element_type3A_36 = arith.extui %eq3A_35 : i1 to i32
    %cond3A_37 = arith.constant 0 : i32
    %cond3A_38 = arith.cmpi ne, %convert_element_type3A_36, %cond3A_37 : i32
    scf.if %cond3A_38 {
      "tpu.region"() ({
        %run_scoped3A_72 = tpu.sem_alloc : memref<!tpu.dma_semaphore, #tpu.memory_space<semaphore_mem>>
        %dma_start3A_73 = arith.constant 9984 : i32
        %dma_start3A_74 = arith.constant 0 : i32
        %dma_start3A_75 = tpu.memref_slice %arg15[%dma_start3A_73, %dma_start3A_74] : memref<10000x128xf32, #tpu.memory_space<vmem_shared>> -> memref<16x128xf32, #tpu.memory_space<vmem_shared>>
        %dma_start3A_76 = arith.constant 0 : i32
        %dma_start3A_77 = arith.constant 0 : i32
        %dma_start3A_78 = tpu.memref_slice %arg8[%dma_start3A_76, %dma_start3A_77] : memref<624x128xf32, #tpu.memory_space<hbm>> -> memref<16x128xf32, #tpu.memory_space<hbm>>
        tpu.enqueue_dma source(%dma_start3A_78 : memref<16x128xf32, #tpu.memory_space<hbm>>) target(%dma_start3A_75 : memref<16x128xf32, #tpu.memory_space<vmem_shared>>) target_semaphore(%run_scoped3A_72 : memref<!tpu.dma_semaphore, #tpu.memory_space<semaphore_mem>>)
        %dma_wait3A_79 = arith.constant 9984 : i32
        %dma_wait3A_80 = arith.constant 0 : i32
        %dma_wait3A_81 = tpu.memref_slice %arg15[%dma_wait3A_79, %dma_wait3A_80] : memref<10000x128xf32, #tpu.memory_space<vmem_shared>> -> memref<16x128xf32, #tpu.memory_space<vmem_shared>>
        %dma_wait3A_82 = arith.constant 0 : i32
        %dma_wait3A_83 = arith.constant 0 : i32
        %dma_wait3A_84 = tpu.memref_slice %arg8[%dma_wait3A_82, %dma_wait3A_83] : memref<624x128xf32, #tpu.memory_space<hbm>> -> memref<16x128xf32, #tpu.memory_space<hbm>>
        tpu.wait_dma2 semaphore(%run_scoped3A_72 : memref<!tpu.dma_semaphore, #tpu.memory_space<semaphore_mem>>) src(%dma_wait3A_84 : memref<16x128xf32, #tpu.memory_space<hbm>>) dst(%dma_wait3A_81 : memref<16x128xf32, #tpu.memory_space<vmem_shared>>)
        tpu.yield
      }) : () -> ()
    } else {
    }
    %barrier3A_39 = arith.constant 0 : index
    tpu.barrier barrier_id(%barrier3A_39)
    %dma_start3A_40 = arith.constant 0 : i32
    %dma_start3A_41 = tpu.memref_slice %arg11[%dma_start3A_40] : memref<10000xi32, #tpu.memory_space<vmem>> -> memref<80xi32, #tpu.memory_space<vmem>>
    %dma_start3A_42 = arith.constant 0 : i32
    %dma_start3A_43 = arith.constant 0 : i32
    %dma_start3A_44 = tpu.memref_slice %arg5[%dma_start3A_42, %dma_start3A_43] : memref<20000x128xf32, #tpu.memory_space<hbm>> -> memref<20000x128xf32, #tpu.memory_space<hbm>>
    tpu.enqueue_indirect_dma source(%dma_start3A_44 : memref<20000x128xf32, #tpu.memory_space<hbm>>) target(%arg13 : memref<80x128xf32, #tpu.memory_space<vmem>>) offsets(%dma_start3A_41 : memref<80xi32, #tpu.memory_space<vmem>>) semaphore(%arg16 : memref<!tpu.dma_semaphore, #tpu.memory_space<semaphore_mem>>)
    %dma_start3A_45 = arith.constant 80 : i32
    %dma_start3A_46 = tpu.memref_slice %arg11[%dma_start3A_45] : memref<10000xi32, #tpu.memory_space<vmem>> -> memref<80xi32, #tpu.memory_space<vmem>>
    %dma_start3A_47 = arith.constant 0 : i32
    %dma_start3A_48 = arith.constant 0 : i32
    %dma_start3A_49 = tpu.memref_slice %arg5[%dma_start3A_47, %dma_start3A_48] : memref<20000x128xf32, #tpu.memory_space<hbm>> -> memref<20000x128xf32, #tpu.memory_space<hbm>>
    tpu.enqueue_indirect_dma source(%dma_start3A_49 : memref<20000x128xf32, #tpu.memory_space<hbm>>) target(%arg14 : memref<80x128xf32, #tpu.memory_space<vmem>>) offsets(%dma_start3A_46 : memref<80xi32, #tpu.memory_space<vmem>>) semaphore(%arg17 : memref<!tpu.dma_semaphore, #tpu.memory_space<semaphore_mem>>)
    %scan3A_50 = arith.constant 0 : i32
    %scan3A_51 = arith.constant 0 : i32
    %scan3A_52 = arith.constant 62 : i32
    %scan3A_53 = arith.addi %scan3A_51, %scan3A_52 : i32
    %scan3A_54 = arith.constant 1 : i32
    scf.for %scan3A_72 = %scan3A_51 to %scan3A_53 step %scan3A_54  : i32 {
      %mul3A_73 = arith.constant 2 : i32
      %mul3A_74 = arith.muli %scan3A_72, %mul3A_73 : i32
      %mul3A_75 = arith.constant 80 : i32
      %mul3A_76 = arith.muli %mul3A_74, %mul3A_75 : i32
      %dma_wait3A_77 = tpu.memref_slice %arg11[%mul3A_76] : memref<10000xi32, #tpu.memory_space<vmem>> -> memref<80xi32, #tpu.memory_space<vmem>>
      %dma_wait3A_78 = arith.constant 0 : i32
      %dma_wait3A_79 = arith.constant 0 : i32
      %dma_wait3A_80 = tpu.memref_slice %arg5[%dma_wait3A_78, %dma_wait3A_79] : memref<20000x128xf32, #tpu.memory_space<hbm>> -> memref<20000x128xf32, #tpu.memory_space<hbm>>
      tpu.wait_indirect_dma semaphore(%arg16 : memref<!tpu.dma_semaphore, #tpu.memory_space<semaphore_mem>>) src(%dma_wait3A_80 : memref<20000x128xf32, #tpu.memory_space<hbm>>) dst(%arg13 : memref<80x128xf32, #tpu.memory_space<vmem>>)
      "tpu.region"() ({
        %run_scoped3A_103 = tpu.sem_alloc : memref<!tpu.dma_semaphore, #tpu.memory_space<semaphore_mem>>
        %dma_start3A_104 = arith.constant 0 : i32
        %dma_start3A_105 = tpu.memref_slice %arg12[%mul3A_74, %dma_start3A_104] : memref<125x80xi32, #tpu.memory_space<vmem>> -> memref<1x80xi32, #tpu.memory_space<vmem>>
        %dma_start3A_106 = tpu.memref_squeeze %dma_start3A_105 : memref<1x80xi32, #tpu.memory_space<vmem>> -> memref<80xi32, #tpu.memory_space<vmem>>
        %dma_start3A_107 = arith.constant 0 : i32
        %dma_start3A_108 = arith.constant 0 : i32
        %dma_start3A_109 = tpu.memref_slice %arg15[%dma_start3A_107, %dma_start3A_108] : memref<10000x128xf32, #tpu.memory_space<vmem_shared>> -> memref<10000x128xf32, #tpu.memory_space<vmem_shared>>
        tpu.enqueue_indirect_dma source(%arg13 : memref<80x128xf32, #tpu.memory_space<vmem>>) target(%dma_start3A_109 : memref<10000x128xf32, #tpu.memory_space<vmem_shared>>) offsets(%dma_start3A_106 : memref<80xi32, #tpu.memory_space<vmem>>) semaphore(%run_scoped3A_103 : memref<!tpu.dma_semaphore, #tpu.memory_space<semaphore_mem>>) {add = true}
        %dma_wait3A_110 = arith.constant 0 : i32
        %dma_wait3A_111 = tpu.memref_slice %arg12[%mul3A_74, %dma_wait3A_110] : memref<125x80xi32, #tpu.memory_space<vmem>> -> memref<1x80xi32, #tpu.memory_space<vmem>>
        %dma_wait3A_112 = tpu.memref_squeeze %dma_wait3A_111 : memref<1x80xi32, #tpu.memory_space<vmem>> -> memref<80xi32, #tpu.memory_space<vmem>>
        %dma_wait3A_113 = arith.constant 0 : i32
        %dma_wait3A_114 = arith.constant 0 : i32
        %dma_wait3A_115 = tpu.memref_slice %arg15[%dma_wait3A_113, %dma_wait3A_114] : memref<10000x128xf32, #tpu.memory_space<vmem_shared>> -> memref<10000x128xf32, #tpu.memory_space<vmem_shared>>
        tpu.wait_indirect_dma semaphore(%run_scoped3A_103 : memref<!tpu.dma_semaphore, #tpu.memory_space<semaphore_mem>>) src(%arg13 : memref<80x128xf32, #tpu.memory_space<vmem>>) dst(%dma_wait3A_115 : memref<10000x128xf32, #tpu.memory_space<vmem_shared>>)
        tpu.yield
      }) : () -> ()
      %add3A = arith.constant 2 : i32
      %add3A_81 = arith.addi %mul3A_74, %add3A : i32
      %lt3A = arith.constant 125 : i32
      %lt3A_82 = arith.cmpi slt, %add3A_81, %lt3A : i32
      %convert_element_type3A_83 = arith.extui %lt3A_82 : i1 to i32
      %cond3A_84 = arith.constant 0 : i32
      %cond3A_85 = arith.cmpi ne, %convert_element_type3A_83, %cond3A_84 : i32
      scf.if %cond3A_85 {
        %add3A_103 = arith.constant 2 : i32
        %add3A_104 = arith.addi %mul3A_74, %add3A_103 : i32
        %mul3A_105 = arith.constant 80 : i32
        %mul3A_106 = arith.muli %add3A_104, %mul3A_105 : i32
        %dma_start3A_107 = tpu.memref_slice %arg11[%mul3A_106] : memref<10000xi32, #tpu.memory_space<vmem>> -> memref<80xi32, #tpu.memory_space<vmem>>
        %dma_start3A_108 = arith.constant 0 : i32
        %dma_start3A_109 = arith.constant 0 : i32
        %dma_start3A_110 = tpu.memref_slice %arg5[%dma_start3A_108, %dma_start3A_109] : memref<20000x128xf32, #tpu.memory_space<hbm>> -> memref<20000x128xf32, #tpu.memory_space<hbm>>
        tpu.enqueue_indirect_dma source(%dma_start3A_110 : memref<20000x128xf32, #tpu.memory_space<hbm>>) target(%arg13 : memref<80x128xf32, #tpu.memory_space<vmem>>) offsets(%dma_start3A_107 : memref<80xi32, #tpu.memory_space<vmem>>) semaphore(%arg16 : memref<!tpu.dma_semaphore, #tpu.memory_space<semaphore_mem>>)
      } else {
      }
      %add3A_86 = arith.constant 1 : i32
      %add3A_87 = arith.addi %mul3A_74, %add3A_86 : i32
      %mul3A_88 = arith.constant 80 : i32
      %mul3A_89 = arith.muli %add3A_87, %mul3A_88 : i32
      %dma_wait3A_90 = tpu.memref_slice %arg11[%mul3A_89] : memref<10000xi32, #tpu.memory_space<vmem>> -> memref<80xi32, #tpu.memory_space<vmem>>
      %dma_wait3A_91 = arith.constant 0 : i32
      %dma_wait3A_92 = arith.constant 0 : i32
      %dma_wait3A_93 = tpu.memref_slice %arg5[%dma_wait3A_91, %dma_wait3A_92] : memref<20000x128xf32, #tpu.memory_space<hbm>> -> memref<20000x128xf32, #tpu.memory_space<hbm>>
      tpu.wait_indirect_dma semaphore(%arg17 : memref<!tpu.dma_semaphore, #tpu.memory_space<semaphore_mem>>) src(%dma_wait3A_93 : memref<20000x128xf32, #tpu.memory_space<hbm>>) dst(%arg14 : memref<80x128xf32, #tpu.memory_space<vmem>>)
      %add3A_94 = arith.constant 1 : i32
      %add3A_95 = arith.addi %mul3A_74, %add3A_94 : i32
      "tpu.region"() ({
        %run_scoped3A_103 = tpu.sem_alloc : memref<!tpu.dma_semaphore, #tpu.memory_space<semaphore_mem>>
        %dma_start3A_104 = arith.constant 0 : i32
        %dma_start3A_105 = tpu.memref_slice %arg12[%add3A_95, %dma_start3A_104] : memref<125x80xi32, #tpu.memory_space<vmem>> -> memref<1x80xi32, #tpu.memory_space<vmem>>
        %dma_start3A_106 = tpu.memref_squeeze %dma_start3A_105 : memref<1x80xi32, #tpu.memory_space<vmem>> -> memref<80xi32, #tpu.memory_space<vmem>>
        %dma_start3A_107 = arith.constant 0 : i32
        %dma_start3A_108 = arith.constant 0 : i32
        %dma_start3A_109 = tpu.memref_slice %arg15[%dma_start3A_107, %dma_start3A_108] : memref<10000x128xf32, #tpu.memory_space<vmem_shared>> -> memref<10000x128xf32, #tpu.memory_space<vmem_shared>>
        tpu.enqueue_indirect_dma source(%arg14 : memref<80x128xf32, #tpu.memory_space<vmem>>) target(%dma_start3A_109 : memref<10000x128xf32, #tpu.memory_space<vmem_shared>>) offsets(%dma_start3A_106 : memref<80xi32, #tpu.memory_space<vmem>>) semaphore(%run_scoped3A_103 : memref<!tpu.dma_semaphore, #tpu.memory_space<semaphore_mem>>) {add = true}
        %dma_wait3A_110 = arith.constant 0 : i32
        %dma_wait3A_111 = tpu.memref_slice %arg12[%add3A_95, %dma_wait3A_110] : memref<125x80xi32, #tpu.memory_space<vmem>> -> memref<1x80xi32, #tpu.memory_space<vmem>>
        %dma_wait3A_112 = tpu.memref_squeeze %dma_wait3A_111 : memref<1x80xi32, #tpu.memory_space<vmem>> -> memref<80xi32, #tpu.memory_space<vmem>>
        %dma_wait3A_113 = arith.constant 0 : i32
        %dma_wait3A_114 = arith.constant 0 : i32
        %dma_wait3A_115 = tpu.memref_slice %arg15[%dma_wait3A_113, %dma_wait3A_114] : memref<10000x128xf32, #tpu.memory_space<vmem_shared>> -> memref<10000x128xf32, #tpu.memory_space<vmem_shared>>
        tpu.wait_indirect_dma semaphore(%run_scoped3A_103 : memref<!tpu.dma_semaphore, #tpu.memory_space<semaphore_mem>>) src(%arg14 : memref<80x128xf32, #tpu.memory_space<vmem>>) dst(%dma_wait3A_115 : memref<10000x128xf32, #tpu.memory_space<vmem_shared>>)
        tpu.yield
      }) : () -> ()
      %add3A_96 = arith.constant 3 : i32
      %add3A_97 = arith.addi %mul3A_74, %add3A_96 : i32
      %lt3A_98 = arith.constant 125 : i32
      %lt3A_99 = arith.cmpi slt, %add3A_97, %lt3A_98 : i32
      %convert_element_type3A_100 = arith.extui %lt3A_99 : i1 to i32
      %cond3A_101 = arith.constant 0 : i32
      %cond3A_102 = arith.cmpi ne, %convert_element_type3A_100, %cond3A_101 : i32
      scf.if %cond3A_102 {
        %add3A_103 = arith.constant 3 : i32
        %add3A_104 = arith.addi %mul3A_74, %add3A_103 : i32
        %mul3A_105 = arith.constant 80 : i32
        %mul3A_106 = arith.muli %add3A_104, %mul3A_105 : i32
        %dma_start3A_107 = tpu.memref_slice %arg11[%mul3A_106] : memref<10000xi32, #tpu.memory_space<vmem>> -> memref<80xi32, #tpu.memory_space<vmem>>
        %dma_start3A_108 = arith.constant 0 : i32
        %dma_start3A_109 = arith.constant 0 : i32
        %dma_start3A_110 = tpu.memref_slice %arg5[%dma_start3A_108, %dma_start3A_109] : memref<20000x128xf32, #tpu.memory_space<hbm>> -> memref<20000x128xf32, #tpu.memory_space<hbm>>
        tpu.enqueue_indirect_dma source(%dma_start3A_110 : memref<20000x128xf32, #tpu.memory_space<hbm>>) target(%arg14 : memref<80x128xf32, #tpu.memory_space<vmem>>) offsets(%dma_start3A_107 : memref<80xi32, #tpu.memory_space<vmem>>) semaphore(%arg17 : memref<!tpu.dma_semaphore, #tpu.memory_space<semaphore_mem>>)
      } else {
      }
    }
    %scan3A_55 = arith.constant 62 : i32
    %dma_wait3A_56 = arith.constant 9920 : i32
    %dma_wait3A_57 = tpu.memref_slice %arg11[%dma_wait3A_56] : memref<10000xi32, #tpu.memory_space<vmem>> -> memref<80xi32, #tpu.memory_space<vmem>>
    %dma_wait3A_58 = arith.constant 0 : i32
    %dma_wait3A_59 = arith.constant 0 : i32
    %dma_wait3A_60 = tpu.memref_slice %arg5[%dma_wait3A_58, %dma_wait3A_59] : memref<20000x128xf32, #tpu.memory_space<hbm>> -> memref<20000x128xf32, #tpu.memory_space<hbm>>
    tpu.wait_indirect_dma semaphore(%arg16 : memref<!tpu.dma_semaphore, #tpu.memory_space<semaphore_mem>>) src(%dma_wait3A_60 : memref<20000x128xf32, #tpu.memory_space<hbm>>) dst(%arg13 : memref<80x128xf32, #tpu.memory_space<vmem>>)
    %run_scoped3A_61 = arith.constant 124 : i32
    "tpu.region"() ({
      %run_scoped3A_72 = tpu.sem_alloc : memref<!tpu.dma_semaphore, #tpu.memory_space<semaphore_mem>>
      %dma_start3A_73 = arith.constant 0 : i32
      %dma_start3A_74 = tpu.memref_slice %arg12[%run_scoped3A_61, %dma_start3A_73] : memref<125x80xi32, #tpu.memory_space<vmem>> -> memref<1x80xi32, #tpu.memory_space<vmem>>
      %dma_start3A_75 = tpu.memref_squeeze %dma_start3A_74 : memref<1x80xi32, #tpu.memory_space<vmem>> -> memref<80xi32, #tpu.memory_space<vmem>>
      %dma_start3A_76 = arith.constant 0 : i32
      %dma_start3A_77 = arith.constant 0 : i32
      %dma_start3A_78 = tpu.memref_slice %arg15[%dma_start3A_76, %dma_start3A_77] : memref<10000x128xf32, #tpu.memory_space<vmem_shared>> -> memref<10000x128xf32, #tpu.memory_space<vmem_shared>>
      tpu.enqueue_indirect_dma source(%arg13 : memref<80x128xf32, #tpu.memory_space<vmem>>) target(%dma_start3A_78 : memref<10000x128xf32, #tpu.memory_space<vmem_shared>>) offsets(%dma_start3A_75 : memref<80xi32, #tpu.memory_space<vmem>>) semaphore(%run_scoped3A_72 : memref<!tpu.dma_semaphore, #tpu.memory_space<semaphore_mem>>) {add = true}
      %dma_wait3A_79 = arith.constant 0 : i32
      %dma_wait3A_80 = tpu.memref_slice %arg12[%run_scoped3A_61, %dma_wait3A_79] : memref<125x80xi32, #tpu.memory_space<vmem>> -> memref<1x80xi32, #tpu.memory_space<vmem>>
      %dma_wait3A_81 = tpu.memref_squeeze %dma_wait3A_80 : memref<1x80xi32, #tpu.memory_space<vmem>> -> memref<80xi32, #tpu.memory_space<vmem>>
      %dma_wait3A_82 = arith.constant 0 : i32
      %dma_wait3A_83 = arith.constant 0 : i32
      %dma_wait3A_84 = tpu.memref_slice %arg15[%dma_wait3A_82, %dma_wait3A_83] : memref<10000x128xf32, #tpu.memory_space<vmem_shared>> -> memref<10000x128xf32, #tpu.memory_space<vmem_shared>>
      tpu.wait_indirect_dma semaphore(%run_scoped3A_72 : memref<!tpu.dma_semaphore, #tpu.memory_space<semaphore_mem>>) src(%arg13 : memref<80x128xf32, #tpu.memory_space<vmem>>) dst(%dma_wait3A_84 : memref<10000x128xf32, #tpu.memory_space<vmem_shared>>)
      tpu.yield
    }) : () -> ()
    %barrier3A_62 = arith.constant 0 : index
    tpu.barrier barrier_id(%barrier3A_62)
    %mul3A_63 = arith.constant 624 : i32
    %mul3A_64 = arith.muli %arg1, %mul3A_63 : i32
    %mul3A_65 = arith.constant 624 : i32
    %mul3A_66 = arith.muli %arg1, %mul3A_65 : i32
    "tpu.region"() ({
      %run_scoped3A_72 = tpu.sem_alloc : memref<!tpu.dma_semaphore, #tpu.memory_space<semaphore_mem>>
      %dma_start3A_73 = arith.constant 0 : i32
      %dma_start3A_74 = tpu.memref_slice %arg10[%arg0, %mul3A_66, %dma_start3A_73] : memref<2x10000x128xf32, #tpu.memory_space<hbm>> -> memref<1x624x128xf32, #tpu.memory_space<hbm>>
      %dma_start3A_75 = tpu.memref_squeeze %dma_start3A_74 : memref<1x624x128xf32, #tpu.memory_space<hbm>> -> memref<624x128xf32, #tpu.memory_space<hbm>>
      %dma_start3A_76 = arith.constant 0 : i32
      %dma_start3A_77 = tpu.memref_slice %arg15[%mul3A_64, %dma_start3A_76] : memref<10000x128xf32, #tpu.memory_space<vmem_shared>> -> memref<624x128xf32, #tpu.memory_space<vmem_shared>>
      tpu.enqueue_dma source(%dma_start3A_77 : memref<624x128xf32, #tpu.memory_space<vmem_shared>>) target(%dma_start3A_75 : memref<624x128xf32, #tpu.memory_space<hbm>>) target_semaphore(%run_scoped3A_72 : memref<!tpu.dma_semaphore, #tpu.memory_space<semaphore_mem>>)
      %dma_wait3A_78 = arith.constant 0 : i32
      %dma_wait3A_79 = tpu.memref_slice %arg10[%arg0, %mul3A_66, %dma_wait3A_78] : memref<2x10000x128xf32, #tpu.memory_space<hbm>> -> memref<1x624x128xf32, #tpu.memory_space<hbm>>
      %dma_wait3A_80 = tpu.memref_squeeze %dma_wait3A_79 : memref<1x624x128xf32, #tpu.memory_space<hbm>> -> memref<624x128xf32, #tpu.memory_space<hbm>>
      %dma_wait3A_81 = arith.constant 0 : i32
      %dma_wait3A_82 = tpu.memref_slice %arg15[%mul3A_64, %dma_wait3A_81] : memref<10000x128xf32, #tpu.memory_space<vmem_shared>> -> memref<624x128xf32, #tpu.memory_space<vmem_shared>>
      tpu.wait_dma2 semaphore(%run_scoped3A_72 : memref<!tpu.dma_semaphore, #tpu.memory_space<semaphore_mem>>) src(%dma_wait3A_82 : memref<624x128xf32, #tpu.memory_space<vmem_shared>>) dst(%dma_wait3A_80 : memref<624x128xf32, #tpu.memory_space<hbm>>)
      tpu.yield
    }) : () -> ()
    %eq3A_67 = arith.constant 15 : i32
    %eq3A_68 = arith.cmpi eq, %arg1, %eq3A_67 : i32
    %convert_element_type3A_69 = arith.extui %eq3A_68 : i1 to i32
    %cond3A_70 = arith.constant 0 : i32
    %cond3A_71 = arith.cmpi ne, %convert_element_type3A_69, %cond3A_70 : i32
    scf.if %cond3A_71 {
      "tpu.region"() ({
        %run_scoped3A_72 = tpu.sem_alloc : memref<!tpu.dma_semaphore, #tpu.memory_space<semaphore_mem>>
        %dma_start3A_73 = arith.constant 9984 : i32
        %dma_start3A_74 = arith.constant 0 : i32
        %dma_start3A_75 = tpu.memref_slice %arg10[%arg0, %dma_start3A_73, %dma_start3A_74] : memref<2x10000x128xf32, #tpu.memory_space<hbm>> -> memref<1x16x128xf32, #tpu.memory_space<hbm>>
        %dma_start3A_76 = tpu.memref_squeeze %dma_start3A_75 : memref<1x16x128xf32, #tpu.memory_space<hbm>> -> memref<16x128xf32, #tpu.memory_space<hbm>>
        %dma_start3A_77 = arith.constant 9984 : i32
        %dma_start3A_78 = arith.constant 0 : i32
        %dma_start3A_79 = tpu.memref_slice %arg15[%dma_start3A_77, %dma_start3A_78] : memref<10000x128xf32, #tpu.memory_space<vmem_shared>> -> memref<16x128xf32, #tpu.memory_space<vmem_shared>>
        tpu.enqueue_dma source(%dma_start3A_79 : memref<16x128xf32, #tpu.memory_space<vmem_shared>>) target(%dma_start3A_76 : memref<16x128xf32, #tpu.memory_space<hbm>>) target_semaphore(%run_scoped3A_72 : memref<!tpu.dma_semaphore, #tpu.memory_space<semaphore_mem>>)
        %dma_wait3A_80 = arith.constant 9984 : i32
        %dma_wait3A_81 = arith.constant 0 : i32
        %dma_wait3A_82 = tpu.memref_slice %arg10[%arg0, %dma_wait3A_80, %dma_wait3A_81] : memref<2x10000x128xf32, #tpu.memory_space<hbm>> -> memref<1x16x128xf32, #tpu.memory_space<hbm>>
        %dma_wait3A_83 = tpu.memref_squeeze %dma_wait3A_82 : memref<1x16x128xf32, #tpu.memory_space<hbm>> -> memref<16x128xf32, #tpu.memory_space<hbm>>
        %dma_wait3A_84 = arith.constant 9984 : i32
        %dma_wait3A_85 = arith.constant 0 : i32
        %dma_wait3A_86 = tpu.memref_slice %arg15[%dma_wait3A_84, %dma_wait3A_85] : memref<10000x128xf32, #tpu.memory_space<vmem_shared>> -> memref<16x128xf32, #tpu.memory_space<vmem_shared>>
        tpu.wait_dma2 semaphore(%run_scoped3A_72 : memref<!tpu.dma_semaphore, #tpu.memory_space<semaphore_mem>>) src(%dma_wait3A_86 : memref<16x128xf32, #tpu.memory_space<vmem_shared>>) dst(%dma_wait3A_83 : memref<16x128xf32, #tpu.memory_space<hbm>>)
        tpu.yield
      }) : () -> ()
    } else {
    }
    return
  }
}

#map = affine_map<(d0, d1) -> (0, 0)>
#map1 = affine_map<(d0, d1) -> (0, 0, 0)>
module attributes {stable_mosaic.version = 14 : i64} {
  func.func @_segsum_body(%arg0: i32, %arg1: i32, %arg2: memref<20000x128xf32, #tpu.memory_space<hbm>>, %arg3: memref<2x16x10000xi32, #tpu.memory_space<hbm>>, %arg4: memref<16x125x80xi32, #tpu.memory_space<hbm>>, %arg5: memref<20000x128xf32, #tpu.memory_space<hbm>>, %arg6: memref<2x16x10000xi32, #tpu.memory_space<hbm>>, %arg7: memref<16x125x80xi32, #tpu.memory_space<hbm>>, %arg8: memref<624x128xf32, #tpu.memory_space<hbm>>, %arg9: memref<2x10000x128xf32, #tpu.memory_space<hbm>>, %arg10: memref<2x10000x128xf32, #tpu.memory_space<hbm>>, %arg11: memref<10000xi32, #tpu.memory_space<vmem>>, %arg12: memref<125x80xi32, #tpu.memory_space<vmem>>, %arg13: memref<80x128xf32, #tpu.memory_space<vmem>>, %arg14: memref<80x128xf32, #tpu.memory_space<vmem>>, %arg15: memref<10000x128xf32, #tpu.memory_space<vmem_shared>>, %arg16: memref<!tpu.dma_semaphore, #tpu.memory_space<semaphore_mem>>, %arg17: memref<!tpu.dma_semaphore, #tpu.memory_space<semaphore_mem>>) attributes {dimension_semantics = [#tpu.dimension_semantics<core_parallel>, #tpu.dimension_semantics<subcore_parallel>], iteration_bounds = array<i64: 2, 16>, scalar_prefetch = 0 : i64, scratch_operands = 7 : i64, tpu.core_type = #tpu.core_type<sc_vector_subcore>, window_params = [{transform_indices = #map}, {transform_indices = #map1}, {transform_indices = #map1}, {transform_indices = #map}, {transform_indices = #map1}, {transform_indices = #map1}, {transform_indices = #map}, {transform_indices = #map1}, {transform_indices = #map1}]} {
    "tpu.region"() ({
      %run_scoped3A_72 = tpu.sem_alloc : memref<!tpu.dma_semaphore, #tpu.memory_space<semaphore_mem>>
      %dma_start3A_73 = arith.constant 0 : i32
      %dma_start3A_74 = tpu.memref_slice %arg3[%arg0, %arg1, %dma_start3A_73] : memref<2x16x10000xi32, #tpu.memory_space<hbm>> -> memref<1x1x10000xi32, #tpu.memory_space<hbm>>
      %dma_start3A_75 = tpu.memref_squeeze %dma_start3A_74 : memref<1x1x10000xi32, #tpu.memory_space<hbm>> -> memref<10000xi32, #tpu.memory_space<hbm>>
      %dma_start3A_76 = arith.constant 0 : i32
      %dma_start3A_77 = tpu.memref_slice %arg3[%arg0, %arg1, %dma_start3A_76] : memref<2x16x10000xi32, #tpu.memory_space<hbm>> -> memref<1x1x10000xi32, #tpu.memory_space<hbm>>
      %dma_start3A_78 = tpu.memref_squeeze %dma_start3A_77 : memref<1x1x10000xi32, #tpu.memory_space<hbm>> -> memref<10000xi32, #tpu.memory_space<hbm>>
      tpu.enqueue_dma source(%dma_start3A_78 : memref<10000xi32, #tpu.memory_space<hbm>>) target(%arg11 : memref<10000xi32, #tpu.memory_space<vmem>>) target_semaphore(%run_scoped3A_72 : memref<!tpu.dma_semaphore, #tpu.memory_space<semaphore_mem>>)
      %dma_wait3A_79 = arith.constant 0 : i32
      %dma_wait3A_80 = tpu.memref_slice %arg3[%arg0, %arg1, %dma_wait3A_79] : memref<2x16x10000xi32, #tpu.memory_space<hbm>> -> memref<1x1x10000xi32, #tpu.memory_space<hbm>>
      %dma_wait3A_81 = tpu.memref_squeeze %dma_wait3A_80 : memref<1x1x10000xi32, #tpu.memory_space<hbm>> -> memref<10000xi32, #tpu.memory_space<hbm>>
      %dma_wait3A_82 = arith.constant 0 : i32
      %dma_wait3A_83 = tpu.memref_slice %arg3[%arg0, %arg1, %dma_wait3A_82] : memref<2x16x10000xi32, #tpu.memory_space<hbm>> -> memref<1x1x10000xi32, #tpu.memory_space<hbm>>
      %dma_wait3A_84 = tpu.memref_squeeze %dma_wait3A_83 : memref<1x1x10000xi32, #tpu.memory_space<hbm>> -> memref<10000xi32, #tpu.memory_space<hbm>>
      tpu.wait_dma2 semaphore(%run_scoped3A_72 : memref<!tpu.dma_semaphore, #tpu.memory_space<semaphore_mem>>) src(%dma_wait3A_84 : memref<10000xi32, #tpu.memory_space<hbm>>) dst(%arg11 : memref<10000xi32, #tpu.memory_space<vmem>>)
      tpu.yield
    }) : () -> ()
    "tpu.region"() ({
      %run_scoped3A_72 = tpu.sem_alloc : memref<!tpu.dma_semaphore, #tpu.memory_space<semaphore_mem>>
      %dma_start3A_73 = arith.constant 0 : i32
      %dma_start3A_74 = arith.constant 0 : i32
      %dma_start3A_75 = tpu.memref_slice %arg4[%arg1, %dma_start3A_73, %dma_start3A_74] : memref<16x125x80xi32, #tpu.memory_space<hbm>> -> memref<1x125x80xi32, #tpu.memory_space<hbm>>
      %dma_start3A_76 = tpu.memref_squeeze %dma_start3A_75 : memref<1x125x80xi32, #tpu.memory_space<hbm>> -> memref<125x80xi32, #tpu.memory_space<hbm>>
      %dma_start3A_77 = arith.constant 0 : i32
      %dma_start3A_78 = arith.constant 0 : i32
      %dma_start3A_79 = tpu.memref_slice %arg4[%arg1, %dma_start3A_77, %dma_start3A_78] : memref<16x125x80xi32, #tpu.memory_space<hbm>> -> memref<1x125x80xi32, #tpu.memory_space<hbm>>
      %dma_start3A_80 = tpu.memref_squeeze %dma_start3A_79 : memref<1x125x80xi32, #tpu.memory_space<hbm>> -> memref<125x80xi32, #tpu.memory_space<hbm>>
      tpu.enqueue_dma source(%dma_start3A_80 : memref<125x80xi32, #tpu.memory_space<hbm>>) target(%arg12 : memref<125x80xi32, #tpu.memory_space<vmem>>) target_semaphore(%run_scoped3A_72 : memref<!tpu.dma_semaphore, #tpu.memory_space<semaphore_mem>>)
      %dma_wait3A_81 = arith.constant 0 : i32
      %dma_wait3A_82 = arith.constant 0 : i32
      %dma_wait3A_83 = tpu.memref_slice %arg4[%arg1, %dma_wait3A_81, %dma_wait3A_82] : memref<16x125x80xi32, #tpu.memory_space<hbm>> -> memref<1x125x80xi32, #tpu.memory_space<hbm>>
      %dma_wait3A_84 = tpu.memref_squeeze %dma_wait3A_83 : memref<1x125x80xi32, #tpu.memory_space<hbm>> -> memref<125x80xi32, #tpu.memory_space<hbm>>
      %dma_wait3A_85 = arith.constant 0 : i32
      %dma_wait3A_86 = arith.constant 0 : i32
      %dma_wait3A_87 = tpu.memref_slice %arg4[%arg1, %dma_wait3A_85, %dma_wait3A_86] : memref<16x125x80xi32, #tpu.memory_space<hbm>> -> memref<1x125x80xi32, #tpu.memory_space<hbm>>
      %dma_wait3A_88 = tpu.memref_squeeze %dma_wait3A_87 : memref<1x125x80xi32, #tpu.memory_space<hbm>> -> memref<125x80xi32, #tpu.memory_space<hbm>>
      tpu.wait_dma2 semaphore(%run_scoped3A_72 : memref<!tpu.dma_semaphore, #tpu.memory_space<semaphore_mem>>) src(%dma_wait3A_88 : memref<125x80xi32, #tpu.memory_space<hbm>>) dst(%arg12 : memref<125x80xi32, #tpu.memory_space<vmem>>)
      tpu.yield
    }) : () -> ()
    %mul3A = arith.constant 624 : i32
    %mul3A_0 = arith.muli %arg1, %mul3A : i32
    "tpu.region"() ({
      %run_scoped3A_72 = tpu.sem_alloc : memref<!tpu.dma_semaphore, #tpu.memory_space<semaphore_mem>>
      %dma_start3A_73 = arith.constant 0 : i32
      %dma_start3A_74 = tpu.memref_slice %arg15[%mul3A_0, %dma_start3A_73] : memref<10000x128xf32, #tpu.memory_space<vmem_shared>> -> memref<624x128xf32, #tpu.memory_space<vmem_shared>>
      %dma_start3A_75 = arith.constant 0 : i32
      %dma_start3A_76 = arith.constant 0 : i32
      %dma_start3A_77 = tpu.memref_slice %arg8[%dma_start3A_75, %dma_start3A_76] : memref<624x128xf32, #tpu.memory_space<hbm>> -> memref<624x128xf32, #tpu.memory_space<hbm>>
      tpu.enqueue_dma source(%dma_start3A_77 : memref<624x128xf32, #tpu.memory_space<hbm>>) target(%dma_start3A_74 : memref<624x128xf32, #tpu.memory_space<vmem_shared>>) target_semaphore(%run_scoped3A_72 : memref<!tpu.dma_semaphore, #tpu.memory_space<semaphore_mem>>)
      %dma_wait3A_78 = arith.constant 0 : i32
      %dma_wait3A_79 = tpu.memref_slice %arg15[%mul3A_0, %dma_wait3A_78] : memref<10000x128xf32, #tpu.memory_space<vmem_shared>> -> memref<624x128xf32, #tpu.memory_space<vmem_shared>>
      %dma_wait3A_80 = arith.constant 0 : i32
      %dma_wait3A_81 = arith.constant 0 : i32
      %dma_wait3A_82 = tpu.memref_slice %arg8[%dma_wait3A_80, %dma_wait3A_81] : memref<624x128xf32, #tpu.memory_space<hbm>> -> memref<624x128xf32, #tpu.memory_space<hbm>>
      tpu.wait_dma2 semaphore(%run_scoped3A_72 : memref<!tpu.dma_semaphore, #tpu.memory_space<semaphore_mem>>) src(%dma_wait3A_82 : memref<624x128xf32, #tpu.memory_space<hbm>>) dst(%dma_wait3A_79 : memref<624x128xf32, #tpu.memory_space<vmem_shared>>)
      tpu.yield
    }) : () -> ()
    %eq3A = arith.constant 15 : i32
    %eq3A_1 = arith.cmpi eq, %arg1, %eq3A : i32
    %convert_element_type3A = arith.extui %eq3A_1 : i1 to i32
    %cond3A = arith.constant 0 : i32
    %cond3A_2 = arith.cmpi ne, %convert_element_type3A, %cond3A : i32
    scf.if %cond3A_2 {
      "tpu.region"() ({
        %run_scoped3A_72 = tpu.sem_alloc : memref<!tpu.dma_semaphore, #tpu.memory_space<semaphore_mem>>
        %dma_start3A_73 = arith.constant 9984 : i32
        %dma_start3A_74 = arith.constant 0 : i32
        %dma_start3A_75 = tpu.memref_slice %arg15[%dma_start3A_73, %dma_start3A_74] : memref<10000x128xf32, #tpu.memory_space<vmem_shared>> -> memref<16x128xf32, #tpu.memory_space<vmem_shared>>
        %dma_start3A_76 = arith.constant 0 : i32
        %dma_start3A_77 = arith.constant 0 : i32
        %dma_start3A_78 = tpu.memref_slice %arg8[%dma_start3A_76, %dma_start3A_77] : memref<624x128xf32, #tpu.memory_space<hbm>> -> memref<16x128xf32, #tpu.memory_space<hbm>>
        tpu.enqueue_dma source(%dma_start3A_78 : memref<16x128xf32, #tpu.memory_space<hbm>>) target(%dma_start3A_75 : memref<16x128xf32, #tpu.memory_space<vmem_shared>>) target_semaphore(%run_scoped3A_72 : memref<!tpu.dma_semaphore, #tpu.memory_space<semaphore_mem>>)
        %dma_wait3A_79 = arith.constant 9984 : i32
        %dma_wait3A_80 = arith.constant 0 : i32
        %dma_wait3A_81 = tpu.memref_slice %arg15[%dma_wait3A_79, %dma_wait3A_80] : memref<10000x128xf32, #tpu.memory_space<vmem_shared>> -> memref<16x128xf32, #tpu.memory_space<vmem_shared>>
        %dma_wait3A_82 = arith.constant 0 : i32
        %dma_wait3A_83 = arith.constant 0 : i32
        %dma_wait3A_84 = tpu.memref_slice %arg8[%dma_wait3A_82, %dma_wait3A_83] : memref<624x128xf32, #tpu.memory_space<hbm>> -> memref<16x128xf32, #tpu.memory_space<hbm>>
        tpu.wait_dma2 semaphore(%run_scoped3A_72 : memref<!tpu.dma_semaphore, #tpu.memory_space<semaphore_mem>>) src(%dma_wait3A_84 : memref<16x128xf32, #tpu.memory_space<hbm>>) dst(%dma_wait3A_81 : memref<16x128xf32, #tpu.memory_space<vmem_shared>>)
        tpu.yield
      }) : () -> ()
    } else {
    }
    %barrier3A = arith.constant 0 : index
    tpu.barrier barrier_id(%barrier3A)
    %dma_start3A = arith.constant 0 : i32
    %dma_start3A_3 = tpu.memref_slice %arg11[%dma_start3A] : memref<10000xi32, #tpu.memory_space<vmem>> -> memref<80xi32, #tpu.memory_space<vmem>>
    %dma_start3A_4 = arith.constant 0 : i32
    %dma_start3A_5 = arith.constant 0 : i32
    %dma_start3A_6 = tpu.memref_slice %arg2[%dma_start3A_4, %dma_start3A_5] : memref<20000x128xf32, #tpu.memory_space<hbm>> -> memref<20000x128xf32, #tpu.memory_space<hbm>>
    tpu.enqueue_indirect_dma source(%dma_start3A_6 : memref<20000x128xf32, #tpu.memory_space<hbm>>) target(%arg13 : memref<80x128xf32, #tpu.memory_space<vmem>>) offsets(%dma_start3A_3 : memref<80xi32, #tpu.memory_space<vmem>>) semaphore(%arg16 : memref<!tpu.dma_semaphore, #tpu.memory_space<semaphore_mem>>)
    %dma_start3A_7 = arith.constant 80 : i32
    %dma_start3A_8 = tpu.memref_slice %arg11[%dma_start3A_7] : memref<10000xi32, #tpu.memory_space<vmem>> -> memref<80xi32, #tpu.memory_space<vmem>>
    %dma_start3A_9 = arith.constant 0 : i32
    %dma_start3A_10 = arith.constant 0 : i32
    %dma_start3A_11 = tpu.memref_slice %arg2[%dma_start3A_9, %dma_start3A_10] : memref<20000x128xf32, #tpu.memory_space<hbm>> -> memref<20000x128xf32, #tpu.memory_space<hbm>>
    tpu.enqueue_indirect_dma source(%dma_start3A_11 : memref<20000x128xf32, #tpu.memory_space<hbm>>) target(%arg14 : memref<80x128xf32, #tpu.memory_space<vmem>>) offsets(%dma_start3A_8 : memref<80xi32, #tpu.memory_space<vmem>>) semaphore(%arg17 : memref<!tpu.dma_semaphore, #tpu.memory_space<semaphore_mem>>)
    %scan3A = arith.constant 0 : i32
    %scan3A_12 = arith.constant 0 : i32
    %scan3A_13 = arith.constant 62 : i32
    %scan3A_14 = arith.addi %scan3A_12, %scan3A_13 : i32
    %scan3A_15 = arith.constant 1 : i32
    scf.for %scan3A_72 = %scan3A_12 to %scan3A_14 step %scan3A_15  : i32 {
      %mul3A_73 = arith.constant 2 : i32
      %mul3A_74 = arith.muli %scan3A_72, %mul3A_73 : i32
      %mul3A_75 = arith.constant 80 : i32
      %mul3A_76 = arith.muli %mul3A_74, %mul3A_75 : i32
      %dma_wait3A_77 = tpu.memref_slice %arg11[%mul3A_76] : memref<10000xi32, #tpu.memory_space<vmem>> -> memref<80xi32, #tpu.memory_space<vmem>>
      %dma_wait3A_78 = arith.constant 0 : i32
      %dma_wait3A_79 = arith.constant 0 : i32
      %dma_wait3A_80 = tpu.memref_slice %arg2[%dma_wait3A_78, %dma_wait3A_79] : memref<20000x128xf32, #tpu.memory_space<hbm>> -> memref<20000x128xf32, #tpu.memory_space<hbm>>
      tpu.wait_indirect_dma semaphore(%arg16 : memref<!tpu.dma_semaphore, #tpu.memory_space<semaphore_mem>>) src(%dma_wait3A_80 : memref<20000x128xf32, #tpu.memory_space<hbm>>) dst(%arg13 : memref<80x128xf32, #tpu.memory_space<vmem>>)
      "tpu.region"() ({
        %run_scoped3A_103 = tpu.sem_alloc : memref<!tpu.dma_semaphore, #tpu.memory_space<semaphore_mem>>
        %dma_start3A_104 = arith.constant 0 : i32
        %dma_start3A_105 = tpu.memref_slice %arg12[%mul3A_74, %dma_start3A_104] : memref<125x80xi32, #tpu.memory_space<vmem>> -> memref<1x80xi32, #tpu.memory_space<vmem>>
        %dma_start3A_106 = tpu.memref_squeeze %dma_start3A_105 : memref<1x80xi32, #tpu.memory_space<vmem>> -> memref<80xi32, #tpu.memory_space<vmem>>
        %dma_start3A_107 = arith.constant 0 : i32
        %dma_start3A_108 = arith.constant 0 : i32
        %dma_start3A_109 = tpu.memref_slice %arg15[%dma_start3A_107, %dma_start3A_108] : memref<10000x128xf32, #tpu.memory_space<vmem_shared>> -> memref<10000x128xf32, #tpu.memory_space<vmem_shared>>
        tpu.enqueue_indirect_dma source(%arg13 : memref<80x128xf32, #tpu.memory_space<vmem>>) target(%dma_start3A_109 : memref<10000x128xf32, #tpu.memory_space<vmem_shared>>) offsets(%dma_start3A_106 : memref<80xi32, #tpu.memory_space<vmem>>) semaphore(%run_scoped3A_103 : memref<!tpu.dma_semaphore, #tpu.memory_space<semaphore_mem>>) {add = true}
        %dma_wait3A_110 = arith.constant 0 : i32
        %dma_wait3A_111 = tpu.memref_slice %arg12[%mul3A_74, %dma_wait3A_110] : memref<125x80xi32, #tpu.memory_space<vmem>> -> memref<1x80xi32, #tpu.memory_space<vmem>>
        %dma_wait3A_112 = tpu.memref_squeeze %dma_wait3A_111 : memref<1x80xi32, #tpu.memory_space<vmem>> -> memref<80xi32, #tpu.memory_space<vmem>>
        %dma_wait3A_113 = arith.constant 0 : i32
        %dma_wait3A_114 = arith.constant 0 : i32
        %dma_wait3A_115 = tpu.memref_slice %arg15[%dma_wait3A_113, %dma_wait3A_114] : memref<10000x128xf32, #tpu.memory_space<vmem_shared>> -> memref<10000x128xf32, #tpu.memory_space<vmem_shared>>
        tpu.wait_indirect_dma semaphore(%run_scoped3A_103 : memref<!tpu.dma_semaphore, #tpu.memory_space<semaphore_mem>>) src(%arg13 : memref<80x128xf32, #tpu.memory_space<vmem>>) dst(%dma_wait3A_115 : memref<10000x128xf32, #tpu.memory_space<vmem_shared>>)
        tpu.yield
      }) : () -> ()
      %add3A = arith.constant 2 : i32
      %add3A_81 = arith.addi %mul3A_74, %add3A : i32
      %lt3A = arith.constant 125 : i32
      %lt3A_82 = arith.cmpi slt, %add3A_81, %lt3A : i32
      %convert_element_type3A_83 = arith.extui %lt3A_82 : i1 to i32
      %cond3A_84 = arith.constant 0 : i32
      %cond3A_85 = arith.cmpi ne, %convert_element_type3A_83, %cond3A_84 : i32
      scf.if %cond3A_85 {
        %add3A_103 = arith.constant 2 : i32
        %add3A_104 = arith.addi %mul3A_74, %add3A_103 : i32
        %mul3A_105 = arith.constant 80 : i32
        %mul3A_106 = arith.muli %add3A_104, %mul3A_105 : i32
        %dma_start3A_107 = tpu.memref_slice %arg11[%mul3A_106] : memref<10000xi32, #tpu.memory_space<vmem>> -> memref<80xi32, #tpu.memory_space<vmem>>
        %dma_start3A_108 = arith.constant 0 : i32
        %dma_start3A_109 = arith.constant 0 : i32
        %dma_start3A_110 = tpu.memref_slice %arg2[%dma_start3A_108, %dma_start3A_109] : memref<20000x128xf32, #tpu.memory_space<hbm>> -> memref<20000x128xf32, #tpu.memory_space<hbm>>
        tpu.enqueue_indirect_dma source(%dma_start3A_110 : memref<20000x128xf32, #tpu.memory_space<hbm>>) target(%arg13 : memref<80x128xf32, #tpu.memory_space<vmem>>) offsets(%dma_start3A_107 : memref<80xi32, #tpu.memory_space<vmem>>) semaphore(%arg16 : memref<!tpu.dma_semaphore, #tpu.memory_space<semaphore_mem>>)
      } else {
      }
      %add3A_86 = arith.constant 1 : i32
      %add3A_87 = arith.addi %mul3A_74, %add3A_86 : i32
      %mul3A_88 = arith.constant 80 : i32
      %mul3A_89 = arith.muli %add3A_87, %mul3A_88 : i32
      %dma_wait3A_90 = tpu.memref_slice %arg11[%mul3A_89] : memref<10000xi32, #tpu.memory_space<vmem>> -> memref<80xi32, #tpu.memory_space<vmem>>
      %dma_wait3A_91 = arith.constant 0 : i32
      %dma_wait3A_92 = arith.constant 0 : i32
      %dma_wait3A_93 = tpu.memref_slice %arg2[%dma_wait3A_91, %dma_wait3A_92] : memref<20000x128xf32, #tpu.memory_space<hbm>> -> memref<20000x128xf32, #tpu.memory_space<hbm>>
      tpu.wait_indirect_dma semaphore(%arg17 : memref<!tpu.dma_semaphore, #tpu.memory_space<semaphore_mem>>) src(%dma_wait3A_93 : memref<20000x128xf32, #tpu.memory_space<hbm>>) dst(%arg14 : memref<80x128xf32, #tpu.memory_space<vmem>>)
      %add3A_94 = arith.constant 1 : i32
      %add3A_95 = arith.addi %mul3A_74, %add3A_94 : i32
      "tpu.region"() ({
        %run_scoped3A_103 = tpu.sem_alloc : memref<!tpu.dma_semaphore, #tpu.memory_space<semaphore_mem>>
        %dma_start3A_104 = arith.constant 0 : i32
        %dma_start3A_105 = tpu.memref_slice %arg12[%add3A_95, %dma_start3A_104] : memref<125x80xi32, #tpu.memory_space<vmem>> -> memref<1x80xi32, #tpu.memory_space<vmem>>
        %dma_start3A_106 = tpu.memref_squeeze %dma_start3A_105 : memref<1x80xi32, #tpu.memory_space<vmem>> -> memref<80xi32, #tpu.memory_space<vmem>>
        %dma_start3A_107 = arith.constant 0 : i32
        %dma_start3A_108 = arith.constant 0 : i32
        %dma_start3A_109 = tpu.memref_slice %arg15[%dma_start3A_107, %dma_start3A_108] : memref<10000x128xf32, #tpu.memory_space<vmem_shared>> -> memref<10000x128xf32, #tpu.memory_space<vmem_shared>>
        tpu.enqueue_indirect_dma source(%arg14 : memref<80x128xf32, #tpu.memory_space<vmem>>) target(%dma_start3A_109 : memref<10000x128xf32, #tpu.memory_space<vmem_shared>>) offsets(%dma_start3A_106 : memref<80xi32, #tpu.memory_space<vmem>>) semaphore(%run_scoped3A_103 : memref<!tpu.dma_semaphore, #tpu.memory_space<semaphore_mem>>) {add = true}
        %dma_wait3A_110 = arith.constant 0 : i32
        %dma_wait3A_111 = tpu.memref_slice %arg12[%add3A_95, %dma_wait3A_110] : memref<125x80xi32, #tpu.memory_space<vmem>> -> memref<1x80xi32, #tpu.memory_space<vmem>>
        %dma_wait3A_112 = tpu.memref_squeeze %dma_wait3A_111 : memref<1x80xi32, #tpu.memory_space<vmem>> -> memref<80xi32, #tpu.memory_space<vmem>>
        %dma_wait3A_113 = arith.constant 0 : i32
        %dma_wait3A_114 = arith.constant 0 : i32
        %dma_wait3A_115 = tpu.memref_slice %arg15[%dma_wait3A_113, %dma_wait3A_114] : memref<10000x128xf32, #tpu.memory_space<vmem_shared>> -> memref<10000x128xf32, #tpu.memory_space<vmem_shared>>
        tpu.wait_indirect_dma semaphore(%run_scoped3A_103 : memref<!tpu.dma_semaphore, #tpu.memory_space<semaphore_mem>>) src(%arg14 : memref<80x128xf32, #tpu.memory_space<vmem>>) dst(%dma_wait3A_115 : memref<10000x128xf32, #tpu.memory_space<vmem_shared>>)
        tpu.yield
      }) : () -> ()
      %add3A_96 = arith.constant 3 : i32
      %add3A_97 = arith.addi %mul3A_74, %add3A_96 : i32
      %lt3A_98 = arith.constant 125 : i32
      %lt3A_99 = arith.cmpi slt, %add3A_97, %lt3A_98 : i32
      %convert_element_type3A_100 = arith.extui %lt3A_99 : i1 to i32
      %cond3A_101 = arith.constant 0 : i32
      %cond3A_102 = arith.cmpi ne, %convert_element_type3A_100, %cond3A_101 : i32
      scf.if %cond3A_102 {
        %add3A_103 = arith.constant 3 : i32
        %add3A_104 = arith.addi %mul3A_74, %add3A_103 : i32
        %mul3A_105 = arith.constant 80 : i32
        %mul3A_106 = arith.muli %add3A_104, %mul3A_105 : i32
        %dma_start3A_107 = tpu.memref_slice %arg11[%mul3A_106] : memref<10000xi32, #tpu.memory_space<vmem>> -> memref<80xi32, #tpu.memory_space<vmem>>
        %dma_start3A_108 = arith.constant 0 : i32
        %dma_start3A_109 = arith.constant 0 : i32
        %dma_start3A_110 = tpu.memref_slice %arg2[%dma_start3A_108, %dma_start3A_109] : memref<20000x128xf32, #tpu.memory_space<hbm>> -> memref<20000x128xf32, #tpu.memory_space<hbm>>
        tpu.enqueue_indirect_dma source(%dma_start3A_110 : memref<20000x128xf32, #tpu.memory_space<hbm>>) target(%arg14 : memref<80x128xf32, #tpu.memory_space<vmem>>) offsets(%dma_start3A_107 : memref<80xi32, #tpu.memory_space<vmem>>) semaphore(%arg17 : memref<!tpu.dma_semaphore, #tpu.memory_space<semaphore_mem>>)
      } else {
      }
    }
    %scan3A_16 = arith.constant 62 : i32
    %dma_wait3A = arith.constant 9920 : i32
    %dma_wait3A_17 = tpu.memref_slice %arg11[%dma_wait3A] : memref<10000xi32, #tpu.memory_space<vmem>> -> memref<80xi32, #tpu.memory_space<vmem>>
    %dma_wait3A_18 = arith.constant 0 : i32
    %dma_wait3A_19 = arith.constant 0 : i32
    %dma_wait3A_20 = tpu.memref_slice %arg2[%dma_wait3A_18, %dma_wait3A_19] : memref<20000x128xf32, #tpu.memory_space<hbm>> -> memref<20000x128xf32, #tpu.memory_space<hbm>>
    tpu.wait_indirect_dma semaphore(%arg16 : memref<!tpu.dma_semaphore, #tpu.memory_space<semaphore_mem>>) src(%dma_wait3A_20 : memref<20000x128xf32, #tpu.memory_space<hbm>>) dst(%arg13 : memref<80x128xf32, #tpu.memory_space<vmem>>)
    %run_scoped3A = arith.constant 124 : i32
    "tpu.region"() ({
      %run_scoped3A_72 = tpu.sem_alloc : memref<!tpu.dma_semaphore, #tpu.memory_space<semaphore_mem>>
      %dma_start3A_73 = arith.constant 0 : i32
      %dma_start3A_74 = tpu.memref_slice %arg12[%run_scoped3A, %dma_start3A_73] : memref<125x80xi32, #tpu.memory_space<vmem>> -> memref<1x80xi32, #tpu.memory_space<vmem>>
      %dma_start3A_75 = tpu.memref_squeeze %dma_start3A_74 : memref<1x80xi32, #tpu.memory_space<vmem>> -> memref<80xi32, #tpu.memory_space<vmem>>
      %dma_start3A_76 = arith.constant 0 : i32
      %dma_start3A_77 = arith.constant 0 : i32
      %dma_start3A_78 = tpu.memref_slice %arg15[%dma_start3A_76, %dma_start3A_77] : memref<10000x128xf32, #tpu.memory_space<vmem_shared>> -> memref<10000x128xf32, #tpu.memory_space<vmem_shared>>
      tpu.enqueue_indirect_dma source(%arg13 : memref<80x128xf32, #tpu.memory_space<vmem>>) target(%dma_start3A_78 : memref<10000x128xf32, #tpu.memory_space<vmem_shared>>) offsets(%dma_start3A_75 : memref<80xi32, #tpu.memory_space<vmem>>) semaphore(%run_scoped3A_72 : memref<!tpu.dma_semaphore, #tpu.memory_space<semaphore_mem>>) {add = true}
      %dma_wait3A_79 = arith.constant 0 : i32
      %dma_wait3A_80 = tpu.memref_slice %arg12[%run_scoped3A, %dma_wait3A_79] : memref<125x80xi32, #tpu.memory_space<vmem>> -> memref<1x80xi32, #tpu.memory_space<vmem>>
      %dma_wait3A_81 = tpu.memref_squeeze %dma_wait3A_80 : memref<1x80xi32, #tpu.memory_space<vmem>> -> memref<80xi32, #tpu.memory_space<vmem>>
      %dma_wait3A_82 = arith.constant 0 : i32
      %dma_wait3A_83 = arith.constant 0 : i32
      %dma_wait3A_84 = tpu.memref_slice %arg15[%dma_wait3A_82, %dma_wait3A_83] : memref<10000x128xf32, #tpu.memory_space<vmem_shared>> -> memref<10000x128xf32, #tpu.memory_space<vmem_shared>>
      tpu.wait_indirect_dma semaphore(%run_scoped3A_72 : memref<!tpu.dma_semaphore, #tpu.memory_space<semaphore_mem>>) src(%arg13 : memref<80x128xf32, #tpu.memory_space<vmem>>) dst(%dma_wait3A_84 : memref<10000x128xf32, #tpu.memory_space<vmem_shared>>)
      tpu.yield
    }) : () -> ()
    %barrier3A_21 = arith.constant 0 : index
    tpu.barrier barrier_id(%barrier3A_21)
    %mul3A_22 = arith.constant 624 : i32
    %mul3A_23 = arith.muli %arg1, %mul3A_22 : i32
    %mul3A_24 = arith.constant 624 : i32
    %mul3A_25 = arith.muli %arg1, %mul3A_24 : i32
    "tpu.region"() ({
      %run_scoped3A_72 = tpu.sem_alloc : memref<!tpu.dma_semaphore, #tpu.memory_space<semaphore_mem>>
      %dma_start3A_73 = arith.constant 0 : i32
      %dma_start3A_74 = tpu.memref_slice %arg9[%arg0, %mul3A_25, %dma_start3A_73] : memref<2x10000x128xf32, #tpu.memory_space<hbm>> -> memref<1x624x128xf32, #tpu.memory_space<hbm>>
      %dma_start3A_75 = tpu.memref_squeeze %dma_start3A_74 : memref<1x624x128xf32, #tpu.memory_space<hbm>> -> memref<624x128xf32, #tpu.memory_space<hbm>>
      %dma_start3A_76 = arith.constant 0 : i32
      %dma_start3A_77 = tpu.memref_slice %arg15[%mul3A_23, %dma_start3A_76] : memref<10000x128xf32, #tpu.memory_space<vmem_shared>> -> memref<624x128xf32, #tpu.memory_space<vmem_shared>>
      tpu.enqueue_dma source(%dma_start3A_77 : memref<624x128xf32, #tpu.memory_space<vmem_shared>>) target(%dma_start3A_75 : memref<624x128xf32, #tpu.memory_space<hbm>>) target_semaphore(%run_scoped3A_72 : memref<!tpu.dma_semaphore, #tpu.memory_space<semaphore_mem>>)
      %dma_wait3A_78 = arith.constant 0 : i32
      %dma_wait3A_79 = tpu.memref_slice %arg9[%arg0, %mul3A_25, %dma_wait3A_78] : memref<2x10000x128xf32, #tpu.memory_space<hbm>> -> memref<1x624x128xf32, #tpu.memory_space<hbm>>
      %dma_wait3A_80 = tpu.memref_squeeze %dma_wait3A_79 : memref<1x624x128xf32, #tpu.memory_space<hbm>> -> memref<624x128xf32, #tpu.memory_space<hbm>>
      %dma_wait3A_81 = arith.constant 0 : i32
      %dma_wait3A_82 = tpu.memref_slice %arg15[%mul3A_23, %dma_wait3A_81] : memref<10000x128xf32, #tpu.memory_space<vmem_shared>> -> memref<624x128xf32, #tpu.memory_space<vmem_shared>>
      tpu.wait_dma2 semaphore(%run_scoped3A_72 : memref<!tpu.dma_semaphore, #tpu.memory_space<semaphore_mem>>) src(%dma_wait3A_82 : memref<624x128xf32, #tpu.memory_space<vmem_shared>>) dst(%dma_wait3A_80 : memref<624x128xf32, #tpu.memory_space<hbm>>)
      tpu.yield
    }) : () -> ()
    %eq3A_26 = arith.constant 15 : i32
    %eq3A_27 = arith.cmpi eq, %arg1, %eq3A_26 : i32
    %convert_element_type3A_28 = arith.extui %eq3A_27 : i1 to i32
    %cond3A_29 = arith.constant 0 : i32
    %cond3A_30 = arith.cmpi ne, %convert_element_type3A_28, %cond3A_29 : i32
    scf.if %cond3A_30 {
      "tpu.region"() ({
        %run_scoped3A_72 = tpu.sem_alloc : memref<!tpu.dma_semaphore, #tpu.memory_space<semaphore_mem>>
        %dma_start3A_73 = arith.constant 9984 : i32
        %dma_start3A_74 = arith.constant 0 : i32
        %dma_start3A_75 = tpu.memref_slice %arg9[%arg0, %dma_start3A_73, %dma_start3A_74] : memref<2x10000x128xf32, #tpu.memory_space<hbm>> -> memref<1x16x128xf32, #tpu.memory_space<hbm>>
        %dma_start3A_76 = tpu.memref_squeeze %dma_start3A_75 : memref<1x16x128xf32, #tpu.memory_space<hbm>> -> memref<16x128xf32, #tpu.memory_space<hbm>>
        %dma_start3A_77 = arith.constant 9984 : i32
        %dma_start3A_78 = arith.constant 0 : i32
        %dma_start3A_79 = tpu.memref_slice %arg15[%dma_start3A_77, %dma_start3A_78] : memref<10000x128xf32, #tpu.memory_space<vmem_shared>> -> memref<16x128xf32, #tpu.memory_space<vmem_shared>>
        tpu.enqueue_dma source(%dma_start3A_79 : memref<16x128xf32, #tpu.memory_space<vmem_shared>>) target(%dma_start3A_76 : memref<16x128xf32, #tpu.memory_space<hbm>>) target_semaphore(%run_scoped3A_72 : memref<!tpu.dma_semaphore, #tpu.memory_space<semaphore_mem>>)
        %dma_wait3A_80 = arith.constant 9984 : i32
        %dma_wait3A_81 = arith.constant 0 : i32
        %dma_wait3A_82 = tpu.memref_slice %arg9[%arg0, %dma_wait3A_80, %dma_wait3A_81] : memref<2x10000x128xf32, #tpu.memory_space<hbm>> -> memref<1x16x128xf32, #tpu.memory_space<hbm>>
        %dma_wait3A_83 = tpu.memref_squeeze %dma_wait3A_82 : memref<1x16x128xf32, #tpu.memory_space<hbm>> -> memref<16x128xf32, #tpu.memory_space<hbm>>
        %dma_wait3A_84 = arith.constant 9984 : i32
        %dma_wait3A_85 = arith.constant 0 : i32
        %dma_wait3A_86 = tpu.memref_slice %arg15[%dma_wait3A_84, %dma_wait3A_85] : memref<10000x128xf32, #tpu.memory_space<vmem_shared>> -> memref<16x128xf32, #tpu.memory_space<vmem_shared>>
        tpu.wait_dma2 semaphore(%run_scoped3A_72 : memref<!tpu.dma_semaphore, #tpu.memory_space<semaphore_mem>>) src(%dma_wait3A_86 : memref<16x128xf32, #tpu.memory_space<vmem_shared>>) dst(%dma_wait3A_83 : memref<16x128xf32, #tpu.memory_space<hbm>>)
        tpu.yield
      }) : () -> ()
    } else {
    }
    %barrier3A_31 = arith.constant 0 : index
    tpu.barrier barrier_id(%barrier3A_31)
    "tpu.region"() ({
      %run_scoped3A_72 = tpu.sem_alloc : memref<!tpu.dma_semaphore, #tpu.memory_space<semaphore_mem>>
      %dma_start3A_73 = arith.constant 0 : i32
      %dma_start3A_74 = tpu.memref_slice %arg6[%arg0, %arg1, %dma_start3A_73] : memref<2x16x10000xi32, #tpu.memory_space<hbm>> -> memref<1x1x10000xi32, #tpu.memory_space<hbm>>
      %dma_start3A_75 = tpu.memref_squeeze %dma_start3A_74 : memref<1x1x10000xi32, #tpu.memory_space<hbm>> -> memref<10000xi32, #tpu.memory_space<hbm>>
      %dma_start3A_76 = arith.constant 0 : i32
      %dma_start3A_77 = tpu.memref_slice %arg6[%arg0, %arg1, %dma_start3A_76] : memref<2x16x10000xi32, #tpu.memory_space<hbm>> -> memref<1x1x10000xi32, #tpu.memory_space<hbm>>
      %dma_start3A_78 = tpu.memref_squeeze %dma_start3A_77 : memref<1x1x10000xi32, #tpu.memory_space<hbm>> -> memref<10000xi32, #tpu.memory_space<hbm>>
      tpu.enqueue_dma source(%dma_start3A_78 : memref<10000xi32, #tpu.memory_space<hbm>>) target(%arg11 : memref<10000xi32, #tpu.memory_space<vmem>>) target_semaphore(%run_scoped3A_72 : memref<!tpu.dma_semaphore, #tpu.memory_space<semaphore_mem>>)
      %dma_wait3A_79 = arith.constant 0 : i32
      %dma_wait3A_80 = tpu.memref_slice %arg6[%arg0, %arg1, %dma_wait3A_79] : memref<2x16x10000xi32, #tpu.memory_space<hbm>> -> memref<1x1x10000xi32, #tpu.memory_space<hbm>>
      %dma_wait3A_81 = tpu.memref_squeeze %dma_wait3A_80 : memref<1x1x10000xi32, #tpu.memory_space<hbm>> -> memref<10000xi32, #tpu.memory_space<hbm>>
      %dma_wait3A_82 = arith.constant 0 : i32
      %dma_wait3A_83 = tpu.memref_slice %arg6[%arg0, %arg1, %dma_wait3A_82] : memref<2x16x10000xi32, #tpu.memory_space<hbm>> -> memref<1x1x10000xi32, #tpu.memory_space<hbm>>
      %dma_wait3A_84 = tpu.memref_squeeze %dma_wait3A_83 : memref<1x1x10000xi32, #tpu.memory_space<hbm>> -> memref<10000xi32, #tpu.memory_space<hbm>>
      tpu.wait_dma2 semaphore(%run_scoped3A_72 : memref<!tpu.dma_semaphore, #tpu.memory_space<semaphore_mem>>) src(%dma_wait3A_84 : memref<10000xi32, #tpu.memory_space<hbm>>) dst(%arg11 : memref<10000xi32, #tpu.memory_space<vmem>>)
      tpu.yield
    }) : () -> ()
    "tpu.region"() ({
      %run_scoped3A_72 = tpu.sem_alloc : memref<!tpu.dma_semaphore, #tpu.memory_space<semaphore_mem>>
      %dma_start3A_73 = arith.constant 0 : i32
      %dma_start3A_74 = arith.constant 0 : i32
      %dma_start3A_75 = tpu.memref_slice %arg7[%arg1, %dma_start3A_73, %dma_start3A_74] : memref<16x125x80xi32, #tpu.memory_space<hbm>> -> memref<1x125x80xi32, #tpu.memory_space<hbm>>
      %dma_start3A_76 = tpu.memref_squeeze %dma_start3A_75 : memref<1x125x80xi32, #tpu.memory_space<hbm>> -> memref<125x80xi32, #tpu.memory_space<hbm>>
      %dma_start3A_77 = arith.constant 0 : i32
      %dma_start3A_78 = arith.constant 0 : i32
      %dma_start3A_79 = tpu.memref_slice %arg7[%arg1, %dma_start3A_77, %dma_start3A_78] : memref<16x125x80xi32, #tpu.memory_space<hbm>> -> memref<1x125x80xi32, #tpu.memory_space<hbm>>
      %dma_start3A_80 = tpu.memref_squeeze %dma_start3A_79 : memref<1x125x80xi32, #tpu.memory_space<hbm>> -> memref<125x80xi32, #tpu.memory_space<hbm>>
      tpu.enqueue_dma source(%dma_start3A_80 : memref<125x80xi32, #tpu.memory_space<hbm>>) target(%arg12 : memref<125x80xi32, #tpu.memory_space<vmem>>) target_semaphore(%run_scoped3A_72 : memref<!tpu.dma_semaphore, #tpu.memory_space<semaphore_mem>>)
      %dma_wait3A_81 = arith.constant 0 : i32
      %dma_wait3A_82 = arith.constant 0 : i32
      %dma_wait3A_83 = tpu.memref_slice %arg7[%arg1, %dma_wait3A_81, %dma_wait3A_82] : memref<16x125x80xi32, #tpu.memory_space<hbm>> -> memref<1x125x80xi32, #tpu.memory_space<hbm>>
      %dma_wait3A_84 = tpu.memref_squeeze %dma_wait3A_83 : memref<1x125x80xi32, #tpu.memory_space<hbm>> -> memref<125x80xi32, #tpu.memory_space<hbm>>
      %dma_wait3A_85 = arith.constant 0 : i32
      %dma_wait3A_86 = arith.constant 0 : i32
      %dma_wait3A_87 = tpu.memref_slice %arg7[%arg1, %dma_wait3A_85, %dma_wait3A_86] : memref<16x125x80xi32, #tpu.memory_space<hbm>> -> memref<1x125x80xi32, #tpu.memory_space<hbm>>
      %dma_wait3A_88 = tpu.memref_squeeze %dma_wait3A_87 : memref<1x125x80xi32, #tpu.memory_space<hbm>> -> memref<125x80xi32, #tpu.memory_space<hbm>>
      tpu.wait_dma2 semaphore(%run_scoped3A_72 : memref<!tpu.dma_semaphore, #tpu.memory_space<semaphore_mem>>) src(%dma_wait3A_88 : memref<125x80xi32, #tpu.memory_space<hbm>>) dst(%arg12 : memref<125x80xi32, #tpu.memory_space<vmem>>)
      tpu.yield
    }) : () -> ()
    %mul3A_32 = arith.constant 624 : i32
    %mul3A_33 = arith.muli %arg1, %mul3A_32 : i32
    "tpu.region"() ({
      %run_scoped3A_72 = tpu.sem_alloc : memref<!tpu.dma_semaphore, #tpu.memory_space<semaphore_mem>>
      %dma_start3A_73 = arith.constant 0 : i32
      %dma_start3A_74 = tpu.memref_slice %arg15[%mul3A_33, %dma_start3A_73] : memref<10000x128xf32, #tpu.memory_space<vmem_shared>> -> memref<624x128xf32, #tpu.memory_space<vmem_shared>>
      %dma_start3A_75 = arith.constant 0 : i32
      %dma_start3A_76 = arith.constant 0 : i32
      %dma_start3A_77 = tpu.memref_slice %arg8[%dma_start3A_75, %dma_start3A_76] : memref<624x128xf32, #tpu.memory_space<hbm>> -> memref<624x128xf32, #tpu.memory_space<hbm>>
      tpu.enqueue_dma source(%dma_start3A_77 : memref<624x128xf32, #tpu.memory_space<hbm>>) target(%dma_start3A_74 : memref<624x128xf32, #tpu.memory_space<vmem_shared>>) target_semaphore(%run_scoped3A_72 : memref<!tpu.dma_semaphore, #tpu.memory_space<semaphore_mem>>)
      %dma_wait3A_78 = arith.constant 0 : i32
      %dma_wait3A_79 = tpu.memref_slice %arg15[%mul3A_33, %dma_wait3A_78] : memref<10000x128xf32, #tpu.memory_space<vmem_shared>> -> memref<624x128xf32, #tpu.memory_space<vmem_shared>>
      %dma_wait3A_80 = arith.constant 0 : i32
      %dma_wait3A_81 = arith.constant 0 : i32
      %dma_wait3A_82 = tpu.memref_slice %arg8[%dma_wait3A_80, %dma_wait3A_81] : memref<624x128xf32, #tpu.memory_space<hbm>> -> memref<624x128xf32, #tpu.memory_space<hbm>>
      tpu.wait_dma2 semaphore(%run_scoped3A_72 : memref<!tpu.dma_semaphore, #tpu.memory_space<semaphore_mem>>) src(%dma_wait3A_82 : memref<624x128xf32, #tpu.memory_space<hbm>>) dst(%dma_wait3A_79 : memref<624x128xf32, #tpu.memory_space<vmem_shared>>)
      tpu.yield
    }) : () -> ()
    %eq3A_34 = arith.constant 15 : i32
    %eq3A_35 = arith.cmpi eq, %arg1, %eq3A_34 : i32
    %convert_element_type3A_36 = arith.extui %eq3A_35 : i1 to i32
    %cond3A_37 = arith.constant 0 : i32
    %cond3A_38 = arith.cmpi ne, %convert_element_type3A_36, %cond3A_37 : i32
    scf.if %cond3A_38 {
      "tpu.region"() ({
        %run_scoped3A_72 = tpu.sem_alloc : memref<!tpu.dma_semaphore, #tpu.memory_space<semaphore_mem>>
        %dma_start3A_73 = arith.constant 9984 : i32
        %dma_start3A_74 = arith.constant 0 : i32
        %dma_start3A_75 = tpu.memref_slice %arg15[%dma_start3A_73, %dma_start3A_74] : memref<10000x128xf32, #tpu.memory_space<vmem_shared>> -> memref<16x128xf32, #tpu.memory_space<vmem_shared>>
        %dma_start3A_76 = arith.constant 0 : i32
        %dma_start3A_77 = arith.constant 0 : i32
        %dma_start3A_78 = tpu.memref_slice %arg8[%dma_start3A_76, %dma_start3A_77] : memref<624x128xf32, #tpu.memory_space<hbm>> -> memref<16x128xf32, #tpu.memory_space<hbm>>
        tpu.enqueue_dma source(%dma_start3A_78 : memref<16x128xf32, #tpu.memory_space<hbm>>) target(%dma_start3A_75 : memref<16x128xf32, #tpu.memory_space<vmem_shared>>) target_semaphore(%run_scoped3A_72 : memref<!tpu.dma_semaphore, #tpu.memory_space<semaphore_mem>>)
        %dma_wait3A_79 = arith.constant 9984 : i32
        %dma_wait3A_80 = arith.constant 0 : i32
        %dma_wait3A_81 = tpu.memref_slice %arg15[%dma_wait3A_79, %dma_wait3A_80] : memref<10000x128xf32, #tpu.memory_space<vmem_shared>> -> memref<16x128xf32, #tpu.memory_space<vmem_shared>>
        %dma_wait3A_82 = arith.constant 0 : i32
        %dma_wait3A_83 = arith.constant 0 : i32
        %dma_wait3A_84 = tpu.memref_slice %arg8[%dma_wait3A_82, %dma_wait3A_83] : memref<624x128xf32, #tpu.memory_space<hbm>> -> memref<16x128xf32, #tpu.memory_space<hbm>>
        tpu.wait_dma2 semaphore(%run_scoped3A_72 : memref<!tpu.dma_semaphore, #tpu.memory_space<semaphore_mem>>) src(%dma_wait3A_84 : memref<16x128xf32, #tpu.memory_space<hbm>>) dst(%dma_wait3A_81 : memref<16x128xf32, #tpu.memory_space<vmem_shared>>)
        tpu.yield
      }) : () -> ()
    } else {
    }
    %barrier3A_39 = arith.constant 0 : index
    tpu.barrier barrier_id(%barrier3A_39)
    %dma_start3A_40 = arith.constant 0 : i32
    %dma_start3A_41 = tpu.memref_slice %arg11[%dma_start3A_40] : memref<10000xi32, #tpu.memory_space<vmem>> -> memref<80xi32, #tpu.memory_space<vmem>>
    %dma_start3A_42 = arith.constant 0 : i32
    %dma_start3A_43 = arith.constant 0 : i32
    %dma_start3A_44 = tpu.memref_slice %arg5[%dma_start3A_42, %dma_start3A_43] : memref<20000x128xf32, #tpu.memory_space<hbm>> -> memref<20000x128xf32, #tpu.memory_space<hbm>>
    tpu.enqueue_indirect_dma source(%dma_start3A_44 : memref<20000x128xf32, #tpu.memory_space<hbm>>) target(%arg13 : memref<80x128xf32, #tpu.memory_space<vmem>>) offsets(%dma_start3A_41 : memref<80xi32, #tpu.memory_space<vmem>>) semaphore(%arg16 : memref<!tpu.dma_semaphore, #tpu.memory_space<semaphore_mem>>)
    %dma_start3A_45 = arith.constant 80 : i32
    %dma_start3A_46 = tpu.memref_slice %arg11[%dma_start3A_45] : memref<10000xi32, #tpu.memory_space<vmem>> -> memref<80xi32, #tpu.memory_space<vmem>>
    %dma_start3A_47 = arith.constant 0 : i32
    %dma_start3A_48 = arith.constant 0 : i32
    %dma_start3A_49 = tpu.memref_slice %arg5[%dma_start3A_47, %dma_start3A_48] : memref<20000x128xf32, #tpu.memory_space<hbm>> -> memref<20000x128xf32, #tpu.memory_space<hbm>>
    tpu.enqueue_indirect_dma source(%dma_start3A_49 : memref<20000x128xf32, #tpu.memory_space<hbm>>) target(%arg14 : memref<80x128xf32, #tpu.memory_space<vmem>>) offsets(%dma_start3A_46 : memref<80xi32, #tpu.memory_space<vmem>>) semaphore(%arg17 : memref<!tpu.dma_semaphore, #tpu.memory_space<semaphore_mem>>)
    %scan3A_50 = arith.constant 0 : i32
    %scan3A_51 = arith.constant 0 : i32
    %scan3A_52 = arith.constant 62 : i32
    %scan3A_53 = arith.addi %scan3A_51, %scan3A_52 : i32
    %scan3A_54 = arith.constant 1 : i32
    scf.for %scan3A_72 = %scan3A_51 to %scan3A_53 step %scan3A_54  : i32 {
      %mul3A_73 = arith.constant 2 : i32
      %mul3A_74 = arith.muli %scan3A_72, %mul3A_73 : i32
      %mul3A_75 = arith.constant 80 : i32
      %mul3A_76 = arith.muli %mul3A_74, %mul3A_75 : i32
      %dma_wait3A_77 = tpu.memref_slice %arg11[%mul3A_76] : memref<10000xi32, #tpu.memory_space<vmem>> -> memref<80xi32, #tpu.memory_space<vmem>>
      %dma_wait3A_78 = arith.constant 0 : i32
      %dma_wait3A_79 = arith.constant 0 : i32
      %dma_wait3A_80 = tpu.memref_slice %arg5[%dma_wait3A_78, %dma_wait3A_79] : memref<20000x128xf32, #tpu.memory_space<hbm>> -> memref<20000x128xf32, #tpu.memory_space<hbm>>
      tpu.wait_indirect_dma semaphore(%arg16 : memref<!tpu.dma_semaphore, #tpu.memory_space<semaphore_mem>>) src(%dma_wait3A_80 : memref<20000x128xf32, #tpu.memory_space<hbm>>) dst(%arg13 : memref<80x128xf32, #tpu.memory_space<vmem>>)
      "tpu.region"() ({
        %run_scoped3A_103 = tpu.sem_alloc : memref<!tpu.dma_semaphore, #tpu.memory_space<semaphore_mem>>
        %dma_start3A_104 = arith.constant 0 : i32
        %dma_start3A_105 = tpu.memref_slice %arg12[%mul3A_74, %dma_start3A_104] : memref<125x80xi32, #tpu.memory_space<vmem>> -> memref<1x80xi32, #tpu.memory_space<vmem>>
        %dma_start3A_106 = tpu.memref_squeeze %dma_start3A_105 : memref<1x80xi32, #tpu.memory_space<vmem>> -> memref<80xi32, #tpu.memory_space<vmem>>
        %dma_start3A_107 = arith.constant 0 : i32
        %dma_start3A_108 = arith.constant 0 : i32
        %dma_start3A_109 = tpu.memref_slice %arg15[%dma_start3A_107, %dma_start3A_108] : memref<10000x128xf32, #tpu.memory_space<vmem_shared>> -> memref<10000x128xf32, #tpu.memory_space<vmem_shared>>
        tpu.enqueue_indirect_dma source(%arg13 : memref<80x128xf32, #tpu.memory_space<vmem>>) target(%dma_start3A_109 : memref<10000x128xf32, #tpu.memory_space<vmem_shared>>) offsets(%dma_start3A_106 : memref<80xi32, #tpu.memory_space<vmem>>) semaphore(%run_scoped3A_103 : memref<!tpu.dma_semaphore, #tpu.memory_space<semaphore_mem>>) {add = true}
        %dma_wait3A_110 = arith.constant 0 : i32
        %dma_wait3A_111 = tpu.memref_slice %arg12[%mul3A_74, %dma_wait3A_110] : memref<125x80xi32, #tpu.memory_space<vmem>> -> memref<1x80xi32, #tpu.memory_space<vmem>>
        %dma_wait3A_112 = tpu.memref_squeeze %dma_wait3A_111 : memref<1x80xi32, #tpu.memory_space<vmem>> -> memref<80xi32, #tpu.memory_space<vmem>>
        %dma_wait3A_113 = arith.constant 0 : i32
        %dma_wait3A_114 = arith.constant 0 : i32
        %dma_wait3A_115 = tpu.memref_slice %arg15[%dma_wait3A_113, %dma_wait3A_114] : memref<10000x128xf32, #tpu.memory_space<vmem_shared>> -> memref<10000x128xf32, #tpu.memory_space<vmem_shared>>
        tpu.wait_indirect_dma semaphore(%run_scoped3A_103 : memref<!tpu.dma_semaphore, #tpu.memory_space<semaphore_mem>>) src(%arg13 : memref<80x128xf32, #tpu.memory_space<vmem>>) dst(%dma_wait3A_115 : memref<10000x128xf32, #tpu.memory_space<vmem_shared>>)
        tpu.yield
      }) : () -> ()
      %add3A = arith.constant 2 : i32
      %add3A_81 = arith.addi %mul3A_74, %add3A : i32
      %lt3A = arith.constant 125 : i32
      %lt3A_82 = arith.cmpi slt, %add3A_81, %lt3A : i32
      %convert_element_type3A_83 = arith.extui %lt3A_82 : i1 to i32
      %cond3A_84 = arith.constant 0 : i32
      %cond3A_85 = arith.cmpi ne, %convert_element_type3A_83, %cond3A_84 : i32
      scf.if %cond3A_85 {
        %add3A_103 = arith.constant 2 : i32
        %add3A_104 = arith.addi %mul3A_74, %add3A_103 : i32
        %mul3A_105 = arith.constant 80 : i32
        %mul3A_106 = arith.muli %add3A_104, %mul3A_105 : i32
        %dma_start3A_107 = tpu.memref_slice %arg11[%mul3A_106] : memref<10000xi32, #tpu.memory_space<vmem>> -> memref<80xi32, #tpu.memory_space<vmem>>
        %dma_start3A_108 = arith.constant 0 : i32
        %dma_start3A_109 = arith.constant 0 : i32
        %dma_start3A_110 = tpu.memref_slice %arg5[%dma_start3A_108, %dma_start3A_109] : memref<20000x128xf32, #tpu.memory_space<hbm>> -> memref<20000x128xf32, #tpu.memory_space<hbm>>
        tpu.enqueue_indirect_dma source(%dma_start3A_110 : memref<20000x128xf32, #tpu.memory_space<hbm>>) target(%arg13 : memref<80x128xf32, #tpu.memory_space<vmem>>) offsets(%dma_start3A_107 : memref<80xi32, #tpu.memory_space<vmem>>) semaphore(%arg16 : memref<!tpu.dma_semaphore, #tpu.memory_space<semaphore_mem>>)
      } else {
      }
      %add3A_86 = arith.constant 1 : i32
      %add3A_87 = arith.addi %mul3A_74, %add3A_86 : i32
      %mul3A_88 = arith.constant 80 : i32
      %mul3A_89 = arith.muli %add3A_87, %mul3A_88 : i32
      %dma_wait3A_90 = tpu.memref_slice %arg11[%mul3A_89] : memref<10000xi32, #tpu.memory_space<vmem>> -> memref<80xi32, #tpu.memory_space<vmem>>
      %dma_wait3A_91 = arith.constant 0 : i32
      %dma_wait3A_92 = arith.constant 0 : i32
      %dma_wait3A_93 = tpu.memref_slice %arg5[%dma_wait3A_91, %dma_wait3A_92] : memref<20000x128xf32, #tpu.memory_space<hbm>> -> memref<20000x128xf32, #tpu.memory_space<hbm>>
      tpu.wait_indirect_dma semaphore(%arg17 : memref<!tpu.dma_semaphore, #tpu.memory_space<semaphore_mem>>) src(%dma_wait3A_93 : memref<20000x128xf32, #tpu.memory_space<hbm>>) dst(%arg14 : memref<80x128xf32, #tpu.memory_space<vmem>>)
      %add3A_94 = arith.constant 1 : i32
      %add3A_95 = arith.addi %mul3A_74, %add3A_94 : i32
      "tpu.region"() ({
        %run_scoped3A_103 = tpu.sem_alloc : memref<!tpu.dma_semaphore, #tpu.memory_space<semaphore_mem>>
        %dma_start3A_104 = arith.constant 0 : i32
        %dma_start3A_105 = tpu.memref_slice %arg12[%add3A_95, %dma_start3A_104] : memref<125x80xi32, #tpu.memory_space<vmem>> -> memref<1x80xi32, #tpu.memory_space<vmem>>
        %dma_start3A_106 = tpu.memref_squeeze %dma_start3A_105 : memref<1x80xi32, #tpu.memory_space<vmem>> -> memref<80xi32, #tpu.memory_space<vmem>>
        %dma_start3A_107 = arith.constant 0 : i32
        %dma_start3A_108 = arith.constant 0 : i32
        %dma_start3A_109 = tpu.memref_slice %arg15[%dma_start3A_107, %dma_start3A_108] : memref<10000x128xf32, #tpu.memory_space<vmem_shared>> -> memref<10000x128xf32, #tpu.memory_space<vmem_shared>>
        tpu.enqueue_indirect_dma source(%arg14 : memref<80x128xf32, #tpu.memory_space<vmem>>) target(%dma_start3A_109 : memref<10000x128xf32, #tpu.memory_space<vmem_shared>>) offsets(%dma_start3A_106 : memref<80xi32, #tpu.memory_space<vmem>>) semaphore(%run_scoped3A_103 : memref<!tpu.dma_semaphore, #tpu.memory_space<semaphore_mem>>) {add = true}
        %dma_wait3A_110 = arith.constant 0 : i32
        %dma_wait3A_111 = tpu.memref_slice %arg12[%add3A_95, %dma_wait3A_110] : memref<125x80xi32, #tpu.memory_space<vmem>> -> memref<1x80xi32, #tpu.memory_space<vmem>>
        %dma_wait3A_112 = tpu.memref_squeeze %dma_wait3A_111 : memref<1x80xi32, #tpu.memory_space<vmem>> -> memref<80xi32, #tpu.memory_space<vmem>>
        %dma_wait3A_113 = arith.constant 0 : i32
        %dma_wait3A_114 = arith.constant 0 : i32
        %dma_wait3A_115 = tpu.memref_slice %arg15[%dma_wait3A_113, %dma_wait3A_114] : memref<10000x128xf32, #tpu.memory_space<vmem_shared>> -> memref<10000x128xf32, #tpu.memory_space<vmem_shared>>
        tpu.wait_indirect_dma semaphore(%run_scoped3A_103 : memref<!tpu.dma_semaphore, #tpu.memory_space<semaphore_mem>>) src(%arg14 : memref<80x128xf32, #tpu.memory_space<vmem>>) dst(%dma_wait3A_115 : memref<10000x128xf32, #tpu.memory_space<vmem_shared>>)
        tpu.yield
      }) : () -> ()
      %add3A_96 = arith.constant 3 : i32
      %add3A_97 = arith.addi %mul3A_74, %add3A_96 : i32
      %lt3A_98 = arith.constant 125 : i32
      %lt3A_99 = arith.cmpi slt, %add3A_97, %lt3A_98 : i32
      %convert_element_type3A_100 = arith.extui %lt3A_99 : i1 to i32
      %cond3A_101 = arith.constant 0 : i32
      %cond3A_102 = arith.cmpi ne, %convert_element_type3A_100, %cond3A_101 : i32
      scf.if %cond3A_102 {
        %add3A_103 = arith.constant 3 : i32
        %add3A_104 = arith.addi %mul3A_74, %add3A_103 : i32
        %mul3A_105 = arith.constant 80 : i32
        %mul3A_106 = arith.muli %add3A_104, %mul3A_105 : i32
        %dma_start3A_107 = tpu.memref_slice %arg11[%mul3A_106] : memref<10000xi32, #tpu.memory_space<vmem>> -> memref<80xi32, #tpu.memory_space<vmem>>
        %dma_start3A_108 = arith.constant 0 : i32
        %dma_start3A_109 = arith.constant 0 : i32
        %dma_start3A_110 = tpu.memref_slice %arg5[%dma_start3A_108, %dma_start3A_109] : memref<20000x128xf32, #tpu.memory_space<hbm>> -> memref<20000x128xf32, #tpu.memory_space<hbm>>
        tpu.enqueue_indirect_dma source(%dma_start3A_110 : memref<20000x128xf32, #tpu.memory_space<hbm>>) target(%arg14 : memref<80x128xf32, #tpu.memory_space<vmem>>) offsets(%dma_start3A_107 : memref<80xi32, #tpu.memory_space<vmem>>) semaphore(%arg17 : memref<!tpu.dma_semaphore, #tpu.memory_space<semaphore_mem>>)
      } else {
      }
    }
    %scan3A_55 = arith.constant 62 : i32
    %dma_wait3A_56 = arith.constant 9920 : i32
    %dma_wait3A_57 = tpu.memref_slice %arg11[%dma_wait3A_56] : memref<10000xi32, #tpu.memory_space<vmem>> -> memref<80xi32, #tpu.memory_space<vmem>>
    %dma_wait3A_58 = arith.constant 0 : i32
    %dma_wait3A_59 = arith.constant 0 : i32
    %dma_wait3A_60 = tpu.memref_slice %arg5[%dma_wait3A_58, %dma_wait3A_59] : memref<20000x128xf32, #tpu.memory_space<hbm>> -> memref<20000x128xf32, #tpu.memory_space<hbm>>
    tpu.wait_indirect_dma semaphore(%arg16 : memref<!tpu.dma_semaphore, #tpu.memory_space<semaphore_mem>>) src(%dma_wait3A_60 : memref<20000x128xf32, #tpu.memory_space<hbm>>) dst(%arg13 : memref<80x128xf32, #tpu.memory_space<vmem>>)
    %run_scoped3A_61 = arith.constant 124 : i32
    "tpu.region"() ({
      %run_scoped3A_72 = tpu.sem_alloc : memref<!tpu.dma_semaphore, #tpu.memory_space<semaphore_mem>>
      %dma_start3A_73 = arith.constant 0 : i32
      %dma_start3A_74 = tpu.memref_slice %arg12[%run_scoped3A_61, %dma_start3A_73] : memref<125x80xi32, #tpu.memory_space<vmem>> -> memref<1x80xi32, #tpu.memory_space<vmem>>
      %dma_start3A_75 = tpu.memref_squeeze %dma_start3A_74 : memref<1x80xi32, #tpu.memory_space<vmem>> -> memref<80xi32, #tpu.memory_space<vmem>>
      %dma_start3A_76 = arith.constant 0 : i32
      %dma_start3A_77 = arith.constant 0 : i32
      %dma_start3A_78 = tpu.memref_slice %arg15[%dma_start3A_76, %dma_start3A_77] : memref<10000x128xf32, #tpu.memory_space<vmem_shared>> -> memref<10000x128xf32, #tpu.memory_space<vmem_shared>>
      tpu.enqueue_indirect_dma source(%arg13 : memref<80x128xf32, #tpu.memory_space<vmem>>) target(%dma_start3A_78 : memref<10000x128xf32, #tpu.memory_space<vmem_shared>>) offsets(%dma_start3A_75 : memref<80xi32, #tpu.memory_space<vmem>>) semaphore(%run_scoped3A_72 : memref<!tpu.dma_semaphore, #tpu.memory_space<semaphore_mem>>) {add = true}
      %dma_wait3A_79 = arith.constant 0 : i32
      %dma_wait3A_80 = tpu.memref_slice %arg12[%run_scoped3A_61, %dma_wait3A_79] : memref<125x80xi32, #tpu.memory_space<vmem>> -> memref<1x80xi32, #tpu.memory_space<vmem>>
      %dma_wait3A_81 = tpu.memref_squeeze %dma_wait3A_80 : memref<1x80xi32, #tpu.memory_space<vmem>> -> memref<80xi32, #tpu.memory_space<vmem>>
      %dma_wait3A_82 = arith.constant 0 : i32
      %dma_wait3A_83 = arith.constant 0 : i32
      %dma_wait3A_84 = tpu.memref_slice %arg15[%dma_wait3A_82, %dma_wait3A_83] : memref<10000x128xf32, #tpu.memory_space<vmem_shared>> -> memref<10000x128xf32, #tpu.memory_space<vmem_shared>>
      tpu.wait_indirect_dma semaphore(%run_scoped3A_72 : memref<!tpu.dma_semaphore, #tpu.memory_space<semaphore_mem>>) src(%arg13 : memref<80x128xf32, #tpu.memory_space<vmem>>) dst(%dma_wait3A_84 : memref<10000x128xf32, #tpu.memory_space<vmem_shared>>)
      tpu.yield
    }) : () -> ()
    %barrier3A_62 = arith.constant 0 : index
    tpu.barrier barrier_id(%barrier3A_62)
    %mul3A_63 = arith.constant 624 : i32
    %mul3A_64 = arith.muli %arg1, %mul3A_63 : i32
    %mul3A_65 = arith.constant 624 : i32
    %mul3A_66 = arith.muli %arg1, %mul3A_65 : i32
    "tpu.region"() ({
      %run_scoped3A_72 = tpu.sem_alloc : memref<!tpu.dma_semaphore, #tpu.memory_space<semaphore_mem>>
      %dma_start3A_73 = arith.constant 0 : i32
      %dma_start3A_74 = tpu.memref_slice %arg10[%arg0, %mul3A_66, %dma_start3A_73] : memref<2x10000x128xf32, #tpu.memory_space<hbm>> -> memref<1x624x128xf32, #tpu.memory_space<hbm>>
      %dma_start3A_75 = tpu.memref_squeeze %dma_start3A_74 : memref<1x624x128xf32, #tpu.memory_space<hbm>> -> memref<624x128xf32, #tpu.memory_space<hbm>>
      %dma_start3A_76 = arith.constant 0 : i32
      %dma_start3A_77 = tpu.memref_slice %arg15[%mul3A_64, %dma_start3A_76] : memref<10000x128xf32, #tpu.memory_space<vmem_shared>> -> memref<624x128xf32, #tpu.memory_space<vmem_shared>>
      tpu.enqueue_dma source(%dma_start3A_77 : memref<624x128xf32, #tpu.memory_space<vmem_shared>>) target(%dma_start3A_75 : memref<624x128xf32, #tpu.memory_space<hbm>>) target_semaphore(%run_scoped3A_72 : memref<!tpu.dma_semaphore, #tpu.memory_space<semaphore_mem>>)
      %dma_wait3A_78 = arith.constant 0 : i32
      %dma_wait3A_79 = tpu.memref_slice %arg10[%arg0, %mul3A_66, %dma_wait3A_78] : memref<2x10000x128xf32, #tpu.memory_space<hbm>> -> memref<1x624x128xf32, #tpu.memory_space<hbm>>
      %dma_wait3A_80 = tpu.memref_squeeze %dma_wait3A_79 : memref<1x624x128xf32, #tpu.memory_space<hbm>> -> memref<624x128xf32, #tpu.memory_space<hbm>>
      %dma_wait3A_81 = arith.constant 0 : i32
      %dma_wait3A_82 = tpu.memref_slice %arg15[%mul3A_64, %dma_wait3A_81] : memref<10000x128xf32, #tpu.memory_space<vmem_shared>> -> memref<624x128xf32, #tpu.memory_space<vmem_shared>>
      tpu.wait_dma2 semaphore(%run_scoped3A_72 : memref<!tpu.dma_semaphore, #tpu.memory_space<semaphore_mem>>) src(%dma_wait3A_82 : memref<624x128xf32, #tpu.memory_space<vmem_shared>>) dst(%dma_wait3A_80 : memref<624x128xf32, #tpu.memory_space<hbm>>)
      tpu.yield
    }) : () -> ()
    %eq3A_67 = arith.constant 15 : i32
    %eq3A_68 = arith.cmpi eq, %arg1, %eq3A_67 : i32
    %convert_element_type3A_69 = arith.extui %eq3A_68 : i1 to i32
    %cond3A_70 = arith.constant 0 : i32
    %cond3A_71 = arith.cmpi ne, %convert_element_type3A_69, %cond3A_70 : i32
    scf.if %cond3A_71 {
      "tpu.region"() ({
        %run_scoped3A_72 = tpu.sem_alloc : memref<!tpu.dma_semaphore, #tpu.memory_space<semaphore_mem>>
        %dma_start3A_73 = arith.constant 9984 : i32
        %dma_start3A_74 = arith.constant 0 : i32
        %dma_start3A_75 = tpu.memref_slice %arg10[%arg0, %dma_start3A_73, %dma_start3A_74] : memref<2x10000x128xf32, #tpu.memory_space<hbm>> -> memref<1x16x128xf32, #tpu.memory_space<hbm>>
        %dma_start3A_76 = tpu.memref_squeeze %dma_start3A_75 : memref<1x16x128xf32, #tpu.memory_space<hbm>> -> memref<16x128xf32, #tpu.memory_space<hbm>>
        %dma_start3A_77 = arith.constant 9984 : i32
        %dma_start3A_78 = arith.constant 0 : i32
        %dma_start3A_79 = tpu.memref_slice %arg15[%dma_start3A_77, %dma_start3A_78] : memref<10000x128xf32, #tpu.memory_space<vmem_shared>> -> memref<16x128xf32, #tpu.memory_space<vmem_shared>>
        tpu.enqueue_dma source(%dma_start3A_79 : memref<16x128xf32, #tpu.memory_space<vmem_shared>>) target(%dma_start3A_76 : memref<16x128xf32, #tpu.memory_space<hbm>>) target_semaphore(%run_scoped3A_72 : memref<!tpu.dma_semaphore, #tpu.memory_space<semaphore_mem>>)
        %dma_wait3A_80 = arith.constant 9984 : i32
        %dma_wait3A_81 = arith.constant 0 : i32
        %dma_wait3A_82 = tpu.memref_slice %arg10[%arg0, %dma_wait3A_80, %dma_wait3A_81] : memref<2x10000x128xf32, #tpu.memory_space<hbm>> -> memref<1x16x128xf32, #tpu.memory_space<hbm>>
        %dma_wait3A_83 = tpu.memref_squeeze %dma_wait3A_82 : memref<1x16x128xf32, #tpu.memory_space<hbm>> -> memref<16x128xf32, #tpu.memory_space<hbm>>
        %dma_wait3A_84 = arith.constant 9984 : i32
        %dma_wait3A_85 = arith.constant 0 : i32
        %dma_wait3A_86 = tpu.memref_slice %arg15[%dma_wait3A_84, %dma_wait3A_85] : memref<10000x128xf32, #tpu.memory_space<vmem_shared>> -> memref<16x128xf32, #tpu.memory_space<vmem_shared>>
        tpu.wait_dma2 semaphore(%run_scoped3A_72 : memref<!tpu.dma_semaphore, #tpu.memory_space<semaphore_mem>>) src(%dma_wait3A_86 : memref<16x128xf32, #tpu.memory_space<vmem_shared>>) dst(%dma_wait3A_83 : memref<16x128xf32, #tpu.memory_space<hbm>>)
        tpu.yield
      }) : () -> ()
    } else {
    }
    return
  }
}

module attributes {stable_mosaic.version = 14 : i64} {
  func.func @_embed_body(%arg0: i32, %arg1: memref<2000x128xf32, #tpu.memory_space<vmem>>, %arg2: memref<128x256xf32, #tpu.memory_space<vmem>>, %arg3: memref<1x256xf32, #tpu.memory_space<vmem>>, %arg4: memref<2x2000x128xf32, #tpu.memory_space<vmem>>) attributes {dimension_semantics = [#tpu.dimension_semantics<arbitrary>], iteration_bounds = array<i64: 5>, scalar_prefetch = 0 : i64, scratch_operands = 0 : i64, tpu.core_type = #tpu.core_type<tc>, window_params = [{transform_indices = @transform_0, window_bounds = array<i64: 2000, 128>}, {pipeline_mode = #tpu.pipeline_mode<synchronous>, transform_indices = @transform_1, window_bounds = array<i64: 128, 256>}, {pipeline_mode = #tpu.pipeline_mode<synchronous>, transform_indices = @transform_2, window_bounds = array<i64: 1, 256>}, {transform_indices = @transform_3, window_bounds = array<i64: 2, 2000, 128>}]} {
    %get3A = arith.constant 0 : index
    %get3A_0 = arith.constant 0 : index
    %get3A_1 = vector.load %arg1[%get3A, %get3A_0] : memref<2000x128xf32, #tpu.memory_space<vmem>>, vector<2000x128xf32>
    %get3A_2 = arith.constant 0 : index
    %get3A_3 = arith.constant 0 : index
    %get3A_4 = vector.load %arg2[%get3A_2, %get3A_3] : memref<128x256xf32, #tpu.memory_space<vmem>>, vector<128x256xf32>
    %dot_general3A = arith.constant dense<0.000000e+00> : vector<2000x256xf32>
    %dot_general3A_5 = tpu.matmul %get3A_1, %get3A_4, %dot_general3A {dimension_numbers = #tpu.dot_dimension_numbers<[1], [0], [0], [1], [0, 0, 1, 1], [], []>, transpose_lhs_hint = false} : vector<2000x128xf32>, vector<128x256xf32>, vector<2000x256xf32> -> vector<2000x256xf32>
    %get3A_6 = arith.constant 0 : index
    %get3A_7 = arith.constant 0 : index
    %get3A_8 = vector.load %arg3[%get3A_6, %get3A_7] : memref<1x256xf32, #tpu.memory_space<vmem>>, vector<1x256xf32>
    %add3A = vector.broadcast %get3A_8 : vector<1x256xf32> to vector<2000x256xf32>
    %add3A_9 = arith.addf %dot_general3A_5, %add3A : vector<2000x256xf32>
    %slice3A = vector.extract_strided_slice %add3A_9 {offsets = [0, 0], sizes = [2000, 128], strides = [1, 1]} : vector<2000x256xf32> to vector<2000x128xf32>
    %swap3A = arith.constant 0 : index
    %swap3A_10 = arith.constant 0 : index
    %swap3A_11 = arith.constant 0 : index
    %swap3A_12 = vector.load %arg4[%swap3A, %swap3A_10, %swap3A_11] : memref<2x2000x128xf32, #tpu.memory_space<vmem>>, vector<1x2000x128xf32>
    %swap3A_13 = vector.shape_cast %swap3A_12 : vector<1x2000x128xf32> to vector<2000x128xf32>
    %swap3A_14 = vector.shape_cast %slice3A : vector<2000x128xf32> to vector<1x2000x128xf32>
    tpu.vector_store %arg4[%swap3A, %swap3A_10, %swap3A_11], %swap3A_14 {strides = array<i32>} : memref<2x2000x128xf32, #tpu.memory_space<vmem>>, vector<1x2000x128xf32>,
    %slice3A_15 = vector.extract_strided_slice %add3A_9 {offsets = [0, 128], sizes = [2000, 128], strides = [1, 1]} : vector<2000x256xf32> to vector<2000x128xf32>
    %swap3A_16 = arith.constant 1 : index
    %swap3A_17 = arith.constant 0 : index
    %swap3A_18 = arith.constant 0 : index
    %swap3A_19 = vector.load %arg4[%swap3A_16, %swap3A_17, %swap3A_18] : memref<2x2000x128xf32, #tpu.memory_space<vmem>>, vector<1x2000x128xf32>
    %swap3A_20 = vector.shape_cast %swap3A_19 : vector<1x2000x128xf32> to vector<2000x128xf32>
    %swap3A_21 = vector.shape_cast %slice3A_15 : vector<2000x128xf32> to vector<1x2000x128xf32>
    tpu.vector_store %arg4[%swap3A_16, %swap3A_17, %swap3A_18], %swap3A_21 {strides = array<i32>} : memref<2x2000x128xf32, #tpu.memory_space<vmem>>, vector<1x2000x128xf32>,
    return
  }
  func.func @transform_0(%arg0: i32) -> (i32, i32) {
    %c0_i32 = arith.constant 0 : i32
    %c0_i32_0 = arith.constant 0 : i32
    return %arg0, %c0_i32 : i32, i32
  }
  func.func @transform_1(%arg0: i32) -> (i32, i32) {
    %c0_i32 = arith.constant 0 : i32
    %c0_i32_0 = arith.constant 0 : i32
    %c0_i32_1 = arith.constant 0 : i32
    return %c0_i32, %c0_i32_0 : i32, i32
  }
  func.func @transform_2(%arg0: i32) -> (i32, i32) {
    %c0_i32 = arith.constant 0 : i32
    %c0_i32_0 = arith.constant 0 : i32
    %c0_i32_1 = arith.constant 0 : i32
    return %c0_i32, %c0_i32_0 : i32, i32
  }
  func.func @transform_3(%arg0: i32) -> (i32, i32, i32) {
    %c0_i32 = arith.constant 0 : i32
    %c0_i32_0 = arith.constant 0 : i32
    %c0_i32_1 = arith.constant 0 : i32
    return %c0_i32, %arg0, %c0_i32_0 : i32, i32, i32
  }
}

module attributes {stable_mosaic.version = 14 : i64} {
  func.func @_embed_body(%arg0: i32, %arg1: memref<2000x256xf32, #tpu.memory_space<vmem>>, %arg2: memref<256x256xf32, #tpu.memory_space<vmem>>, %arg3: memref<1x256xf32, #tpu.memory_space<vmem>>, %arg4: memref<2x2000x128xf32, #tpu.memory_space<vmem>>) attributes {dimension_semantics = [#tpu.dimension_semantics<arbitrary>], iteration_bounds = array<i64: 5>, scalar_prefetch = 0 : i64, scratch_operands = 0 : i64, tpu.core_type = #tpu.core_type<tc>, window_params = [{transform_indices = @transform_0, window_bounds = array<i64: 2000, 256>}, {pipeline_mode = #tpu.pipeline_mode<synchronous>, transform_indices = @transform_1, window_bounds = array<i64: 256, 256>}, {pipeline_mode = #tpu.pipeline_mode<synchronous>, transform_indices = @transform_2, window_bounds = array<i64: 1, 256>}, {transform_indices = @transform_3, window_bounds = array<i64: 2, 2000, 128>}]} {
    %get3A = arith.constant 0 : index
    %get3A_0 = arith.constant 0 : index
    %get3A_1 = vector.load %arg1[%get3A, %get3A_0] : memref<2000x256xf32, #tpu.memory_space<vmem>>, vector<2000x256xf32>
    %get3A_2 = arith.constant 0 : index
    %get3A_3 = arith.constant 0 : index
    %get3A_4 = vector.load %arg2[%get3A_2, %get3A_3] : memref<256x256xf32, #tpu.memory_space<vmem>>, vector<256x256xf32>
    %dot_general3A = arith.constant dense<0.000000e+00> : vector<2000x256xf32>
    %dot_general3A_5 = tpu.matmul %get3A_1, %get3A_4, %dot_general3A {dimension_numbers = #tpu.dot_dimension_numbers<[1], [0], [0], [1], [0, 0, 1, 1], [], []>, transpose_lhs_hint = false} : vector<2000x256xf32>, vector<256x256xf32>, vector<2000x256xf32> -> vector<2000x256xf32>
    %get3A_6 = arith.constant 0 : index
    %get3A_7 = arith.constant 0 : index
    %get3A_8 = vector.load %arg3[%get3A_6, %get3A_7] : memref<1x256xf32, #tpu.memory_space<vmem>>, vector<1x256xf32>
    %add3A = vector.broadcast %get3A_8 : vector<1x256xf32> to vector<2000x256xf32>
    %add3A_9 = arith.addf %dot_general3A_5, %add3A : vector<2000x256xf32>
    %slice3A = vector.extract_strided_slice %add3A_9 {offsets = [0, 0], sizes = [2000, 128], strides = [1, 1]} : vector<2000x256xf32> to vector<2000x128xf32>
    %swap3A = arith.constant 0 : index
    %swap3A_10 = arith.constant 0 : index
    %swap3A_11 = arith.constant 0 : index
    %swap3A_12 = vector.load %arg4[%swap3A, %swap3A_10, %swap3A_11] : memref<2x2000x128xf32, #tpu.memory_space<vmem>>, vector<1x2000x128xf32>
    %swap3A_13 = vector.shape_cast %swap3A_12 : vector<1x2000x128xf32> to vector<2000x128xf32>
    %swap3A_14 = vector.shape_cast %slice3A : vector<2000x128xf32> to vector<1x2000x128xf32>
    tpu.vector_store %arg4[%swap3A, %swap3A_10, %swap3A_11], %swap3A_14 {strides = array<i32>} : memref<2x2000x128xf32, #tpu.memory_space<vmem>>, vector<1x2000x128xf32>,
    %slice3A_15 = vector.extract_strided_slice %add3A_9 {offsets = [0, 128], sizes = [2000, 128], strides = [1, 1]} : vector<2000x256xf32> to vector<2000x128xf32>
    %swap3A_16 = arith.constant 1 : index
    %swap3A_17 = arith.constant 0 : index
    %swap3A_18 = arith.constant 0 : index
    %swap3A_19 = vector.load %arg4[%swap3A_16, %swap3A_17, %swap3A_18] : memref<2x2000x128xf32, #tpu.memory_space<vmem>>, vector<1x2000x128xf32>
    %swap3A_20 = vector.shape_cast %swap3A_19 : vector<1x2000x128xf32> to vector<2000x128xf32>
    %swap3A_21 = vector.shape_cast %slice3A_15 : vector<2000x128xf32> to vector<1x2000x128xf32>
    tpu.vector_store %arg4[%swap3A_16, %swap3A_17, %swap3A_18], %swap3A_21 {strides = array<i32>} : memref<2x2000x128xf32, #tpu.memory_space<vmem>>, vector<1x2000x128xf32>,
    return
  }
  func.func @transform_0(%arg0: i32) -> (i32, i32) {
    %c0_i32 = arith.constant 0 : i32
    %c0_i32_0 = arith.constant 0 : i32
    return %arg0, %c0_i32 : i32, i32
  }
  func.func @transform_1(%arg0: i32) -> (i32, i32) {
    %c0_i32 = arith.constant 0 : i32
    %c0_i32_0 = arith.constant 0 : i32
    %c0_i32_1 = arith.constant 0 : i32
    return %c0_i32, %c0_i32_0 : i32, i32
  }
  func.func @transform_2(%arg0: i32) -> (i32, i32) {
    %c0_i32 = arith.constant 0 : i32
    %c0_i32_0 = arith.constant 0 : i32
    %c0_i32_1 = arith.constant 0 : i32
    return %c0_i32, %c0_i32_0 : i32, i32
  }
  func.func @transform_3(%arg0: i32) -> (i32, i32, i32) {
    %c0_i32 = arith.constant 0 : i32
    %c0_i32_0 = arith.constant 0 : i32
    %c0_i32_1 = arith.constant 0 : i32
    return %c0_i32, %arg0, %c0_i32_0 : i32, i32, i32
  }
}

module attributes {stable_mosaic.version = 14 : i64} {
  func.func @_conv_update_body(%arg0: i32, %arg1: memref<2x2000x128xf32, #tpu.memory_space<vmem>>, %arg2: memref<2x2000x128xf32, #tpu.memory_space<vmem>>, %arg3: memref<2000x128xf32, #tpu.memory_space<vmem>>, %arg4: memref<272x256xf32, #tpu.memory_space<vmem>>, %arg5: memref<256x256xf32, #tpu.memory_space<vmem>>, %arg6: memref<256x256xf32, #tpu.memory_space<vmem>>, %arg7: memref<1x256xf32, #tpu.memory_space<vmem>>, %arg8: memref<1x256xf32, #tpu.memory_space<vmem>>, %arg9: memref<1x256xf32, #tpu.memory_space<vmem>>, %arg10: memref<2x2000x128xf32, #tpu.memory_space<vmem>>) attributes {dimension_semantics = [#tpu.dimension_semantics<arbitrary>], iteration_bounds = array<i64: 5>, scalar_prefetch = 0 : i64, scratch_operands = 0 : i64, tpu.core_type = #tpu.core_type<tc>, window_params = [{transform_indices = @transform_0, window_bounds = array<i64: 2, 2000, 128>}, {transform_indices = @transform_1, window_bounds = array<i64: 2, 2000, 128>}, {transform_indices = @transform_2, window_bounds = array<i64: 2000, 128>}, {pipeline_mode = #tpu.pipeline_mode<synchronous>, transform_indices = @transform_3, window_bounds = array<i64: 272, 256>}, {pipeline_mode = #tpu.pipeline_mode<synchronous>, transform_indices = @transform_4, window_bounds = array<i64: 256, 256>}, {pipeline_mode = #tpu.pipeline_mode<synchronous>, transform_indices = @transform_5, window_bounds = array<i64: 256, 256>}, {pipeline_mode = #tpu.pipeline_mode<synchronous>, transform_indices = @transform_6, window_bounds = array<i64: 1, 256>}, {pipeline_mode = #tpu.pipeline_mode<synchronous>, transform_indices = @transform_7, window_bounds = array<i64: 1, 256>}, {pipeline_mode = #tpu.pipeline_mode<synchronous>, transform_indices = @transform_8, window_bounds = array<i64: 1, 256>}, {transform_indices = @transform_9, window_bounds = array<i64: 2, 2000, 128>}]} {
    %get3A = arith.constant 0 : index
    %get3A_0 = arith.constant 0 : index
    %get3A_1 = vector.load %arg4[%get3A, %get3A_0] : memref<272x256xf32, #tpu.memory_space<vmem>>, vector<272x256xf32>
    %get3A_2 = arith.constant 0 : index
    %get3A_3 = arith.constant 0 : index
    %get3A_4 = arith.constant 0 : index
    %get3A_5 = vector.load %arg1[%get3A_2, %get3A_3, %get3A_4] : memref<2x2000x128xf32, #tpu.memory_space<vmem>>, vector<1x2000x128xf32>
    %get3A_6 = vector.shape_cast %get3A_5 : vector<1x2000x128xf32> to vector<2000x128xf32>
    %get3A_7 = arith.constant 1 : index
    %get3A_8 = arith.constant 0 : index
    %get3A_9 = arith.constant 0 : index
    %get3A_10 = vector.load %arg1[%get3A_7, %get3A_8, %get3A_9] : memref<2x2000x128xf32, #tpu.memory_space<vmem>>, vector<1x2000x128xf32>
    %get3A_11 = vector.shape_cast %get3A_10 : vector<1x2000x128xf32> to vector<2000x128xf32>
    %concatenate3A = tpu.concatenate %get3A_6, %get3A_11 in 1 : vector<2000x128xf32>, vector<2000x128xf32> -> vector<2000x256xf32>
    %get3A_12 = arith.constant 0 : index
    %get3A_13 = arith.constant 0 : index
    %get3A_14 = arith.constant 0 : index
    %get3A_15 = vector.load %arg2[%get3A_12, %get3A_13, %get3A_14] : memref<2x2000x128xf32, #tpu.memory_space<vmem>>, vector<1x2000x128xf32>
    %get3A_16 = vector.shape_cast %get3A_15 : vector<1x2000x128xf32> to vector<2000x128xf32>
    %get3A_17 = arith.constant 1 : index
    %get3A_18 = arith.constant 0 : index
    %get3A_19 = arith.constant 0 : index
    %get3A_20 = vector.load %arg2[%get3A_17, %get3A_18, %get3A_19] : memref<2x2000x128xf32, #tpu.memory_space<vmem>>, vector<1x2000x128xf32>
    %get3A_21 = vector.shape_cast %get3A_20 : vector<1x2000x128xf32> to vector<2000x128xf32>
    %concatenate3A_22 = tpu.concatenate %get3A_16, %get3A_21 in 1 : vector<2000x128xf32>, vector<2000x128xf32> -> vector<2000x256xf32>
    %get3A_23 = arith.constant 0 : index
    %get3A_24 = arith.constant 0 : index
    %get3A_25 = vector.load %arg3[%get3A_23, %get3A_24] : memref<2000x128xf32, #tpu.memory_space<vmem>>, vector<2000x128xf32>
    %slice3A = vector.extract_strided_slice %get3A_25 {offsets = [0, 0], sizes = [2000, 16], strides = [1, 1]} : vector<2000x128xf32> to vector<2000x16xf32>
    %slice3A_26 = vector.extract_strided_slice %get3A_25 {offsets = [0, 16], sizes = [2000, 1], strides = [1, 1]} : vector<2000x128xf32> to vector<2000x1xf32>
    %slice3A_27 = vector.extract_strided_slice %get3A_1 {offsets = [0, 0], sizes = [256, 256], strides = [1, 1]} : vector<272x256xf32> to vector<256x256xf32>
    %dot_general3A = arith.constant dense<0.000000e+00> : vector<2000x256xf32>
    %dot_general3A_28 = tpu.matmul %concatenate3A_22, %slice3A_27, %dot_general3A {dimension_numbers = #tpu.dot_dimension_numbers<[1], [0], [0], [1], [0, 0, 1, 1], [], []>, transpose_lhs_hint = false} : vector<2000x256xf32>, vector<256x256xf32>, vector<2000x256xf32> -> vector<2000x256xf32>
    %slice3A_29 = vector.extract_strided_slice %get3A_1 {offsets = [256, 0], sizes = [16, 256], strides = [1, 1]} : vector<272x256xf32> to vector<16x256xf32>
    %dot_general3A_30 = arith.constant dense<0.000000e+00> : vector<2000x256xf32>
    %dot_general3A_31 = tpu.matmul %slice3A, %slice3A_29, %dot_general3A_30 {dimension_numbers = #tpu.dot_dimension_numbers<[1], [0], [0], [1], [0, 0, 1, 1], [], []>, transpose_lhs_hint = false} : vector<2000x16xf32>, vector<16x256xf32>, vector<2000x256xf32> -> vector<2000x256xf32>
    %add3A = arith.addf %dot_general3A_28, %dot_general3A_31 : vector<2000x256xf32>
    %get3A_32 = arith.constant 0 : index
    %get3A_33 = arith.constant 0 : index
    %get3A_34 = vector.load %arg7[%get3A_32, %get3A_33] : memref<1x256xf32, #tpu.memory_space<vmem>>, vector<1x256xf32>
    %mul3A = vector.broadcast %slice3A_26 : vector<2000x1xf32> to vector<2000x256xf32>
    %mul3A_35 = vector.broadcast %get3A_34 : vector<1x256xf32> to vector<2000x256xf32>
    %mul3A_36 = arith.mulf %mul3A, %mul3A_35 : vector<2000x256xf32>
    %add3A_37 = arith.addf %add3A, %mul3A_36 : vector<2000x256xf32>
    %max3A = arith.constant 1.000000e+00 : f32
    %max3A_38 = vector.broadcast %max3A : f32 to vector<2000x1xf32>
    %max3A_39 = arith.maximumf %slice3A_26, %max3A_38 : vector<2000x1xf32>
    %div3A = vector.broadcast %max3A_39 : vector<2000x1xf32> to vector<2000x256xf32>
    %div3A_40 = arith.divf %add3A_37, %div3A : vector<2000x256xf32>
    %get3A_41 = arith.constant 0 : index
    %get3A_42 = arith.constant 0 : index
    %get3A_43 = vector.load %arg5[%get3A_41, %get3A_42] : memref<256x256xf32, #tpu.memory_space<vmem>>, vector<256x256xf32>
    %dot_general3A_44 = arith.constant dense<0.000000e+00> : vector<2000x256xf32>
    %dot_general3A_45 = tpu.matmul %concatenate3A, %get3A_43, %dot_general3A_44 {dimension_numbers = #tpu.dot_dimension_numbers<[1], [0], [0], [1], [0, 0, 1, 1], [], []>, transpose_lhs_hint = false} : vector<2000x256xf32>, vector<256x256xf32>, vector<2000x256xf32> -> vector<2000x256xf32>
    %get3A_46 = arith.constant 0 : index
    %get3A_47 = arith.constant 0 : index
    %get3A_48 = vector.load %arg6[%get3A_46, %get3A_47] : memref<256x256xf32, #tpu.memory_space<vmem>>, vector<256x256xf32>
    %dot_general3A_49 = arith.constant dense<0.000000e+00> : vector<2000x256xf32>
    %dot_general3A_50 = tpu.matmul %div3A_40, %get3A_48, %dot_general3A_49 {dimension_numbers = #tpu.dot_dimension_numbers<[1], [0], [0], [1], [0, 0, 1, 1], [], []>, transpose_lhs_hint = false} : vector<2000x256xf32>, vector<256x256xf32>, vector<2000x256xf32> -> vector<2000x256xf32>
    %add3A_51 = arith.addf %dot_general3A_45, %dot_general3A_50 : vector<2000x256xf32>
    %get3A_52 = arith.constant 0 : index
    %get3A_53 = arith.constant 0 : index
    %get3A_54 = vector.load %arg8[%get3A_52, %get3A_53] : memref<1x256xf32, #tpu.memory_space<vmem>>, vector<1x256xf32>
    %add3A_55 = vector.broadcast %get3A_54 : vector<1x256xf32> to vector<2000x256xf32>
    %add3A_56 = arith.addf %add3A_51, %add3A_55 : vector<2000x256xf32>
    %get3A_57 = arith.constant 0 : index
    %get3A_58 = arith.constant 0 : index
    %get3A_59 = vector.load %arg9[%get3A_57, %get3A_58] : memref<1x256xf32, #tpu.memory_space<vmem>>, vector<1x256xf32>
    %add3A_60 = vector.broadcast %get3A_59 : vector<1x256xf32> to vector<2000x256xf32>
    %add3A_61 = arith.addf %add3A_56, %add3A_60 : vector<2000x256xf32>
    %max3A_62 = arith.constant 0.000000e+00 : f32
    %max3A_63 = vector.broadcast %max3A_62 : f32 to vector<2000x256xf32>
    %max3A_64 = arith.maximumf %add3A_61, %max3A_63 : vector<2000x256xf32>
    %mul3A_65 = arith.mulf %max3A_64, %max3A_64 : vector<2000x256xf32>
    %reduce_sum3A = arith.constant dense<0.000000e+00> : vector<2000xf32>
    %reduce_sum3A_66 = vector.multi_reduction <add>, %mul3A_65, %reduce_sum3A [1] : vector<2000x256xf32> to vector<2000xf32>
    %broadcast_in_dim3A = vector.shape_cast %reduce_sum3A_66 : vector<2000xf32> to vector<2000x1xf32>
    %sqrt3A = math.sqrt %broadcast_in_dim3A : vector<2000x1xf32>
    %add3A_67 = arith.constant 9.99999997E-7 : f32
    %add3A_68 = vector.broadcast %add3A_67 : f32 to vector<2000x1xf32>
    %add3A_69 = arith.addf %sqrt3A, %add3A_68 : vector<2000x1xf32>
    %div3A_70 = vector.broadcast %add3A_69 : vector<2000x1xf32> to vector<2000x256xf32>
    %div3A_71 = arith.divf %max3A_64, %div3A_70 : vector<2000x256xf32>
    %slice3A_72 = vector.extract_strided_slice %div3A_71 {offsets = [0, 0], sizes = [2000, 128], strides = [1, 1]} : vector<2000x256xf32> to vector<2000x128xf32>
    %swap3A = arith.constant 0 : index
    %swap3A_73 = arith.constant 0 : index
    %swap3A_74 = arith.constant 0 : index
    %swap3A_75 = vector.load %arg10[%swap3A, %swap3A_73, %swap3A_74] : memref<2x2000x128xf32, #tpu.memory_space<vmem>>, vector<1x2000x128xf32>
    %swap3A_76 = vector.shape_cast %swap3A_75 : vector<1x2000x128xf32> to vector<2000x128xf32>
    %swap3A_77 = vector.shape_cast %slice3A_72 : vector<2000x128xf32> to vector<1x2000x128xf32>
    tpu.vector_store %arg10[%swap3A, %swap3A_73, %swap3A_74], %swap3A_77 {strides = array<i32>} : memref<2x2000x128xf32, #tpu.memory_space<vmem>>, vector<1x2000x128xf32>,
    %slice3A_78 = vector.extract_strided_slice %div3A_71 {offsets = [0, 128], sizes = [2000, 128], strides = [1, 1]} : vector<2000x256xf32> to vector<2000x128xf32>
    %swap3A_79 = arith.constant 1 : index
    %swap3A_80 = arith.constant 0 : index
    %swap3A_81 = arith.constant 0 : index
    %swap3A_82 = vector.load %arg10[%swap3A_79, %swap3A_80, %swap3A_81] : memref<2x2000x128xf32, #tpu.memory_space<vmem>>, vector<1x2000x128xf32>
    %swap3A_83 = vector.shape_cast %swap3A_82 : vector<1x2000x128xf32> to vector<2000x128xf32>
    %swap3A_84 = vector.shape_cast %slice3A_78 : vector<2000x128xf32> to vector<1x2000x128xf32>
    tpu.vector_store %arg10[%swap3A_79, %swap3A_80, %swap3A_81], %swap3A_84 {strides = array<i32>} : memref<2x2000x128xf32, #tpu.memory_space<vmem>>, vector<1x2000x128xf32>,
    return
  }
  func.func @transform_0(%arg0: i32) -> (i32, i32, i32) {
    %c0_i32 = arith.constant 0 : i32
    %c0_i32_0 = arith.constant 0 : i32
    %c0_i32_1 = arith.constant 0 : i32
    return %c0_i32, %arg0, %c0_i32_0 : i32, i32, i32
  }
  func.func @transform_1(%arg0: i32) -> (i32, i32, i32) {
    %c0_i32 = arith.constant 0 : i32
    %c0_i32_0 = arith.constant 0 : i32
    %c0_i32_1 = arith.constant 0 : i32
    return %c0_i32, %arg0, %c0_i32_0 : i32, i32, i32
  }
  func.func @transform_2(%arg0: i32) -> (i32, i32) {
    %c0_i32 = arith.constant 0 : i32
    %c0_i32_0 = arith.constant 0 : i32
    return %arg0, %c0_i32 : i32, i32
  }
  func.func @transform_3(%arg0: i32) -> (i32, i32) {
    %c0_i32 = arith.constant 0 : i32
    %c0_i32_0 = arith.constant 0 : i32
    %c0_i32_1 = arith.constant 0 : i32
    return %c0_i32, %c0_i32_0 : i32, i32
  }
  func.func @transform_4(%arg0: i32) -> (i32, i32) {
    %c0_i32 = arith.constant 0 : i32
    %c0_i32_0 = arith.constant 0 : i32
    %c0_i32_1 = arith.constant 0 : i32
    return %c0_i32, %c0_i32_0 : i32, i32
  }
  func.func @transform_5(%arg0: i32) -> (i32, i32) {
    %c0_i32 = arith.constant 0 : i32
    %c0_i32_0 = arith.constant 0 : i32
    %c0_i32_1 = arith.constant 0 : i32
    return %c0_i32, %c0_i32_0 : i32, i32
  }
  func.func @transform_6(%arg0: i32) -> (i32, i32) {
    %c0_i32 = arith.constant 0 : i32
    %c0_i32_0 = arith.constant 0 : i32
    %c0_i32_1 = arith.constant 0 : i32
    return %c0_i32, %c0_i32_0 : i32, i32
  }
  func.func @transform_7(%arg0: i32) -> (i32, i32) {
    %c0_i32 = arith.constant 0 : i32
    %c0_i32_0 = arith.constant 0 : i32
    %c0_i32_1 = arith.constant 0 : i32
    return %c0_i32, %c0_i32_0 : i32, i32
  }
  func.func @transform_8(%arg0: i32) -> (i32, i32) {
    %c0_i32 = arith.constant 0 : i32
    %c0_i32_0 = arith.constant 0 : i32
    %c0_i32_1 = arith.constant 0 : i32
    return %c0_i32, %c0_i32_0 : i32, i32
  }
  func.func @transform_9(%arg0: i32) -> (i32, i32, i32) {
    %c0_i32 = arith.constant 0 : i32
    %c0_i32_0 = arith.constant 0 : i32
    %c0_i32_1 = arith.constant 0 : i32
    return %c0_i32, %arg0, %c0_i32_0 : i32, i32, i32
  }
}

module attributes {stable_mosaic.version = 14 : i64} {
  func.func @_conv_update_body(%arg0: i32, %arg1: memref<2x2000x128xf32, #tpu.memory_space<vmem>>, %arg2: memref<2x2000x128xf32, #tpu.memory_space<vmem>>, %arg3: memref<2000x128xf32, #tpu.memory_space<vmem>>, %arg4: memref<272x256xf32, #tpu.memory_space<vmem>>, %arg5: memref<256x256xf32, #tpu.memory_space<vmem>>, %arg6: memref<256x256xf32, #tpu.memory_space<vmem>>, %arg7: memref<1x256xf32, #tpu.memory_space<vmem>>, %arg8: memref<1x256xf32, #tpu.memory_space<vmem>>, %arg9: memref<1x256xf32, #tpu.memory_space<vmem>>, %arg10: memref<2000x256xf32, #tpu.memory_space<vmem>>) attributes {dimension_semantics = [#tpu.dimension_semantics<arbitrary>], iteration_bounds = array<i64: 5>, scalar_prefetch = 0 : i64, scratch_operands = 0 : i64, tpu.core_type = #tpu.core_type<tc>, window_params = [{transform_indices = @transform_0, window_bounds = array<i64: 2, 2000, 128>}, {transform_indices = @transform_1, window_bounds = array<i64: 2, 2000, 128>}, {transform_indices = @transform_2, window_bounds = array<i64: 2000, 128>}, {pipeline_mode = #tpu.pipeline_mode<synchronous>, transform_indices = @transform_3, window_bounds = array<i64: 272, 256>}, {pipeline_mode = #tpu.pipeline_mode<synchronous>, transform_indices = @transform_4, window_bounds = array<i64: 256, 256>}, {pipeline_mode = #tpu.pipeline_mode<synchronous>, transform_indices = @transform_5, window_bounds = array<i64: 256, 256>}, {pipeline_mode = #tpu.pipeline_mode<synchronous>, transform_indices = @transform_6, window_bounds = array<i64: 1, 256>}, {pipeline_mode = #tpu.pipeline_mode<synchronous>, transform_indices = @transform_7, window_bounds = array<i64: 1, 256>}, {pipeline_mode = #tpu.pipeline_mode<synchronous>, transform_indices = @transform_8, window_bounds = array<i64: 1, 256>}, {transform_indices = @transform_9, window_bounds = array<i64: 2000, 256>}]} {
    %get3A = arith.constant 0 : index
    %get3A_0 = arith.constant 0 : index
    %get3A_1 = vector.load %arg4[%get3A, %get3A_0] : memref<272x256xf32, #tpu.memory_space<vmem>>, vector<272x256xf32>
    %get3A_2 = arith.constant 0 : index
    %get3A_3 = arith.constant 0 : index
    %get3A_4 = arith.constant 0 : index
    %get3A_5 = vector.load %arg1[%get3A_2, %get3A_3, %get3A_4] : memref<2x2000x128xf32, #tpu.memory_space<vmem>>, vector<1x2000x128xf32>
    %get3A_6 = vector.shape_cast %get3A_5 : vector<1x2000x128xf32> to vector<2000x128xf32>
    %get3A_7 = arith.constant 1 : index
    %get3A_8 = arith.constant 0 : index
    %get3A_9 = arith.constant 0 : index
    %get3A_10 = vector.load %arg1[%get3A_7, %get3A_8, %get3A_9] : memref<2x2000x128xf32, #tpu.memory_space<vmem>>, vector<1x2000x128xf32>
    %get3A_11 = vector.shape_cast %get3A_10 : vector<1x2000x128xf32> to vector<2000x128xf32>
    %concatenate3A = tpu.concatenate %get3A_6, %get3A_11 in 1 : vector<2000x128xf32>, vector<2000x128xf32> -> vector<2000x256xf32>
    %get3A_12 = arith.constant 0 : index
    %get3A_13 = arith.constant 0 : index
    %get3A_14 = arith.constant 0 : index
    %get3A_15 = vector.load %arg2[%get3A_12, %get3A_13, %get3A_14] : memref<2x2000x128xf32, #tpu.memory_space<vmem>>, vector<1x2000x128xf32>
    %get3A_16 = vector.shape_cast %get3A_15 : vector<1x2000x128xf32> to vector<2000x128xf32>
    %get3A_17 = arith.constant 1 : index
    %get3A_18 = arith.constant 0 : index
    %get3A_19 = arith.constant 0 : index
    %get3A_20 = vector.load %arg2[%get3A_17, %get3A_18, %get3A_19] : memref<2x2000x128xf32, #tpu.memory_space<vmem>>, vector<1x2000x128xf32>
    %get3A_21 = vector.shape_cast %get3A_20 : vector<1x2000x128xf32> to vector<2000x128xf32>
    %concatenate3A_22 = tpu.concatenate %get3A_16, %get3A_21 in 1 : vector<2000x128xf32>, vector<2000x128xf32> -> vector<2000x256xf32>
    %get3A_23 = arith.constant 0 : index
    %get3A_24 = arith.constant 0 : index
    %get3A_25 = vector.load %arg3[%get3A_23, %get3A_24] : memref<2000x128xf32, #tpu.memory_space<vmem>>, vector<2000x128xf32>
    %slice3A = vector.extract_strided_slice %get3A_25 {offsets = [0, 0], sizes = [2000, 16], strides = [1, 1]} : vector<2000x128xf32> to vector<2000x16xf32>
    %slice3A_26 = vector.extract_strided_slice %get3A_25 {offsets = [0, 16], sizes = [2000, 1], strides = [1, 1]} : vector<2000x128xf32> to vector<2000x1xf32>
    %slice3A_27 = vector.extract_strided_slice %get3A_1 {offsets = [0, 0], sizes = [256, 256], strides = [1, 1]} : vector<272x256xf32> to vector<256x256xf32>
    %dot_general3A = arith.constant dense<0.000000e+00> : vector<2000x256xf32>
    %dot_general3A_28 = tpu.matmul %concatenate3A_22, %slice3A_27, %dot_general3A {dimension_numbers = #tpu.dot_dimension_numbers<[1], [0], [0], [1], [0, 0, 1, 1], [], []>, transpose_lhs_hint = false} : vector<2000x256xf32>, vector<256x256xf32>, vector<2000x256xf32> -> vector<2000x256xf32>
    %slice3A_29 = vector.extract_strided_slice %get3A_1 {offsets = [256, 0], sizes = [16, 256], strides = [1, 1]} : vector<272x256xf32> to vector<16x256xf32>
    %dot_general3A_30 = arith.constant dense<0.000000e+00> : vector<2000x256xf32>
    %dot_general3A_31 = tpu.matmul %slice3A, %slice3A_29, %dot_general3A_30 {dimension_numbers = #tpu.dot_dimension_numbers<[1], [0], [0], [1], [0, 0, 1, 1], [], []>, transpose_lhs_hint = false} : vector<2000x16xf32>, vector<16x256xf32>, vector<2000x256xf32> -> vector<2000x256xf32>
    %add3A = arith.addf %dot_general3A_28, %dot_general3A_31 : vector<2000x256xf32>
    %get3A_32 = arith.constant 0 : index
    %get3A_33 = arith.constant 0 : index
    %get3A_34 = vector.load %arg7[%get3A_32, %get3A_33] : memref<1x256xf32, #tpu.memory_space<vmem>>, vector<1x256xf32>
    %mul3A = vector.broadcast %slice3A_26 : vector<2000x1xf32> to vector<2000x256xf32>
    %mul3A_35 = vector.broadcast %get3A_34 : vector<1x256xf32> to vector<2000x256xf32>
    %mul3A_36 = arith.mulf %mul3A, %mul3A_35 : vector<2000x256xf32>
    %add3A_37 = arith.addf %add3A, %mul3A_36 : vector<2000x256xf32>
    %max3A = arith.constant 1.000000e+00 : f32
    %max3A_38 = vector.broadcast %max3A : f32 to vector<2000x1xf32>
    %max3A_39 = arith.maximumf %slice3A_26, %max3A_38 : vector<2000x1xf32>
    %div3A = vector.broadcast %max3A_39 : vector<2000x1xf32> to vector<2000x256xf32>
    %div3A_40 = arith.divf %add3A_37, %div3A : vector<2000x256xf32>
    %get3A_41 = arith.constant 0 : index
    %get3A_42 = arith.constant 0 : index
    %get3A_43 = vector.load %arg5[%get3A_41, %get3A_42] : memref<256x256xf32, #tpu.memory_space<vmem>>, vector<256x256xf32>
    %dot_general3A_44 = arith.constant dense<0.000000e+00> : vector<2000x256xf32>
    %dot_general3A_45 = tpu.matmul %concatenate3A, %get3A_43, %dot_general3A_44 {dimension_numbers = #tpu.dot_dimension_numbers<[1], [0], [0], [1], [0, 0, 1, 1], [], []>, transpose_lhs_hint = false} : vector<2000x256xf32>, vector<256x256xf32>, vector<2000x256xf32> -> vector<2000x256xf32>
    %get3A_46 = arith.constant 0 : index
    %get3A_47 = arith.constant 0 : index
    %get3A_48 = vector.load %arg6[%get3A_46, %get3A_47] : memref<256x256xf32, #tpu.memory_space<vmem>>, vector<256x256xf32>
    %dot_general3A_49 = arith.constant dense<0.000000e+00> : vector<2000x256xf32>
    %dot_general3A_50 = tpu.matmul %div3A_40, %get3A_48, %dot_general3A_49 {dimension_numbers = #tpu.dot_dimension_numbers<[1], [0], [0], [1], [0, 0, 1, 1], [], []>, transpose_lhs_hint = false} : vector<2000x256xf32>, vector<256x256xf32>, vector<2000x256xf32> -> vector<2000x256xf32>
    %add3A_51 = arith.addf %dot_general3A_45, %dot_general3A_50 : vector<2000x256xf32>
    %get3A_52 = arith.constant 0 : index
    %get3A_53 = arith.constant 0 : index
    %get3A_54 = vector.load %arg8[%get3A_52, %get3A_53] : memref<1x256xf32, #tpu.memory_space<vmem>>, vector<1x256xf32>
    %add3A_55 = vector.broadcast %get3A_54 : vector<1x256xf32> to vector<2000x256xf32>
    %add3A_56 = arith.addf %add3A_51, %add3A_55 : vector<2000x256xf32>
    %get3A_57 = arith.constant 0 : index
    %get3A_58 = arith.constant 0 : index
    %get3A_59 = vector.load %arg9[%get3A_57, %get3A_58] : memref<1x256xf32, #tpu.memory_space<vmem>>, vector<1x256xf32>
    %add3A_60 = vector.broadcast %get3A_59 : vector<1x256xf32> to vector<2000x256xf32>
    %add3A_61 = arith.addf %add3A_56, %add3A_60 : vector<2000x256xf32>
    %max3A_62 = arith.constant 0.000000e+00 : f32
    %max3A_63 = vector.broadcast %max3A_62 : f32 to vector<2000x256xf32>
    %max3A_64 = arith.maximumf %add3A_61, %max3A_63 : vector<2000x256xf32>
    %mul3A_65 = arith.mulf %max3A_64, %max3A_64 : vector<2000x256xf32>
    %reduce_sum3A = arith.constant dense<0.000000e+00> : vector<2000xf32>
    %reduce_sum3A_66 = vector.multi_reduction <add>, %mul3A_65, %reduce_sum3A [1] : vector<2000x256xf32> to vector<2000xf32>
    %broadcast_in_dim3A = vector.shape_cast %reduce_sum3A_66 : vector<2000xf32> to vector<2000x1xf32>
    %sqrt3A = math.sqrt %broadcast_in_dim3A : vector<2000x1xf32>
    %add3A_67 = arith.constant 9.99999997E-7 : f32
    %add3A_68 = vector.broadcast %add3A_67 : f32 to vector<2000x1xf32>
    %add3A_69 = arith.addf %sqrt3A, %add3A_68 : vector<2000x1xf32>
    %div3A_70 = vector.broadcast %add3A_69 : vector<2000x1xf32> to vector<2000x256xf32>
    %div3A_71 = arith.divf %max3A_64, %div3A_70 : vector<2000x256xf32>
    %swap3A = arith.constant 0 : index
    %swap3A_72 = arith.constant 0 : index
    %swap3A_73 = vector.load %arg10[%swap3A, %swap3A_72] : memref<2000x256xf32, #tpu.memory_space<vmem>>, vector<2000x256xf32>
    tpu.vector_store %arg10[%swap3A, %swap3A_72], %div3A_71 {strides = array<i32>} : memref<2000x256xf32, #tpu.memory_space<vmem>>, vector<2000x256xf32>,
    return
  }
  func.func @transform_0(%arg0: i32) -> (i32, i32, i32) {
    %c0_i32 = arith.constant 0 : i32
    %c0_i32_0 = arith.constant 0 : i32
    %c0_i32_1 = arith.constant 0 : i32
    return %c0_i32, %arg0, %c0_i32_0 : i32, i32, i32
  }
  func.func @transform_1(%arg0: i32) -> (i32, i32, i32) {
    %c0_i32 = arith.constant 0 : i32
    %c0_i32_0 = arith.constant 0 : i32
    %c0_i32_1 = arith.constant 0 : i32
    return %c0_i32, %arg0, %c0_i32_0 : i32, i32, i32
  }
  func.func @transform_2(%arg0: i32) -> (i32, i32) {
    %c0_i32 = arith.constant 0 : i32
    %c0_i32_0 = arith.constant 0 : i32
    return %arg0, %c0_i32 : i32, i32
  }
  func.func @transform_3(%arg0: i32) -> (i32, i32) {
    %c0_i32 = arith.constant 0 : i32
    %c0_i32_0 = arith.constant 0 : i32
    %c0_i32_1 = arith.constant 0 : i32
    return %c0_i32, %c0_i32_0 : i32, i32
  }
  func.func @transform_4(%arg0: i32) -> (i32, i32) {
    %c0_i32 = arith.constant 0 : i32
    %c0_i32_0 = arith.constant 0 : i32
    %c0_i32_1 = arith.constant 0 : i32
    return %c0_i32, %c0_i32_0 : i32, i32
  }
  func.func @transform_5(%arg0: i32) -> (i32, i32) {
    %c0_i32 = arith.constant 0 : i32
    %c0_i32_0 = arith.constant 0 : i32
    %c0_i32_1 = arith.constant 0 : i32
    return %c0_i32, %c0_i32_0 : i32, i32
  }
  func.func @transform_6(%arg0: i32) -> (i32, i32) {
    %c0_i32 = arith.constant 0 : i32
    %c0_i32_0 = arith.constant 0 : i32
    %c0_i32_1 = arith.constant 0 : i32
    return %c0_i32, %c0_i32_0 : i32, i32
  }
  func.func @transform_7(%arg0: i32) -> (i32, i32) {
    %c0_i32 = arith.constant 0 : i32
    %c0_i32_0 = arith.constant 0 : i32
    %c0_i32_1 = arith.constant 0 : i32
    return %c0_i32, %c0_i32_0 : i32, i32
  }
  func.func @transform_8(%arg0: i32) -> (i32, i32) {
    %c0_i32 = arith.constant 0 : i32
    %c0_i32_0 = arith.constant 0 : i32
    %c0_i32_1 = arith.constant 0 : i32
    return %c0_i32, %c0_i32_0 : i32, i32
  }
  func.func @transform_9(%arg0: i32) -> (i32, i32) {
    %c0_i32 = arith.constant 0 : i32
    %c0_i32_0 = arith.constant 0 : i32
    return %arg0, %c0_i32 : i32, i32
  }
}

</mosaic_0001>

<sc_bundles>
// kernel: kernel.11.cloned.1.call-start
scs
__scs_entry_jumppad:
0x0: {  	(pc) =	sbr.rel $0x88, $3  }
0x1: {  	(tag) =	ssettag $0x0;
	lr =	simm.s32 $0x1  }
0x2: {  	[smem:$0x3F8B] =	sst lr;
	_ =	strace $0xD0000000  }
0x3: {  	_ = 	snop  }
0x4: {  	_ = 	snop  }
0x5: {  	_ = 	snop  }
0x6: {  	_ = 	snop  }
0x7: {  	_ = 	snop  }
__scs_overlays_trampoline_lowered:
0x8: {  	[smem:$0x3F9A] =	sst s0  }
0x9: {  	[smem:$0x3F9B] =	sst s1  }
0xa: {  	[smem:$0x3F9C] =	sst s2  }
0xb: {  	[smem:$0x3F9D] =	sst s3  }
0xc: {  	[smem:$0x3F9E] =	sst s4  }
0xd: {  	[smem:$0x3F9F] =	sst s5  }
0xe: {  	[smem:$0x3FA0] =	sst s6  }
0xf: {  	[smem:$0x3FA1] =	sst s7  }
0x10: {  	[smem:$0x3FA2] =	sst s8  }
0x11: {  	[smem:$0x3FA3] =	sst s9;
	s0 =	simm.s32 @!p0 $0x0  }
0x12: {  	s1 =	sld [smem:$0x3F89];
	s0 =	simm.s32 @p0 $0x1  }
0x13: {  	[smem:$0x3FA4] =	sst s0;
	s0 =	simm.s32 @!p1 $0x0  }
0x14: {  	s2 =	sld [smem:$0x3F88];
	s0 =	simm.s32 @p1 $0x1  }
0x15: {  	[smem:$0x3FA5] =	sst s0;
	s0 =	simm.s32 @!p2 $0x0  }
0x16: {  	s3 =	sld [smem:$0x3FDB];
	s0 =	simm.s32 @p2 $0x1  }
0x17: {  	s4 =	simm.s32 $0x1BF5;
	[smem:$0x3FA7] =	sst s0  }
0x18: {  	s0 =	sld [smem:$0x3F8A];
	_ =	swait.ge [sflag:s4], $0x0  }
0x19: {  	s7 =	sld [smem:$0x3F8B]  }
0x1a: {  	s8 =	sadd.s32 $0xFFFFE003, lr  }
0x1b: {  	s9 =	sadd.s32 $0xFFFFFEF7, lr;
	s5 =	simm.s32 $0xFFFFFFFF;
	p2 =	slt.u32 s8, $0xFFFFF086  }
0x1c: {  	p1 =	slt.u32 s9, $0xF7A;
	s5 =	simm.s32 @!p2 $0x0  }
0x1d: {  	s5 =	simm.s32 @p1 $0x1;
	p0 =	seq.s32 s7, s2  }
0x1e: {  	s7 =	smul.u32 @!p0 $0xF7A, s2;
	p2 =	seq.s32 @!p0 s5, $0x0  }
0x1f: {  	s9 =	smul.u32 $0xF7A, s1;
	s8 =	simm.s32 @!p0 $0x1BF5;
	p2 =	por !p2, p0  }
0x20: {  	[sflag:s8] =	ssyncset.s32 @!p0 $0xFFFFF086;
	s6 =	sadd.s32 @!p0 s3, s7;
	s7 =	simm.s32 @!p0 $0x108  }
0x21: {  	s3 =	sadd.s32 s3, s9;
	s6 =	sadd.s32 @!p0 $0x88, s6;
	s7 =	simm.s32 @p2 $0x1082  }
0x22: {  	[simem:s7], [sflag:s8] =	dma.local @!p0 [hbm:s6], $0xF7A  }
0x23: {  	s9 =	sor.u32 $0xD0000000, s2;
	s6 =	simm.s32 $0x108;
	_ =	swait.ge @!p0 [sflag:s8], $0x0  }
0x24: {  	s3 =	sadd.s32 $0x88, s3;
	s6 =	simm.s32 @!p1 $0x1082;
	[sflag:s4] =	ssyncset.s32 $0xFFFFF086  }
0x25: {  	[simem:s6], [sflag:s4] =	dma.local [hbm:s3], $0xF7A  }
0x26: {  	[smem:$0x3F8B] =	sst s1;
	(tag) =	ssettag s2;
	_ =	strace s9  }
0x27: {  	s1 =	sld [smem:$0x3F9B]  }
0x28: {  	s2 =	sld [smem:$0x3F9C]  }
0x29: {  	s4 =	sld [smem:$0x3F9E]  }
0x2a: {  	p0 =	seq.s32 s5, $0x0;
	s5 =	sld [smem:$0x3F9F]  }
0x2b: {  	s6 =	sld [smem:$0x3FA0]  }
0x2c: {  	s7 =	sld [smem:$0x3FA1]  }
0x2d: {  	s3 =	simm.s32 $0x108;
	s8 =	sld [smem:$0x3FA2]  }
0x2e: {  	s3 =	simm.s32 @!p0 $0x1082;
	s9 =	sld [smem:$0x3FA3]  }
0x2f: {  	lr =	sadd.s32 s0, s3;
	s0 =	sld [smem:$0x3F9A]  }
0x30: {  	s3 =	sld [smem:$0x3F9D]  }
0x31: {  	[smem:$0x3FA6] =	sst s10  }
0x32: {  	s10 =	sld [smem:$0x3FA4];
	_ =	sdelay $0x3  }
0x33: {  	p0 =	seq.s32 s10, $0x1;
	s10 =	sld [smem:$0x3FA6];
	_ =	sdelay $0x3  }
0x34: {  	[smem:$0x3FA6] =	sst s10  }
0x35: {  	s10 =	sld [smem:$0x3FA5];
	_ =	sdelay $0x3  }
0x36: {  	p1 =	seq.s32 s10, $0x1;
	s10 =	sld [smem:$0x3FA6];
	_ =	sdelay $0x3  }
0x37: {  	[smem:$0x3FA6] =	sst s10  }
0x38: {  	s10 =	sld [smem:$0x3FA7]  }
0x39: {  	_ = 	snop;
	(pc) =	sbr.ind lr, $3  }
0x3a: {  	_ = 	snop  }
0x3b: {  	_ = 	snop  }
0x3c: {  	p2 =	seq.s32 s10, $0x1;
	s10 =	sld [smem:$0x3FA6]  }
0x3d: {  	_ =	shalt  }
0x3e: {  	_ =	shalt  }
0x3f: {  	_ =	shalt  }
0x40: {  	_ =	shalt  }
0x41: {  	_ =	shalt  }
0x42: {  	_ =	shalt  }
0x43: {  	_ =	shalt  }
0x44: {  	_ =	shalt  }
0x45: {  	_ =	shalt  }
0x46: {  	_ =	shalt  }
0x47: {  	_ =	shalt  }
0x48: {  	_ =	shalt  }
0x49: {  	_ =	shalt  }
0x4a: {  	_ =	shalt  }
0x4b: {  	_ =	shalt  }
0x4c: {  	_ =	shalt  }
0x4d: {  	_ =	shalt  }
0x4e: {  	_ =	shalt  }
0x4f: {  	_ =	shalt  }
0x50: {  	_ =	shalt  }
0x51: {  	_ =	shalt  }
0x52: {  	_ =	shalt  }
0x53: {  	_ =	shalt  }
0x54: {  	_ =	shalt  }
0x55: {  	_ =	shalt  }
0x56: {  	_ =	shalt  }
0x57: {  	_ =	shalt  }
0x58: {  	_ =	shalt  }
0x59: {  	_ =	shalt  }
0x5a: {  	_ =	shalt  }
0x5b: {  	_ =	shalt  }
0x5c: {  	_ =	shalt  }
0x5d: {  	_ =	shalt  }
0x5e: {  	_ =	shalt  }
0x5f: {  	_ =	shalt  }
0x60: {  	_ =	shalt  }
0x61: {  	_ =	shalt  }
0x62: {  	_ =	shalt  }
0x63: {  	_ =	shalt  }
0x64: {  	_ =	shalt  }
0x65: {  	_ =	shalt  }
0x66: {  	_ =	shalt  }
0x67: {  	_ =	shalt  }
0x68: {  	_ =	shalt  }
0x69: {  	_ =	shalt  }
0x6a: {  	_ =	shalt  }
0x6b: {  	_ =	shalt  }
0x6c: {  	_ =	shalt  }
0x6d: {  	_ =	shalt  }
0x6e: {  	_ =	shalt  }
0x6f: {  	_ =	shalt  }
0x70: {  	_ =	shalt  }
0x71: {  	_ =	shalt  }
0x72: {  	_ =	shalt  }
0x73: {  	_ =	shalt  }
0x74: {  	_ =	shalt  }
0x75: {  	_ =	shalt  }
0x76: {  	_ =	shalt  }
0x77: {  	_ =	shalt  }
0x78: {  	_ =	shalt  }
0x79: {  	_ =	shalt  }
0x7a: {  	_ =	shalt  }
0x7b: {  	_ =	shalt  }
0x7c: {  	_ =	shalt  }
0x7d: {  	_ =	shalt  }
0x7e: {  	_ =	shalt  }
0x7f: {  	_ =	shalt  }
0x80: {  	_ =	shalt  }
0x81: {  	_ =	shalt  }
0x82: {  	_ =	shalt  }
0x83: {  	_ =	shalt  }
0x84: {  	_ =	shalt  }
0x85: {  	_ =	shalt  }
0x86: {  	_ =	shalt  }
0x87: {  	_ =	shalt  }
.Lfunc_end0:
.L_simem_size_0:
called_computation_lowered:
.L_overlay_start_0:
0x88: {  	s2 =	sld [smem:$0x3FD9]  }
0x89: {  	s3 =	sld [smem:$0x3FFE];
	_ =	sdelay $0x1  }
0x8a: {  	s1 =	srdreg.scid  }
0x8b: {  	s0 =	sand.u32 $0x1, s1  }
0x8c: {  	s16 =	sshll.u32 s0, $0xA;
	s2 =	sadd.s32 s3, s2  }
0x8d: {  	s2 =	sadd.s32 s2, s16  }
0x8e: {  	[smem:$0x3FB2] =	sst s2  }
0x8f: {  	_ = 	snop  }
0x90: {  	(tm) =	ssettm $0x1  }
0x91: {  	s17 =	sld [smem:$0x3FFB];
	_ =	sdelay $0x3  }
0x92: {  	_ =	strace s17  }
0x93: {  	s2 =	sld [smem:$0x3FFC];
	_ =	sdelay $0x3  }
0x94: {  	_ =	strace s2  }
0x95: {  	s2 =	sld [smem:$0x3FFD];
	_ =	sdelay $0x3  }
0x96: {  	_ =	strace s2  }
0x97: {  	_ =	strace $0x8FFFFFFF  }
0x98: {  	s18 =	sld [smem:$0x3FDB];
	_ =	sdelay $0x1  }
0x99: {  	s19 =	simm.s32 $_scs_section_size  }
0x9a: {  	s4 =	simm.s32 $_size__tile_overlayer_lowered;
	s5 =	simm.s32 $_tile_overlayer_lowered  }
0x9b: {  	s22 =	simm.s32 $0x1BFF;
	s21 =	sshll.u32 s5, $0x1;
	s2 =	sadd.s32 s19, s18  }
0x9c: {  	s6 =	simm.s32 $0x0;
	s20 =	sshll.u32 s4, $0x1;
	s4 =	sadd.s32 s21, s2  }
0x9d: {  	[timem:s6], [sflag:s22] =	dma.local [hbm:s4], s20  }
0x9e: {  	_ =	swait.ge [sflag:s22], s20  }
0x9f: {  	s3 =	ssub.s32 $0x0, s20;
	[sflag:s22] =	ssyncset.done $0x0  }
0xa0: {  	[sflag:s22] =	ssyncadd.s32 s3;
	_ =	sdelay $0x1  }
0xa1: {  	s23 =	simm.s32 $0x1B8B  }
0xa2: {  	_ =	swait.ge [sflag:s23], $0x1  }
0xa3: {  	[sflag:s23] =	ssyncset.done $0x0  }
0xa4: {  	s25 =	simm.s32 $0x1B8E;
	s24 =	sld [smem:$0x3FFE];
	[sflag:s23] =	ssyncadd.s32 $0xFFFFFFFF  }
0xa5: {  	s26 =	simm.s32 $execute0_lowered;
	[smem:$0x3FD2] =	sst s25  }
0xa6: {  	s4 =	sshll.u32 s26, $0x1;
	_ =	strace $0x80000046;
	[dreg:$0x1] =	wrdreg $0xFFFFFFFF  }
0xa7: {  	s28 =	simm.s32 $_size_execute0_lowered;
	s2 =	sadd.s32 s2, s4;
	[dreg:$0x0] =	wrdreg $0x0  }
0xa8: {  	s4 =	sshll.u32 s28, $0x1;
	[dreg:$0x2] =	wrdreg s2  }
0xa9: {  	[dreg:$0x3] =	wrdreg s4  }
0xaa: {  	[dreg:$0x4] =	wrdreg $0xC0  }
0xab: {  	_ =	task [dreg:s6], $0x5FFFF  }
0xac: {  	[dreg:$0x1] =	wrdreg $0xFFFFFFFF  }
0xad: {  	[dreg:$0x0] =	wrdreg $0x60  }
0xae: {  	[dreg:$0x2] =	wrdreg s24  }
0xaf: {  	[dreg:$0x3] =	wrdreg $0x98800  }
0xb0: {  	[dreg:$0x4] =	wrdreg $0x9  }
0xb1: {  	_ =	task.clear_ibuf [dreg:s6], $0x5FFFF;
	_ =	strace $0x90000046  }
0xb2: {  	s29 =	simm.s32 $0x9;
	_ =	strace $0x80000048  }
0xb3: {  	_ =	swait.ge [sflag:s29], $0x1  }
0xb4: {  	[sflag:s29] =	ssyncadd.s32 $0xFFFFFFFF  }
0xb5: {  	_ =	strace $0x90000048  }
0xb6: {  	_ =	sfence  }
0xb7: {  	s30 =	sld [smem:$0x0];
	_ =	sdelay $0x2  }
0xb8: {  	s31 =	sshll.u32 s1, $0xD;
	s1 =	sshrl.u32 s1, $0x2  }
0xb9: {  	s3 =	sand.u32 $0x4000, s31;
	s1 =	sadd.s32 s1, s30  }
0xba: {  	s0 =	sor.u32 s3, s0;
	s1 =	sshll.u32 s1, $0x11  }
0xbb: {  	s0 =	sor.u32 s1, s0  }
0xbc: {  	s0 =	sadd.s32 $0x8F2B, s0  }
0xbd: {  	[sflag:s0] =	ssyncadd.remote.s32 $0x1  }
0xbe: {  	_ =	sfence.sel $0xFFFF  }
0xbf: {  	[dreg:$0x0] =	wrdreg $0xFFFFFFFF;
	(pc) =	sbr.abs _section_cstart, $3  }
0xc0: {  	[dreg:$0x1] =	wrdreg $0xFFFFFFFF  }
0xc1: {  	_ =	task.clear_ibuf [dreg:s6], $0x2FFFF;
	_ =	strace $0x9FFFFFFF  }
0xc2: {  	(tm) =	ssettm $0x7FFFFFFF  }
0xc3: {  	_ =	shalt  }
tec
execute0_lowered:
.L_overlay_start_1:
0x0: {  	(tag) =	ssettag $0x1  }
0x1: {  	s0 =	srdreg.scid  }
0x2: {  	s1 =	rddreg [dreg:$0x0];
	s20 =	stileid.u32  }
0x3: {  	s2 =	rddreg [dreg:$0x1];
	s3 =	simm.s32 $0x0;
	s17 =	simm.s32 $0x5  }
0x4: {  	s18 =	simm.s32 $0x4880;
	s19 =	simm.s32 $0x7080;
	s5 =	smul.u32 $0x3E80, s20  }
0x5: {  	s21 =	simm.s32 $0x3E80;
	s22 =	simm.s32 $0x4380;
	s10 =	smul.u32 $0x27100, s20  }
0x6: {  	s29 =	simm.s32 $0x4;
	s30 =	simm.s32 $0x0;
	s23 =	smul.u32 $0x4E000, s20  }
0x7: {  	s0 =	sand.u32 $0x1, s0;
	[smem:$0x7FF] =	sst s3;
	s25 =	smul.u32 $0x13800, s20  }
0x8: {  	s6 =	sadd.s32 $0xB5600, s1;
	s26 =	sadd.s32 $0x138000, s2;
	s4 =	smul.u32 $0x3E800, s0  }
0x9: {  	s31 =	sshll.u32 s20, $0x6;
	p0 =	sne.s32 s20, $0xF;
	s8 =	smul.u32 $0x271000, s0  }
0xa: {  	_ =	strace $0x80000047;
	s9 =	ssub.s32 $0x2, s0;
	s0 =	smul.u32 $0x138800, s0  }
0xb: {  	[dreg:$0x5] =	wrdreg s26;
	s20 =	sor.u32 $0x1C05, s31;
	s11 =	sshrl.u32 s9, $0x1  }
0xc: {  	s26 =	simm.s32 $0x3;
	s4 =	sadd.s32 s5, s4;
	s9 =	ssub.s32 s9, s11  }
0xd: {  	s10 =	sadd.s32 s10, s8;
	s11 =	sshrl.u32 s23, $0x2;
	s23 =	simm.s32 $0x1  }
0xe: {  	s5 =	sshrl.u32 s4, $0x3;
	s4 =	sadd.s32 $0x16A00, s1;
	s24 =	sshrl.u32 s10, $0x3  }
0xf: {  	s11 =	sadd.s32 s11, s2;
	s12 =	sadd.s32 $0xA00, s10;
	s13 =	sadd.s32 $0xF00, s10  }
0x10: {  	s16 =	smax.u32 s9, $0x1;
	s7 =	sadd.s32 s5, s1;
	s5 =	sadd.s32 $0xB2E00, s1  }
0x11: {  	s1 =	sadd.s32 $0xB5C00, s1;
	s8 =	sadd.s32 s4, s24;
	[dreg:$0x4] =	wrdreg s11  }
0x12: {  	s24 =	simm.s32 $0x50;
	s7 =	sadd.s32 $0x7000, s7;
	s28 =	sadd.s32 $0xA0, s8  }
0x13: {  	[dreg:$0x3] =	wrdreg s7;
	s7 =	sadd.s32 s25, s0;
	s0 =	sshrl.u32 s0, $0x3  }
0x14: {  	v0 =	vimm.f32 $0.0e+00;
	vm0 =	vcmask $0x300;
	[dreg:$0x6] =	wrdreg s28;
	s7 =	sshrl.u32 s7, $0x3;
	s0 =	sadd.s32 s1, s0  }
0x15: {  	v0 =	vsel vm0, $0x3F800000, v0;
	s25 =	simm.s32 $0x2;
	s14 =	sadd.s32 s1, s7;
	s15 =	sadd.s32 $0x27000, s0  }
.LBB2_1:
0x16: {  	s0 =	rddreg [dreg:$0x3]  }
0x17: {  	[tilespmem:s3], [sflag:$0x5] =	stream.linear.gather [hbm4b:s0+s3], $0x3E80, $0x38;
	[tilespmem:$0x1D100] =	vst v63  }
0x18: {  	_ =	swait.ge [sflag:s17], $0x3E80  }
0x19: {  	[sflag:s17] =	ssyncset.done $0x0  }
0x1a: {  	[sflag:s17] =	ssyncadd.s32 $0xFFFFC180  }
0x1b: {  	[tilespmem:s18], [sflag:$0x5] =	stream.linear.gather [hbm4b:s6+s3], $0x2800, $0x38;
	[tilespmem:$0x1D100] =	vst v63  }
0x1c: {  	_ =	swait.ge [sflag:s17], $0x2800  }
0x1d: {  	[sflag:s17] =	ssyncset.done $0x0  }
0x1e: {  	s1 =	simm.s32 $0x10;
	s0 =	simm.s32 $0x240;
	[sflag:s17] =	ssyncadd.s32 $0xFFFFD800  }
.LBB2_2:
0x1f: {  	p1 =	sne.s32 s0, $0x9E40;
	[tilespmem:s1+$0x4880] =	vst v0;
	s1 =	smov.u32 s0;
	s0 =	sadd.s32 $0x200, s0  }
.Ltmp0:
0x20: {  	(pc) =	sbr.rel @p1 .LBB2_2-.Ltmp0, $2  }
0x21: {  	_ =	sdelay $0x2  }
0x22: {  	s1 =	sshra.s32 s1, $0x2  }
0x23: {  	[tilespmem:s1+$0x4880] =	vst v0  }
0x24: {  	[tilespmem:s19], [sflag:$0x5] =	stream.linear.gather [hbm4b:s6+s3], $0x2800, $0x38;
	[tilespmem:$0x1D100] =	vst v63  }
0x25: {  	_ =	swait.ge [sflag:s17], $0x2800  }
0x26: {  	[sflag:s17] =	ssyncset.done $0x0  }
0x27: {  	s0 =	simm.s32 $0x240;
	s1 =	simm.s32 $0x10;
	[sflag:s17] =	ssyncadd.s32 $0xFFFFD800  }
.LBB2_4:
0x28: {  	p1 =	sne.s32 s0, $0x9E40;
	[tilespmem:s1+$0x7080] =	vst v0;
	s1 =	smov.u32 s0;
	s0 =	sadd.s32 $0x200, s0  }
.Ltmp1:
0x29: {  	(pc) =	sbr.rel @p1 .LBB2_4-.Ltmp1, $2  }
0x2a: {  	_ =	sdelay $0x2  }
0x2b: {  	s1 =	sshra.s32 s1, $0x2  }
0x2c: {  	s0 =	rddreg [dreg:$0x4]  }
0x2d: {  	[tilespmem:s1+$0x7080] =	vst v0;
	s31 =	sshrl.u32 s0, $0x3  }
0x2e: {  	[spmem:s31], [sflag:s20] =	dma.local [hbm:s5], $0x2700  }
0x2f: {  	_ =	swait.ge [sflag:s17], $0x2700  }
0x30: {  	[sflag:s17] =	ssyncset.done $0x0;
	s0 =	rddreg [dreg:$0x5]  }
0x31: {  	[sflag:s17] =	ssyncadd.s32 $0xFFFFD900;
	s1 =	sshrl.u32 @!p0 s0, $0x3;
	s0 =	simm.s32 @!p0 $0x5  }
0x32: {  	[spmem:s1], [sflag:s20] =	dma.local @!p0 [hbm:s5], $0x100  }
0x33: {  	_ =	swait.ge @!p0 [sflag:s0], $0x100  }
0x34: {  	[sflag:s0] =	ssyncset.done @!p0 $0x0  }
0x35: {  	[sflag:s0] =	ssyncadd.s32 @!p0 $0xFFFFFF00;
	s0 =	simm.s32 $0x0  }
0x36: {  	[tilespmem:s21], [sflag:$0x1] =	stream.linear.gather [hbm4b:s8+s0], $0x500, $0x38;
	[tilespmem:$0x1D100] =	vst v63  }
0x37: {  	s7 =	rddreg [dreg:$0x6]  }
0x38: {  	[tilespmem:s22], [sflag:$0x2] =	stream.linear.gather [hbm4b:s7+s0], $0x500, $0x38;
	[tilespmem:$0x1D100] =	vst v63  }
0x39: {  	[bflag:$0x0] =	sbarrier.arrive $0xFFFF  }
.LBB2_6:
0x3a: {  	p1 =	seq.s32 s0, $0x0  }
0x3b: {  	s7 =	simm.s32 @!p1 $0x3  }
0x3c: {  	_ =	swait.ge @!p1 [sflag:s7], $0x2800  }
0x3d: {  	[sflag:s7] =	ssyncset.done @!p1 $0x0  }
0x3e: {  	[sflag:s7] =	ssyncadd.s32 @!p1 $0xFFFFD800  }
0x3f: {  	_ =	swait.ge [sflag:s23], $0x500  }
0x40: {  	[sflag:s23] =	ssyncset.done $0x0  }
0x41: {  	s10 =	simm.s32 $0x0;
	[sflag:s23] =	ssyncadd.s32 $0xFFFFFB00  }
0x42: {  	v1 =	vld [tilespmem:s10+$0x3E80];
	_ =	sdelay $0x3  }
0x43: {  	s9 =	simm.s32 $0x40;
	s7 =	simm.s32 $0x4880  }
.LBB2_7:
0x44: {  	s10 =	sshra.s32 s9, $0x2;
	p2 =	sne.s32 s9, $0x13C0;
	s9 =	sadd.s32 $0x40, s9;
	[tilespmem:s7+$0x0] =	vst v1  }
.Ltmp2:
0x45: {  	v1 =	vld [tilespmem:s10+$0x3E80];
	(pc) =	sbr.rel @p2 .LBB2_7-.Ltmp2, $2  }
0x46: {  	_ =	sdelay $0x2  }
0x47: {  	s7 =	sadd.s32 $0x80, s7  }
0x48: {  	s28 =	smul.u32 $0xA00, s0;
	_ =	sdelay $0x1  }
0x49: {  	s9 =	sadd.s32 s28, s12  }
0x4a: {  	s9 =	sshrl.u32 s9, $0x3  }
0x4b: {  	[tilespmem:s7+$0x0] =	vst v1;
	s11 =	sshll.u32 s0, $0x8;
	s10 =	sadd.s32 s4, s9  }
0x4c: {  	[tilespmem:s21], [sflag:$0x1] =	stream.linear.gather [hbm4b:s10+s3], $0x500, $0x38;
	[tilespmem:$0x1D100] =	vst v63  }
0x4d: {  	s7 =	sand.u32 $0x3FFFFF00, s11;
	s9 =	simm.s32 @!p1 $0x4  }
0x4e: {  	[spmem:s2] =	stream.indirect.scatter.add.f32 [tilespmem:s18], [sflag:$0x3], $0x80, s7, s24, $0xb8;
	[tilespmem:$0x1D100] =	vst v63  }
0x4f: {  	_ =	swait.ge @!p1 [sflag:s9], $0x2800  }
0x50: {  	[sflag:s9] =	ssyncset.done @!p1 $0x0  }
0x51: {  	[sflag:s9] =	ssyncadd.s32 @!p1 $0xFFFFD800  }
0x52: {  	_ =	swait.ge [sflag:s25], $0x500  }
0x53: {  	[sflag:s25] =	ssyncset.done $0x0  }
0x54: {  	s11 =	simm.s32 $0x0;
	[sflag:s25] =	ssyncadd.s32 $0xFFFFFB00  }
0x55: {  	v1 =	vld [tilespmem:s11+$0x4380];
	_ =	sdelay $0x3  }
0x56: {  	s10 =	simm.s32 $0x40;
	s9 =	simm.s32 $0x7080  }
.LBB2_9:
0x57: {  	s11 =	sshra.s32 s10, $0x2;
	p1 =	sne.s32 s10, $0x13C0;
	s10 =	sadd.s32 $0x40, s10;
	[tilespmem:s9+$0x0] =	vst v1  }
.Ltmp3:
0x58: {  	v1 =	vld [tilespmem:s11+$0x4380];
	(pc) =	sbr.rel @p1 .LBB2_9-.Ltmp3, $2  }
0x59: {  	_ =	sdelay $0x2  }
0x5a: {  	s9 =	sadd.s32 $0x80, s9  }
0x5b: {  	p1 =	seq.s32 s0, $0x3D  }
.Ltmp4:
0x5c: {  	_ = 	snop;
	(pc) =	sbr.rel @p1 .LBB2_12-.Ltmp4, $2  }
0x5d: {  	_ =	sdelay $0x2  }
0x5e: {  	[tilespmem:s9+$0x0] =	vst v1;
	s7 =	sadd.s32 $0x80, s7  }
0x5f: {  	s9 =	sadd.s32 s28, s13  }
.Ltmp5:
0x60: {  	s9 =	sshrl.u32 s9, $0x3;
	(pc) =	sbr.rel .LBB2_6-.Ltmp5, $4  }
0x61: {  	s9 =	sadd.s32 s4, s9  }
0x62: {  	[tilespmem:s22], [sflag:$0x2] =	stream.linear.gather [hbm4b:s9+s3], $0x500, $0x38;
	[tilespmem:$0x1D100] =	vst v63  }
0x63: {  	s0 =	sadd.s32 $0x1, s0  }
0x64: {  	[spmem:s2] =	stream.indirect.scatter.add.f32 [tilespmem:s19], [sflag:$0x4], $0x80, s7, s24, $0xb8;
	[tilespmem:$0x1D100] =	vst v63  }
.LBB2_12:
0x65: {  	[spmem:s2] =	stream.indirect.scatter.add.f32 [tilespmem:s19], [sflag:$0x4], $0x80, s7, s24, $0xb8;
	[tilespmem:$0x1D100] =	vst v63  }
0x66: {  	_ =	swait.ge [sflag:s26], $0x2800  }
0x67: {  	[sflag:s26] =	ssyncset.done $0x0  }
0x68: {  	[sflag:s26] =	ssyncadd.s32 $0xFFFFD800  }
0x69: {  	_ =	swait.ge [sflag:s23], $0x500  }
0x6a: {  	[sflag:s23] =	ssyncset.done $0x0  }
0x6b: {  	s9 =	simm.s32 $0x0;
	[sflag:s23] =	ssyncadd.s32 $0xFFFFFB00  }
0x6c: {  	v1 =	vld [tilespmem:s9+$0x3E80];
	_ =	sdelay $0x3  }
0x6d: {  	s0 =	simm.s32 $0x4880;
	s7 =	simm.s32 $0x40  }
.LBB2_13:
0x6e: {  	s9 =	sshra.s32 s7, $0x2;
	p1 =	sne.s32 s7, $0x13C0;
	s7 =	sadd.s32 $0x40, s7;
	[tilespmem:s0+$0x0] =	vst v1  }
.Ltmp6:
0x6f: {  	v1 =	vld [tilespmem:s9+$0x3E80];
	(pc) =	sbr.rel @p1 .LBB2_13-.Ltmp6, $2  }
0x70: {  	_ =	sdelay $0x2  }
0x71: {  	s0 =	sadd.s32 $0x80, s0  }
0x72: {  	[tilespmem:s0+$0x0] =	vst v1;
	s28 =	simm.s32 $0x3E00  }
0x73: {  	[spmem:s2] =	stream.indirect.scatter.add.f32 [tilespmem:s18], [sflag:$0x3], $0x80, s28, s24, $0xb8;
	[tilespmem:$0x1D100] =	vst v63  }
0x74: {  	_ =	swait.ge [sflag:s26], $0x2800  }
0x75: {  	[sflag:s26] =	ssyncset.done $0x0  }
0x76: {  	[sflag:s26] =	ssyncadd.s32 $0xFFFFD800  }
0x77: {  	_ =	swait.ge [sflag:s29], $0x2800  }
0x78: {  	[sflag:s29] =	ssyncset.done $0x0  }
0x79: {  	[sflag:s29] =	ssyncadd.s32 $0xFFFFD800  }
0x7a: {  	[bflag:$0x0] =	sbarrier.arrive $0xFFFF  }
0x7b: {  	[hbm:s14], [sflag:s20] =	dma.local [spmem:s31], $0x2700  }
0x7c: {  	s30 =	sadd.s32 $0x1, s30;
	_ =	swait.ge [sflag:s17], $0x2700  }
0x7d: {  	p1 =	sne.s32 s30, s16;
	[sflag:s17] =	ssyncset.done $0x0  }
.Ltmp7:
0x7e: {  	s0 =	simm.s32 @!p0 $0x5;
	[sflag:s17] =	ssyncadd.s32 $0xFFFFD900;
	(pc) =	sbr.rel @p1 .LBB2_1-.Ltmp7, $4  }
0x7f: {  	[hbm:s15], [sflag:s20] =	dma.local @!p0 [spmem:s1], $0x100  }
0x80: {  	_ =	swait.ge @!p0 [sflag:s0], $0x100  }
0x81: {  	[sflag:s0] =	ssyncset.done @!p0 $0x0  }
0x82: {  	[sflag:s0] =	ssyncadd.s32 @!p0 $0xFFFFFF00  }
0x83: {  	_ =	sfence.sel $0x180000  }
0x84: {  	[bflag:$0x0] =	sbarrier.arrive $0xFFFF  }
0x85: {  	_ =	strace $0x90000047  }
0x86: {  	s0 =	stileid.u32;
	[bflag:$0x2] =	sbarrier.arrive $0xFFFF  }
0x87: {  	p0 =	sne.s32 s0, $0x0;
	s0 =	rddreg [dreg:$0x2]  }
0x88: {  	s0 =	sadd.s32 @!p0 $0x100000, s0  }
0x89: {  	[sflag:s0] =	ssyncadd.tile.s32 @!p0 $0x1;
	_ =	shalt  }
.Lfunc_end2:
_tile_overlayer_lowered:
.L_overlay_start_2:
0x8a: {  	(tag) =	ssettag $0x2  }
0x8b: {  	s0 =	rddreg [dreg:$0x0];
	s2 =	stileid.u32  }
0x8c: {  	s1 =	rddreg [dreg:$0x1];
	p0 =	sne.s32 s2, $0x0  }
0x8d: {  	s3 =	rddreg [dreg:$0x2];
	[bflag:$0x3] =	sbarrier.arrive $0xFFFF;
	s2 =	simm.s32 @!p0 $0x1C05  }
0x8e: {  	[timem:s3], [sflag:s2] =	dma.local @!p0 [hbm:s0], s1  }
0x8f: {  	s0 =	simm.s32 @!p0 $0x5  }
0x90: {  	_ =	swait.ge @!p0 [sflag:s0], s1  }
0x91: {  	s1 =	ssub.s32 @!p0 $0x0, s1;
	[sflag:s0] =	ssyncset.done @!p0 $0x0  }
0x92: {  	[sflag:s0] =	ssyncadd.s32 @!p0 s1  }
0x93: {  	[bflag:$0x3] =	sbarrier.arrive $0xFFFF  }
0x94: {  	_ =	shalt  }

// kernel: kernel.14.cloned.1.call-start
scs
__scs_entry_jumppad:
0x0: {  	(pc) =	sbr.rel $0x88, $3  }
0x1: {  	(tag) =	ssettag $0x0;
	lr =	simm.s32 $0x1  }
0x2: {  	[smem:$0x3F8B] =	sst lr;
	_ =	strace $0xD0000000  }
0x3: {  	_ = 	snop  }
0x4: {  	_ = 	snop  }
0x5: {  	_ = 	snop  }
0x6: {  	_ = 	snop  }
0x7: {  	_ = 	snop  }
__scs_overlays_trampoline_lowered:
0x8: {  	[smem:$0x3F9A] =	sst s0  }
0x9: {  	[smem:$0x3F9B] =	sst s1  }
0xa: {  	[smem:$0x3F9C] =	sst s2  }
0xb: {  	[smem:$0x3F9D] =	sst s3  }
0xc: {  	[smem:$0x3F9E] =	sst s4  }
0xd: {  	[smem:$0x3F9F] =	sst s5  }
0xe: {  	[smem:$0x3FA0] =	sst s6  }
0xf: {  	[smem:$0x3FA1] =	sst s7  }
0x10: {  	[smem:$0x3FA2] =	sst s8  }
0x11: {  	[smem:$0x3FA3] =	sst s9;
	s0 =	simm.s32 @!p0 $0x0  }
0x12: {  	s1 =	sld [smem:$0x3F89];
	s0 =	simm.s32 @p0 $0x1  }
0x13: {  	[smem:$0x3FA4] =	sst s0;
	s0 =	simm.s32 @!p1 $0x0  }
0x14: {  	s2 =	sld [smem:$0x3F88];
	s0 =	simm.s32 @p1 $0x1  }
0x15: {  	[smem:$0x3FA5] =	sst s0;
	s0 =	simm.s32 @!p2 $0x0  }
0x16: {  	s3 =	sld [smem:$0x3FDB];
	s0 =	simm.s32 @p2 $0x1  }
0x17: {  	s4 =	simm.s32 $0x1BF5;
	[smem:$0x3FA7] =	sst s0  }
0x18: {  	s0 =	sld [smem:$0x3F8A];
	_ =	swait.ge [sflag:s4], $0x0  }
0x19: {  	s7 =	sld [smem:$0x3F8B]  }
0x1a: {  	s8 =	sadd.s32 $0xFFFFE003, lr  }
0x1b: {  	s9 =	sadd.s32 $0xFFFFFEF7, lr;
	s5 =	simm.s32 $0xFFFFFFFF;
	p2 =	slt.u32 s8, $0xFFFFF086  }
0x1c: {  	p1 =	slt.u32 s9, $0xF7A;
	s5 =	simm.s32 @!p2 $0x0  }
0x1d: {  	s5 =	simm.s32 @p1 $0x1;
	p0 =	seq.s32 s7, s2  }
0x1e: {  	s7 =	smul.u32 @!p0 $0xF7A, s2;
	p2 =	seq.s32 @!p0 s5, $0x0  }
0x1f: {  	s9 =	smul.u32 $0xF7A, s1;
	s8 =	simm.s32 @!p0 $0x1BF5;
	p2 =	por !p2, p0  }
0x20: {  	[sflag:s8] =	ssyncset.s32 @!p0 $0xFFFFF086;
	s6 =	sadd.s32 @!p0 s3, s7;
	s7 =	simm.s32 @!p0 $0x108  }
0x21: {  	s3 =	sadd.s32 s3, s9;
	s6 =	sadd.s32 @!p0 $0x88, s6;
	s7 =	simm.s32 @p2 $0x1082  }
0x22: {  	[simem:s7], [sflag:s8] =	dma.local @!p0 [hbm:s6], $0xF7A  }
0x23: {  	s9 =	sor.u32 $0xD0000000, s2;
	s6 =	simm.s32 $0x108;
	_ =	swait.ge @!p0 [sflag:s8], $0x0  }
0x24: {  	s3 =	sadd.s32 $0x88, s3;
	s6 =	simm.s32 @!p1 $0x1082;
	[sflag:s4] =	ssyncset.s32 $0xFFFFF086  }
0x25: {  	[simem:s6], [sflag:s4] =	dma.local [hbm:s3], $0xF7A  }
0x26: {  	[smem:$0x3F8B] =	sst s1;
	(tag) =	ssettag s2;
	_ =	strace s9  }
0x27: {  	s1 =	sld [smem:$0x3F9B]  }
0x28: {  	s2 =	sld [smem:$0x3F9C]  }
0x29: {  	s4 =	sld [smem:$0x3F9E]  }
0x2a: {  	p0 =	seq.s32 s5, $0x0;
	s5 =	sld [smem:$0x3F9F]  }
0x2b: {  	s6 =	sld [smem:$0x3FA0]  }
0x2c: {  	s7 =	sld [smem:$0x3FA1]  }
0x2d: {  	s3 =	simm.s32 $0x108;
	s8 =	sld [smem:$0x3FA2]  }
0x2e: {  	s3 =	simm.s32 @!p0 $0x1082;
	s9 =	sld [smem:$0x3FA3]  }
0x2f: {  	lr =	sadd.s32 s0, s3;
	s0 =	sld [smem:$0x3F9A]  }
0x30: {  	s3 =	sld [smem:$0x3F9D]  }
0x31: {  	[smem:$0x3FA6] =	sst s10  }
0x32: {  	s10 =	sld [smem:$0x3FA4];
	_ =	sdelay $0x3  }
0x33: {  	p0 =	seq.s32 s10, $0x1;
	s10 =	sld [smem:$0x3FA6];
	_ =	sdelay $0x3  }
0x34: {  	[smem:$0x3FA6] =	sst s10  }
0x35: {  	s10 =	sld [smem:$0x3FA5];
	_ =	sdelay $0x3  }
0x36: {  	p1 =	seq.s32 s10, $0x1;
	s10 =	sld [smem:$0x3FA6];
	_ =	sdelay $0x3  }
0x37: {  	[smem:$0x3FA6] =	sst s10  }
0x38: {  	s10 =	sld [smem:$0x3FA7]  }
0x39: {  	_ = 	snop;
	(pc) =	sbr.ind lr, $3  }
0x3a: {  	_ = 	snop  }
0x3b: {  	_ = 	snop  }
0x3c: {  	p2 =	seq.s32 s10, $0x1;
	s10 =	sld [smem:$0x3FA6]  }
0x3d: {  	_ =	shalt  }
0x3e: {  	_ =	shalt  }
0x3f: {  	_ =	shalt  }
0x40: {  	_ =	shalt  }
0x41: {  	_ =	shalt  }
0x42: {  	_ =	shalt  }
0x43: {  	_ =	shalt  }
0x44: {  	_ =	shalt  }
0x45: {  	_ =	shalt  }
0x46: {  	_ =	shalt  }
0x47: {  	_ =	shalt  }
0x48: {  	_ =	shalt  }
0x49: {  	_ =	shalt  }
0x4a: {  	_ =	shalt  }
0x4b: {  	_ =	shalt  }
0x4c: {  	_ =	shalt  }
0x4d: {  	_ =	shalt  }
0x4e: {  	_ =	shalt  }
0x4f: {  	_ =	shalt  }
0x50: {  	_ =	shalt  }
0x51: {  	_ =	shalt  }
0x52: {  	_ =	shalt  }
0x53: {  	_ =	shalt  }
0x54: {  	_ =	shalt  }
0x55: {  	_ =	shalt  }
0x56: {  	_ =	shalt  }
0x57: {  	_ =	shalt  }
0x58: {  	_ =	shalt  }
0x59: {  	_ =	shalt  }
0x5a: {  	_ =	shalt  }
0x5b: {  	_ =	shalt  }
0x5c: {  	_ =	shalt  }
0x5d: {  	_ =	shalt  }
0x5e: {  	_ =	shalt  }
0x5f: {  	_ =	shalt  }
0x60: {  	_ =	shalt  }
0x61: {  	_ =	shalt  }
0x62: {  	_ =	shalt  }
0x63: {  	_ =	shalt  }
0x64: {  	_ =	shalt  }
0x65: {  	_ =	shalt  }
0x66: {  	_ =	shalt  }
0x67: {  	_ =	shalt  }
0x68: {  	_ =	shalt  }
0x69: {  	_ =	shalt  }
0x6a: {  	_ =	shalt  }
0x6b: {  	_ =	shalt  }
0x6c: {  	_ =	shalt  }
0x6d: {  	_ =	shalt  }
0x6e: {  	_ =	shalt  }
0x6f: {  	_ =	shalt  }
0x70: {  	_ =	shalt  }
0x71: {  	_ =	shalt  }
0x72: {  	_ =	shalt  }
0x73: {  	_ =	shalt  }
0x74: {  	_ =	shalt  }
0x75: {  	_ =	shalt  }
0x76: {  	_ =	shalt  }
0x77: {  	_ =	shalt  }
0x78: {  	_ =	shalt  }
0x79: {  	_ =	shalt  }
0x7a: {  	_ =	shalt  }
0x7b: {  	_ =	shalt  }
0x7c: {  	_ =	shalt  }
0x7d: {  	_ =	shalt  }
0x7e: {  	_ =	shalt  }
0x7f: {  	_ =	shalt  }
0x80: {  	_ =	shalt  }
0x81: {  	_ =	shalt  }
0x82: {  	_ =	shalt  }
0x83: {  	_ =	shalt  }
0x84: {  	_ =	shalt  }
0x85: {  	_ =	shalt  }
0x86: {  	_ =	shalt  }
0x87: {  	_ =	shalt  }
.Lfunc_end0:
.L_simem_size_0:
called_computation.1_lowered:
.L_overlay_start_0:
0x88: {  	s2 =	sld [smem:$0x3FD9]  }
0x89: {  	s3 =	sld [smem:$0x3FFE];
	_ =	sdelay $0x1  }
0x8a: {  	s1 =	srdreg.scid  }
0x8b: {  	s0 =	sand.u32 $0x1, s1  }
0x8c: {  	s14 =	sshll.u32 s0, $0xA;
	s2 =	sadd.s32 s3, s2  }
0x8d: {  	s2 =	sadd.s32 s2, s14  }
0x8e: {  	[smem:$0x3FB2] =	sst s2  }
0x8f: {  	_ = 	snop  }
0x90: {  	s2 =	sld [smem:$0x3FD0];
	_ =	sdelay $0x2  }
0x91: {  	s15 =	simm.s32 $0xA;
	s4 =	simm.s32 $0x10  }
0x92: {  	[smem:s4], [sflag:s15] =	dma.local [hbm:s2], $0x1  }
0x93: {  	_ =	swait.eq [sflag:s15], $0x1  }
0x94: {  	[sflag:s15] =	ssyncset.done $0x0  }
0x95: {  	s16 =	sld [smem:$0x10];
	[sflag:s15] =	ssyncadd.s32 $0xFFFFFFFF  }
0x96: {  	s17 =	sld [smem:$0x11];
	(tm) =	ssettm $0x1  }
0x97: {  	s18 =	sld [smem:$0x3FFB];
	_ =	sdelay $0x3  }
0x98: {  	_ =	strace s18  }
0x99: {  	s4 =	sld [smem:$0x3FFC];
	_ =	sdelay $0x3  }
0x9a: {  	_ =	strace s4  }
0x9b: {  	s4 =	sld [smem:$0x3FFD];
	_ =	sdelay $0x3  }
0x9c: {  	_ =	strace s4  }
0x9d: {  	_ =	strace $0x8FFFFFFF  }
0x9e: {  	s19 =	sld [smem:$0x3FDB];
	_ =	sdelay $0x1  }
0x9f: {  	s5 =	simm.s32 $_scs_section_size  }
0xa0: {  	s6 =	simm.s32 $_size__tile_overlayer_lowered;
	s7 =	simm.s32 $_tile_overlayer_lowered  }
0xa1: {  	s22 =	simm.s32 $0x1BFF;
	s21 =	sshll.u32 s7, $0x1;
	s4 =	sadd.s32 s5, s19  }
0xa2: {  	s8 =	simm.s32 $0x0;
	s20 =	sshll.u32 s6, $0x1;
	s6 =	sadd.s32 s21, s4  }
0xa3: {  	[timem:s8], [sflag:s22] =	dma.local [hbm:s6], s20  }
0xa4: {  	_ =	swait.ge [sflag:s22], s20  }
0xa5: {  	s5 =	ssub.s32 $0x0, s20;
	[sflag:s22] =	ssyncset.done $0x0  }
0xa6: {  	[sflag:s22] =	ssyncadd.s32 s5;
	_ =	sdelay $0x1  }
0xa7: {  	s23 =	simm.s32 $0x1B8B  }
0xa8: {  	_ =	swait.ge [sflag:s23], $0x1  }
0xa9: {  	[sflag:s23] =	ssyncset.done $0x0  }
0xaa: {  	s25 =	simm.s32 $0x1B8E;
	s24 =	sld [smem:$0x3FFE];
	[sflag:s23] =	ssyncadd.s32 $0xFFFFFFFF  }
0xab: {  	s26 =	simm.s32 $execute0_lowered;
	[smem:$0x3FD2] =	sst s25  }
0xac: {  	s6 =	sshll.u32 s26, $0x1;
	_ =	strace $0x80000049;
	[dreg:$0x1] =	wrdreg $0xFFFFFFFF  }
0xad: {  	s28 =	simm.s32 $_size_execute0_lowered;
	s4 =	sadd.s32 s4, s6;
	[dreg:$0x0] =	wrdreg $0x0  }
0xae: {  	s6 =	sshll.u32 s28, $0x1;
	[dreg:$0x2] =	wrdreg s4  }
0xaf: {  	[dreg:$0x3] =	wrdreg s6  }
0xb0: {  	[dreg:$0x4] =	wrdreg $0xC0  }
0xb1: {  	_ =	task [dreg:s8], $0x5FFFF  }
0xb2: {  	[dreg:$0x1] =	wrdreg $0xFFFFFFFF  }
0xb3: {  	[dreg:$0x0] =	wrdreg $0x60  }
0xb4: {  	[dreg:$0x2] =	wrdreg s17  }
0xb5: {  	[dreg:$0x3] =	wrdreg s24  }
0xb6: {  	[dreg:$0x4] =	wrdreg s16  }
0xb7: {  	[dreg:$0x5] =	wrdreg $0xB7800  }
0xb8: {  	[dreg:$0x6] =	wrdreg $0x9  }
0xb9: {  	_ =	task.clear_ibuf [dreg:s8], $0x7FFFF;
	_ =	strace $0x90000049  }
0xba: {  	s29 =	simm.s32 $0x9;
	_ =	strace $0x8000004B  }
0xbb: {  	_ =	swait.ge [sflag:s29], $0x1  }
0xbc: {  	[sflag:s29] =	ssyncadd.s32 $0xFFFFFFFF  }
0xbd: {  	_ =	strace $0x9000004B  }
0xbe: {  	_ =	sfence  }
0xbf: {  	s30 =	sld [smem:$0x0];
	_ =	sdelay $0x2  }
0xc0: {  	s31 =	sshll.u32 s1, $0xD;
	s1 =	sshrl.u32 s1, $0x2  }
0xc1: {  	s3 =	sand.u32 $0x4000, s31;
	s1 =	sadd.s32 s1, s30  }
0xc2: {  	s0 =	sor.u32 s3, s0;
	s1 =	sshll.u32 s1, $0x11  }
0xc3: {  	s0 =	sor.u32 s1, s0  }
0xc4: {  	s0 =	sadd.s32 $0x8F2B, s0  }
0xc5: {  	[sflag:s0] =	ssyncadd.remote.s32 $0x1  }
0xc6: {  	_ =	sfence.sel $0xFFFF  }
0xc7: {  	[dreg:$0x0] =	wrdreg $0xFFFFFFFF;
	(pc) =	sbr.abs _section_cstart, $3  }
0xc8: {  	[dreg:$0x1] =	wrdreg $0xFFFFFFFF  }
0xc9: {  	_ =	task.clear_ibuf [dreg:s8], $0x2FFFF;
	_ =	strace $0x9FFFFFFF  }
0xca: {  	(tm) =	ssettm $0x7FFFFFFF  }
0xcb: {  	_ =	shalt  }
tec
execute0_lowered:
.L_overlay_start_1:
0x0: {  	(tag) =	ssettag $0x1  }
0x1: {  	s1 =	rddreg [dreg:$0x0]  }
0x2: {  	s0 =	srdreg.scid;
	s2 =	rddreg [dreg:$0x1]  }
0x3: {  	s18 =	stileid.u32;
	s3 =	rddreg [dreg:$0x2]  }
0x4: {  	s4 =	rddreg [dreg:$0x3];
	s28 =	simm.s32 $0x6480;
	s29 =	simm.s32 $0x26C0  }
0x5: {  	s30 =	simm.s32 $0x6500;
	s31 =	simm.s32 $0x6580;
	s0 =	sand.u32 $0x1, s0  }
0x6: {  	s5 =	sshrl.u32 s18, $0x3;
	s8 =	sshll.u32 s18, $0x7;
	s9 =	smul.u32 $0x4E000, s18  }
0x7: {  	s19 =	sshll.u32 s18, $0xB;
	s11 =	sadd.s32 $0x55200, s2;
	s13 =	smul.u32 $0x13800, s18  }
0x8: {  	s25 =	sadd.s32 $0x138000, s4;
	p0 =	sne.s32 s18, $0xF;
	s6 =	smul.u32 $0x27800, s0  }
0x9: {  	s18 =	simm.s32 $0x80;
	s7 =	smul.u32 $0x13C00, s5;
	s5 =	simm.s32 $0x0  }
0xa: {  	s17 =	sand.u32 $0x380, s8;
	s10 =	ssub.s32 $0x2, s0;
	s0 =	smul.u32 $0x138800, s0  }
0xb: {  	[smem:$0x7FF] =	sst s5;
	s12 =	sshrl.u32 s10, $0x1;
	s9 =	sshrl.u32 s9, $0x2  }
0xc: {  	s6 =	sadd.s32 s6, s7;
	_ =	strace $0x8000004A;
	s7 =	sadd.s32 s19, s2  }
0xd: {  	s10 =	ssub.s32 s10, s12;
	s23 =	sadd.s32 s13, s0;
	s9 =	sadd.s32 s9, s4  }
0xe: {  	s0 =	sshrl.u32 s0, $0x3;
	[dreg:$0x8] =	wrdreg s25;
	s19 =	simm.s32 $0x400  }
0xf: {  	s25 =	simm.s32 $0x1;
	s6 =	sor.u32 s17, s6;
	s22 =	sadd.s32 $0x103E00, s7  }
0x10: {  	[dreg:$0x7] =	wrdreg s9;
	s24 =	sshrl.u32 s23, $0x3;
	s0 =	sadd.s32 $0x27000, s0  }
0x11: {  	s14 =	sadd.s32 $0x10BE00, s7;
	s17 =	smax.u32 s10, $0x1;
	s23 =	simm.s32 $0x6780  }
0x12: {  	s6 =	sshrl.u32 s6, $0x3;
	[dreg:$0x6] =	wrdreg s22;
	s26 =	sadd.s32 s11, s24  }
0x13: {  	s11 =	sadd.s32 s11, s0;
	s22 =	simm.s32 $0x50;
	s20 =	sadd.s32 s6, s2  }
0x14: {  	s6 =	sadd.s32 $0xB2E00, s2;
	s2 =	sadd.s32 $0x7000, s2;
	[dreg:$0x9] =	wrdreg s26  }
0x15: {  	[dreg:$0xa] =	wrdreg s11;
	s26 =	simm.s32 $0x2;
	s21 =	sadd.s32 $0x113E00, s20  }
0x16: {  	s8 =	sadd.s32 $0x11DC00, s20;
	s15 =	sadd.s32 s2, s24;
	s16 =	sadd.s32 s2, s0  }
0x17: {  	s20 =	simm.s32 $0x3;
	s24 =	simm.s32 $0x8F80;
	[dreg:$0x5] =	wrdreg s21  }
0x18: {  	s2 =	simm.s32 $0x0;
	[dreg:$0xb] =	wrdreg s8;
	s21 =	simm.s32 $0x2780  }
.LBB2_1:
0x19: {  	s0 =	rddreg [dreg:$0x5]  }
0x1a: {  	[tilespmem:s5], [sflag:$0x3] =	stream.strided.gather [hbm4b:s0+s18], $0x2780, s19, s18, $0x38;
	[tilespmem:$0x1F000] =	vst v63  }
0x1b: {  	_ =	swait.ge [sflag:s20], $0x2780  }
0x1c: {  	[sflag:s20] =	ssyncset.done $0x0  }
0x1d: {  	s9 =	rddreg [dreg:$0x6];
	[sflag:s20] =	ssyncadd.s32 $0xFFFFD880  }
0x1e: {  	[tilespmem:s21], [sflag:$0x3] =	stream.linear.gather [hbm4b:s9+s5], $0x3E80, $0x38;
	[tilespmem:$0x1F000] =	vst v63  }
0x1f: {  	s10 =	stileid.u32;
	_ =	swait.ge [sflag:s20], $0x3E80  }
0x20: {  	s0 =	sshll.u32 s10, $0x6;
	[sflag:s20] =	ssyncset.done $0x0;
	s7 =	rddreg [dreg:$0x7]  }
0x21: {  	s0 =	sor.u32 $0x1C03, s0;
	[sflag:s20] =	ssyncadd.s32 $0xFFFFC180;
	s7 =	sshrl.u32 s7, $0x3  }
0x22: {  	[spmem:s7], [sflag:s0] =	dma.local [hbm:s6], $0x2700  }
0x23: {  	_ =	swait.ge [sflag:s20], $0x2700  }
0x24: {  	[sflag:s20] =	ssyncset.done $0x0;
	s8 =	rddreg [dreg:$0x8]  }
0x25: {  	s9 =	simm.s32 @!p0 $0x3;
	[sflag:s20] =	ssyncadd.s32 $0xFFFFD900;
	s8 =	sshrl.u32 @!p0 s8, $0x3  }
0x26: {  	[spmem:s8], [sflag:s0] =	dma.local @!p0 [hbm:s6], $0x100  }
0x27: {  	_ =	swait.ge @!p0 [sflag:s9], $0x100  }
0x28: {  	[sflag:s9] =	ssyncset.done @!p0 $0x0  }
0x29: {  	[sflag:s9] =	ssyncadd.s32 @!p0 $0xFFFFFF00  }
0x2a: {  	[bflag:$0x0] =	sbarrier.arrive $0xFFFF  }
0x2b: {  	[tilespmem:s23], [sflag:$0x1] =	stream.indirect.gather [hbm4b:s1+s22], $0x80, s5, s22, $0xb8;
	[tilespmem:$0x1F000] =	vst v63  }
0x2c: {  	_ = 	snop  }
0x2d: {  	[tilespmem:s24], [sflag:$0x2] =	stream.indirect.gather [hbm4b:s1+s22], $0x80, s22, s22, $0xb8;
	[tilespmem:$0x1F000] =	vst v63  }
0x2e: {  	_ =	swait.ge [sflag:s25], $0x2800  }
0x2f: {  	[sflag:s25] =	ssyncset.done $0x0  }
0x30: {  	s11 =	simm.s32 $0x2780;
	[sflag:s25] =	ssyncadd.s32 $0xFFFFD800  }
0x31: {  	[spmem:s4] =	stream.indirect.scatter.add.f32 [tilespmem:s23], [sflag:$0x3], $0x80, s11, s22, $0xb8;
	[tilespmem:$0x1F000] =	vst v63  }
0x32: {  	_ =	swait.ge [sflag:s20], $0x2800  }
0x33: {  	[sflag:s20] =	ssyncset.done $0x0  }
0x34: {  	s12 =	simm.s32 $0xA0;
	[sflag:s20] =	ssyncadd.s32 $0xFFFFD800  }
0x35: {  	[tilespmem:s23], [sflag:$0x1] =	stream.indirect.gather [hbm4b:s1+s22], $0x80, s12, s22, $0xb8;
	[tilespmem:$0x1F000] =	vst v63  }
0x36: {  	_ =	swait.ge [sflag:s26], $0x2800  }
0x37: {  	[sflag:s26] =	ssyncset.done $0x0  }
0x38: {  	s13 =	simm.s32 $0x2800;
	[sflag:s26] =	ssyncadd.s32 $0xFFFFD800  }
0x39: {  	[spmem:s4] =	stream.indirect.scatter.add.f32 [tilespmem:s24], [sflag:$0x3], $0x80, s13, s22, $0xb8;
	[tilespmem:$0x1F000] =	vst v63  }
0x3a: {  	_ =	swait.ge [sflag:s20], $0x2800  }
0x3b: {  	s10 =	simm.s32 $0x400;
	[sflag:s20] =	ssyncset.done $0x0  }
0x3c: {  	s9 =	simm.s32 $0xF0;
	s11 =	simm.s32 $0x190;
	[sflag:s20] =	ssyncadd.s32 $0xFFFFD800  }
.LBB2_2:
0x3d: {  	[tilespmem:s24], [sflag:$0x2] =	stream.indirect.gather [hbm4b:s1+s22], $0x80, s9, s22, $0xb8;
	[tilespmem:$0x1F000] =	vst v63  }
0x3e: {  	s12 =	smov.u32 s10;
	s9 =	smov.u32 s11  }
0x3f: {  	p1 =	sne.s32 s10, $0xF000;
	s10 =	sadd.s32 $0x400, s10;
	_ =	swait.ge [sflag:s25], $0x2800  }
0x40: {  	s12 =	sshra.s32 s12, $0x2;
	[sflag:s25] =	ssyncset.done $0x0  }
0x41: {  	s13 =	sadd.s32 $0x2780, s12;
	[sflag:s25] =	ssyncadd.s32 $0xFFFFD800  }
0x42: {  	[spmem:s4] =	stream.indirect.scatter.add.f32 [tilespmem:s23], [sflag:$0x3], $0x80, s13, s22, $0xb8;
	[tilespmem:$0x1F000] =	vst v63  }
0x43: {  	_ =	swait.ge [sflag:s20], $0x2800  }
0x44: {  	[sflag:s20] =	ssyncset.done $0x0  }
0x45: {  	s13 =	sadd.s32 $0xFFFFFFB0, s11;
	[sflag:s20] =	ssyncadd.s32 $0xFFFFD800  }
0x46: {  	[tilespmem:s23], [sflag:$0x1] =	stream.indirect.gather [hbm4b:s1+s22], $0x80, s13, s22, $0xb8;
	[tilespmem:$0x1F000] =	vst v63  }
0x47: {  	_ =	swait.ge [sflag:s26], $0x2800  }
0x48: {  	[sflag:s26] =	ssyncset.done $0x0  }
.Ltmp0:
0x49: {  	s12 =	sadd.s32 $0x2800, s12;
	[sflag:s26] =	ssyncadd.s32 $0xFFFFD800;
	(pc) =	sbr.rel @p1 .LBB2_2-.Ltmp0, $4  }
0x4a: {  	[spmem:s4] =	stream.indirect.scatter.add.f32 [tilespmem:s24], [sflag:$0x3], $0x80, s12, s22, $0xb8;
	[tilespmem:$0x1F000] =	vst v63  }
0x4b: {  	_ =	swait.ge [sflag:s20], $0x2800  }
0x4c: {  	[sflag:s20] =	ssyncset.done $0x0  }
0x4d: {  	s11 =	sadd.s32 $0xA0, s11;
	[sflag:s20] =	ssyncadd.s32 $0xFFFFD800  }
0x4e: {  	[tilespmem:s24], [sflag:$0x2] =	stream.indirect.gather [hbm4b:s1+s22], $0x80, s9, s22, $0xb8;
	[tilespmem:$0x1F000] =	vst v63  }
0x4f: {  	_ =	swait.ge [sflag:s25], $0x2800  }
0x50: {  	[sflag:s25] =	ssyncset.done $0x0  }
0x51: {  	[sflag:s25] =	ssyncadd.s32 $0xFFFFD800  }
0x52: {  	[spmem:s4] =	stream.indirect.scatter.add.f32 [tilespmem:s23], [sflag:$0x3], $0x80, s28, s22, $0xb8;
	[tilespmem:$0x1F000] =	vst v63  }
0x53: {  	_ =	swait.ge [sflag:s20], $0x2800  }
0x54: {  	[sflag:s20] =	ssyncset.done $0x0  }
0x55: {  	[sflag:s20] =	ssyncadd.s32 $0xFFFFD800  }
0x56: {  	[tilespmem:s23], [sflag:$0x1] =	stream.indirect.gather [hbm4b:s1+s22], $0x80, s29, s22, $0xb8;
	[tilespmem:$0x1F000] =	vst v63  }
0x57: {  	_ =	swait.ge [sflag:s26], $0x2800  }
0x58: {  	[sflag:s26] =	ssyncset.done $0x0  }
0x59: {  	[sflag:s26] =	ssyncadd.s32 $0xFFFFD800  }
0x5a: {  	[spmem:s4] =	stream.indirect.scatter.add.f32 [tilespmem:s24], [sflag:$0x3], $0x80, s30, s22, $0xb8;
	[tilespmem:$0x1F000] =	vst v63  }
0x5b: {  	_ =	swait.ge [sflag:s20], $0x2800  }
0x5c: {  	[sflag:s20] =	ssyncset.done $0x0  }
0x5d: {  	[sflag:s20] =	ssyncadd.s32 $0xFFFFD800  }
0x5e: {  	_ =	swait.ge [sflag:s25], $0x2800  }
0x5f: {  	[sflag:s25] =	ssyncset.done $0x0  }
0x60: {  	[sflag:s25] =	ssyncadd.s32 $0xFFFFD800  }
0x61: {  	[spmem:s4] =	stream.indirect.scatter.add.f32 [tilespmem:s23], [sflag:$0x3], $0x80, s31, s22, $0xb8;
	[tilespmem:$0x1F000] =	vst v63  }
0x62: {  	_ =	swait.ge [sflag:s20], $0x2800  }
0x63: {  	[sflag:s20] =	ssyncset.done $0x0  }
0x64: {  	[sflag:s20] =	ssyncadd.s32 $0xFFFFD800  }
0x65: {  	[bflag:$0x0] =	sbarrier.arrive $0xFFFF  }
0x66: {  	s13 =	rddreg [dreg:$0x9]  }
0x67: {  	[hbm:s13], [sflag:s0] =	dma.local [spmem:s7], $0x2700  }
0x68: {  	_ =	swait.ge [sflag:s20], $0x2700  }
0x69: {  	[sflag:s20] =	ssyncset.done $0x0  }
0x6a: {  	s9 =	rddreg [dreg:$0xa];
	[sflag:s20] =	ssyncadd.s32 $0xFFFFD900  }
0x6b: {  	[hbm:s9], [sflag:s0] =	dma.local @!p0 [spmem:s8], $0x100  }
0x6c: {  	s9 =	simm.s32 @!p0 $0x3  }
0x6d: {  	_ =	swait.ge @!p0 [sflag:s9], $0x100  }
0x6e: {  	[sflag:s9] =	ssyncset.done @!p0 $0x0  }
0x6f: {  	[sflag:s9] =	ssyncadd.s32 @!p0 $0xFFFFFF00  }
0x70: {  	[bflag:$0x0] =	sbarrier.arrive $0xFFFF  }
0x71: {  	s10 =	rddreg [dreg:$0xb]  }
0x72: {  	[tilespmem:s5], [sflag:$0x3] =	stream.strided.gather [hbm4b:s10+s18], $0x2780, s19, s18, $0x38;
	[tilespmem:$0x1F000] =	vst v63  }
0x73: {  	_ =	swait.ge [sflag:s20], $0x2780  }
0x74: {  	[sflag:s20] =	ssyncset.done $0x0  }
0x75: {  	[sflag:s20] =	ssyncadd.s32 $0xFFFFD880  }
0x76: {  	[tilespmem:s21], [sflag:$0x3] =	stream.linear.gather [hbm4b:s14+s5], $0x3E80, $0x38;
	[tilespmem:$0x1F000] =	vst v63  }
0x77: {  	_ =	swait.ge [sflag:s20], $0x3E80  }
0x78: {  	[sflag:s20] =	ssyncset.done $0x0  }
0x79: {  	[sflag:s20] =	ssyncadd.s32 $0xFFFFC180  }
0x7a: {  	[spmem:s7], [sflag:s0] =	dma.local [hbm:s6], $0x2700  }
0x7b: {  	_ =	swait.ge [sflag:s20], $0x2700  }
0x7c: {  	[sflag:s20] =	ssyncset.done $0x0  }
0x7d: {  	[sflag:s20] =	ssyncadd.s32 $0xFFFFD900  }
0x7e: {  	[spmem:s8], [sflag:s0] =	dma.local @!p0 [hbm:s6], $0x100  }
0x7f: {  	_ =	swait.ge @!p0 [sflag:s9], $0x100  }
0x80: {  	[sflag:s9] =	ssyncset.done @!p0 $0x0  }
0x81: {  	[sflag:s9] =	ssyncadd.s32 @!p0 $0xFFFFFF00  }
0x82: {  	s10 =	simm.s32 $0x0;
	[bflag:$0x0] =	sbarrier.arrive $0xFFFF  }
0x83: {  	[tilespmem:s23], [sflag:$0x1] =	stream.indirect.gather [hbm4b:s3+s22], $0x80, s10, s22, $0xb8;
	[tilespmem:$0x1F000] =	vst v63  }
0x84: {  	_ = 	snop  }
0x85: {  	[tilespmem:s24], [sflag:$0x2] =	stream.indirect.gather [hbm4b:s3+s22], $0x80, s22, s22, $0xb8;
	[tilespmem:$0x1F000] =	vst v63  }
0x86: {  	_ =	swait.ge [sflag:s25], $0x2800  }
0x87: {  	[sflag:s25] =	ssyncset.done $0x0  }
0x88: {  	s11 =	simm.s32 $0x2780;
	[sflag:s25] =	ssyncadd.s32 $0xFFFFD800  }
0x89: {  	[spmem:s4] =	stream.indirect.scatter.add.f32 [tilespmem:s23], [sflag:$0x3], $0x80, s11, s22, $0xb8;
	[tilespmem:$0x1F000] =	vst v63  }
0x8a: {  	_ =	swait.ge [sflag:s20], $0x2800  }
0x8b: {  	[sflag:s20] =	ssyncset.done $0x0  }
0x8c: {  	s12 =	simm.s32 $0xA0;
	[sflag:s20] =	ssyncadd.s32 $0xFFFFD800  }
0x8d: {  	[tilespmem:s23], [sflag:$0x1] =	stream.indirect.gather [hbm4b:s3+s22], $0x80, s12, s22, $0xb8;
	[tilespmem:$0x1F000] =	vst v63  }
0x8e: {  	_ =	swait.ge [sflag:s26], $0x2800  }
0x8f: {  	[sflag:s26] =	ssyncset.done $0x0  }
0x90: {  	s13 =	simm.s32 $0x2800;
	[sflag:s26] =	ssyncadd.s32 $0xFFFFD800  }
0x91: {  	[spmem:s4] =	stream.indirect.scatter.add.f32 [tilespmem:s24], [sflag:$0x3], $0x80, s13, s22, $0xb8;
	[tilespmem:$0x1F000] =	vst v63  }
0x92: {  	_ =	swait.ge [sflag:s20], $0x2800  }
0x93: {  	s9 =	simm.s32 $0xF0;
	[sflag:s20] =	ssyncset.done $0x0  }
0x94: {  	s10 =	simm.s32 $0x400;
	s11 =	simm.s32 $0x190;
	[sflag:s20] =	ssyncadd.s32 $0xFFFFD800  }
.LBB2_4:
0x95: {  	[tilespmem:s24], [sflag:$0x2] =	stream.indirect.gather [hbm4b:s3+s22], $0x80, s9, s22, $0xb8;
	[tilespmem:$0x1F000] =	vst v63  }
0x96: {  	s12 =	smov.u32 s10;
	s9 =	smov.u32 s11  }
0x97: {  	p1 =	sne.s32 s10, $0xF000;
	s10 =	sadd.s32 $0x400, s10;
	_ =	swait.ge [sflag:s25], $0x2800  }
0x98: {  	s12 =	sshra.s32 s12, $0x2;
	[sflag:s25] =	ssyncset.done $0x0  }
0x99: {  	s13 =	sadd.s32 $0x2780, s12;
	[sflag:s25] =	ssyncadd.s32 $0xFFFFD800  }
0x9a: {  	[spmem:s4] =	stream.indirect.scatter.add.f32 [tilespmem:s23], [sflag:$0x3], $0x80, s13, s22, $0xb8;
	[tilespmem:$0x1F000] =	vst v63  }
0x9b: {  	_ =	swait.ge [sflag:s20], $0x2800  }
0x9c: {  	[sflag:s20] =	ssyncset.done $0x0  }
0x9d: {  	s13 =	sadd.s32 $0xFFFFFFB0, s11;
	[sflag:s20] =	ssyncadd.s32 $0xFFFFD800  }
0x9e: {  	[tilespmem:s23], [sflag:$0x1] =	stream.indirect.gather [hbm4b:s3+s22], $0x80, s13, s22, $0xb8;
	[tilespmem:$0x1F000] =	vst v63  }
0x9f: {  	_ =	swait.ge [sflag:s26], $0x2800  }
0xa0: {  	[sflag:s26] =	ssyncset.done $0x0  }
.Ltmp1:
0xa1: {  	s12 =	sadd.s32 $0x2800, s12;
	[sflag:s26] =	ssyncadd.s32 $0xFFFFD800;
	(pc) =	sbr.rel @p1 .LBB2_4-.Ltmp1, $4  }
0xa2: {  	[spmem:s4] =	stream.indirect.scatter.add.f32 [tilespmem:s24], [sflag:$0x3], $0x80, s12, s22, $0xb8;
	[tilespmem:$0x1F000] =	vst v63  }
0xa3: {  	_ =	swait.ge [sflag:s20], $0x2800  }
0xa4: {  	[sflag:s20] =	ssyncset.done $0x0  }
0xa5: {  	s11 =	sadd.s32 $0xA0, s11;
	[sflag:s20] =	ssyncadd.s32 $0xFFFFD800  }
0xa6: {  	[tilespmem:s24], [sflag:$0x2] =	stream.indirect.gather [hbm4b:s3+s22], $0x80, s9, s22, $0xb8;
	[tilespmem:$0x1F000] =	vst v63  }
0xa7: {  	_ =	swait.ge [sflag:s25], $0x2800  }
0xa8: {  	[sflag:s25] =	ssyncset.done $0x0  }
0xa9: {  	[sflag:s25] =	ssyncadd.s32 $0xFFFFD800  }
0xaa: {  	[spmem:s4] =	stream.indirect.scatter.add.f32 [tilespmem:s23], [sflag:$0x3], $0x80, s28, s22, $0xb8;
	[tilespmem:$0x1F000] =	vst v63  }
0xab: {  	_ =	swait.ge [sflag:s20], $0x2800  }
0xac: {  	[sflag:s20] =	ssyncset.done $0x0  }
0xad: {  	[sflag:s20] =	ssyncadd.s32 $0xFFFFD800  }
0xae: {  	[tilespmem:s23], [sflag:$0x1] =	stream.indirect.gather [hbm4b:s3+s22], $0x80, s29, s22, $0xb8;
	[tilespmem:$0x1F000] =	vst v63  }
0xaf: {  	_ =	swait.ge [sflag:s26], $0x2800  }
0xb0: {  	[sflag:s26] =	ssyncset.done $0x0  }
0xb1: {  	[sflag:s26] =	ssyncadd.s32 $0xFFFFD800  }
0xb2: {  	[spmem:s4] =	stream.indirect.scatter.add.f32 [tilespmem:s24], [sflag:$0x3], $0x80, s30, s22, $0xb8;
	[tilespmem:$0x1F000] =	vst v63  }
0xb3: {  	_ =	swait.ge [sflag:s20], $0x2800  }
0xb4: {  	[sflag:s20] =	ssyncset.done $0x0  }
0xb5: {  	[sflag:s20] =	ssyncadd.s32 $0xFFFFD800  }
0xb6: {  	_ =	swait.ge [sflag:s25], $0x2800  }
0xb7: {  	[sflag:s25] =	ssyncset.done $0x0  }
0xb8: {  	[sflag:s25] =	ssyncadd.s32 $0xFFFFD800  }
0xb9: {  	[spmem:s4] =	stream.indirect.scatter.add.f32 [tilespmem:s23], [sflag:$0x3], $0x80, s31, s22, $0xb8;
	[tilespmem:$0x1F000] =	vst v63  }
0xba: {  	_ =	swait.ge [sflag:s20], $0x2800  }
0xbb: {  	[sflag:s20] =	ssyncset.done $0x0  }
0xbc: {  	[sflag:s20] =	ssyncadd.s32 $0xFFFFD800  }
0xbd: {  	[bflag:$0x0] =	sbarrier.arrive $0xFFFF  }
0xbe: {  	[hbm:s15], [sflag:s0] =	dma.local [spmem:s7], $0x2700  }
0xbf: {  	_ =	swait.ge [sflag:s20], $0x2700  }
0xc0: {  	s2 =	sadd.s32 $0x1, s2;
	[sflag:s20] =	ssyncset.done $0x0  }
0xc1: {  	p1 =	sne.s32 s2, s17;
	[sflag:s20] =	ssyncadd.s32 $0xFFFFD900  }
0xc2: {  	[hbm:s16], [sflag:s0] =	dma.local @!p0 [spmem:s8], $0x100  }
.Ltmp2:
0xc3: {  	_ = 	snop;
	(pc) =	sbr.rel @p1 .LBB2_1-.Ltmp2, $4  }
0xc4: {  	s0 =	simm.s32 @!p0 $0x3  }
0xc5: {  	_ =	swait.ge @!p0 [sflag:s0], $0x100  }
0xc6: {  	[sflag:s0] =	ssyncset.done @!p0 $0x0  }
0xc7: {  	[sflag:s0] =	ssyncadd.s32 @!p0 $0xFFFFFF00  }
0xc8: {  	_ =	sfence.sel $0x180000  }
0xc9: {  	[bflag:$0x0] =	sbarrier.arrive $0xFFFF  }
0xca: {  	_ =	strace $0x9000004A  }
0xcb: {  	s0 =	stileid.u32;
	[bflag:$0x2] =	sbarrier.arrive $0xFFFF  }
0xcc: {  	p0 =	sne.s32 s0, $0x0;
	s0 =	rddreg [dreg:$0x4]  }
0xcd: {  	s0 =	sadd.s32 @!p0 $0x100000, s0  }
0xce: {  	[sflag:s0] =	ssyncadd.tile.s32 @!p0 $0x1;
	_ =	shalt  }
.Lfunc_end2:
_tile_overlayer_lowered:
.L_overlay_start_2:
0xcf: {  	(tag) =	ssettag $0x2  }
0xd0: {  	s0 =	rddreg [dreg:$0x0];
	s2 =	stileid.u32  }
0xd1: {  	s1 =	rddreg [dreg:$0x1];
	p0 =	sne.s32 s2, $0x0  }
0xd2: {  	s3 =	rddreg [dreg:$0x2];
	[bflag:$0x3] =	sbarrier.arrive $0xFFFF;
	s2 =	simm.s32 @!p0 $0x1C03  }
0xd3: {  	[timem:s3], [sflag:s2] =	dma.local @!p0 [hbm:s0], s1  }
0xd4: {  	s0 =	simm.s32 @!p0 $0x3  }
0xd5: {  	_ =	swait.ge @!p0 [sflag:s0], s1  }
0xd6: {  	s1 =	ssub.s32 @!p0 $0x0, s1;
	[sflag:s0] =	ssyncset.done @!p0 $0x0  }
0xd7: {  	[sflag:s0] =	ssyncadd.s32 @!p0 s1  }
0xd8: {  	[bflag:$0x3] =	sbarrier.arrive $0xFFFF  }
0xd9: {  	_ =	shalt  }

// kernel: kernel.17.cloned.1.call-start
scs
__scs_entry_jumppad:
0x0: {  	(pc) =	sbr.rel $0x88, $3  }
0x1: {  	(tag) =	ssettag $0x0;
	lr =	simm.s32 $0x1  }
0x2: {  	[smem:$0x3F8B] =	sst lr;
	_ =	strace $0xD0000000  }
0x3: {  	_ = 	snop  }
0x4: {  	_ = 	snop  }
0x5: {  	_ = 	snop  }
0x6: {  	_ = 	snop  }
0x7: {  	_ = 	snop  }
__scs_overlays_trampoline_lowered:
0x8: {  	[smem:$0x3F9A] =	sst s0  }
0x9: {  	[smem:$0x3F9B] =	sst s1  }
0xa: {  	[smem:$0x3F9C] =	sst s2  }
0xb: {  	[smem:$0x3F9D] =	sst s3  }
0xc: {  	[smem:$0x3F9E] =	sst s4  }
0xd: {  	[smem:$0x3F9F] =	sst s5  }
0xe: {  	[smem:$0x3FA0] =	sst s6  }
0xf: {  	[smem:$0x3FA1] =	sst s7  }
0x10: {  	[smem:$0x3FA2] =	sst s8  }
0x11: {  	[smem:$0x3FA3] =	sst s9;
	s0 =	simm.s32 @!p0 $0x0  }
0x12: {  	s1 =	sld [smem:$0x3F89];
	s0 =	simm.s32 @p0 $0x1  }
0x13: {  	[smem:$0x3FA4] =	sst s0;
	s0 =	simm.s32 @!p1 $0x0  }
0x14: {  	s2 =	sld [smem:$0x3F88];
	s0 =	simm.s32 @p1 $0x1  }
0x15: {  	[smem:$0x3FA5] =	sst s0;
	s0 =	simm.s32 @!p2 $0x0  }
0x16: {  	s3 =	sld [smem:$0x3FDB];
	s0 =	simm.s32 @p2 $0x1  }
0x17: {  	s4 =	simm.s32 $0x1BF5;
	[smem:$0x3FA7] =	sst s0  }
0x18: {  	s0 =	sld [smem:$0x3F8A];
	_ =	swait.ge [sflag:s4], $0x0  }
0x19: {  	s7 =	sld [smem:$0x3F8B]  }
0x1a: {  	s8 =	sadd.s32 $0xFFFFE003, lr  }
0x1b: {  	s9 =	sadd.s32 $0xFFFFFEF7, lr;
	s5 =	simm.s32 $0xFFFFFFFF;
	p2 =	slt.u32 s8, $0xFFFFF086  }
0x1c: {  	p1 =	slt.u32 s9, $0xF7A;
	s5 =	simm.s32 @!p2 $0x0  }
0x1d: {  	s5 =	simm.s32 @p1 $0x1;
	p0 =	seq.s32 s7, s2  }
0x1e: {  	s7 =	smul.u32 @!p0 $0xF7A, s2;
	p2 =	seq.s32 @!p0 s5, $0x0  }
0x1f: {  	s9 =	smul.u32 $0xF7A, s1;
	s8 =	simm.s32 @!p0 $0x1BF5;
	p2 =	por !p2, p0  }
0x20: {  	[sflag:s8] =	ssyncset.s32 @!p0 $0xFFFFF086;
	s6 =	sadd.s32 @!p0 s3, s7;
	s7 =	simm.s32 @!p0 $0x108  }
0x21: {  	s3 =	sadd.s32 s3, s9;
	s6 =	sadd.s32 @!p0 $0x88, s6;
	s7 =	simm.s32 @p2 $0x1082  }
0x22: {  	[simem:s7], [sflag:s8] =	dma.local @!p0 [hbm:s6], $0xF7A  }
0x23: {  	s9 =	sor.u32 $0xD0000000, s2;
	s6 =	simm.s32 $0x108;
	_ =	swait.ge @!p0 [sflag:s8], $0x0  }
0x24: {  	s3 =	sadd.s32 $0x88, s3;
	s6 =	simm.s32 @!p1 $0x1082;
	[sflag:s4] =	ssyncset.s32 $0xFFFFF086  }
0x25: {  	[simem:s6], [sflag:s4] =	dma.local [hbm:s3], $0xF7A  }
0x26: {  	[smem:$0x3F8B] =	sst s1;
	(tag) =	ssettag s2;
	_ =	strace s9  }
0x27: {  	s1 =	sld [smem:$0x3F9B]  }
0x28: {  	s2 =	sld [smem:$0x3F9C]  }
0x29: {  	s4 =	sld [smem:$0x3F9E]  }
0x2a: {  	p0 =	seq.s32 s5, $0x0;
	s5 =	sld [smem:$0x3F9F]  }
0x2b: {  	s6 =	sld [smem:$0x3FA0]  }
0x2c: {  	s7 =	sld [smem:$0x3FA1]  }
0x2d: {  	s3 =	simm.s32 $0x108;
	s8 =	sld [smem:$0x3FA2]  }
0x2e: {  	s3 =	simm.s32 @!p0 $0x1082;
	s9 =	sld [smem:$0x3FA3]  }
0x2f: {  	lr =	sadd.s32 s0, s3;
	s0 =	sld [smem:$0x3F9A]  }
0x30: {  	s3 =	sld [smem:$0x3F9D]  }
0x31: {  	[smem:$0x3FA6] =	sst s10  }
0x32: {  	s10 =	sld [smem:$0x3FA4];
	_ =	sdelay $0x3  }
0x33: {  	p0 =	seq.s32 s10, $0x1;
	s10 =	sld [smem:$0x3FA6];
	_ =	sdelay $0x3  }
0x34: {  	[smem:$0x3FA6] =	sst s10  }
0x35: {  	s10 =	sld [smem:$0x3FA5];
	_ =	sdelay $0x3  }
0x36: {  	p1 =	seq.s32 s10, $0x1;
	s10 =	sld [smem:$0x3FA6];
	_ =	sdelay $0x3  }
0x37: {  	[smem:$0x3FA6] =	sst s10  }
0x38: {  	s10 =	sld [smem:$0x3FA7]  }
0x39: {  	_ = 	snop;
	(pc) =	sbr.ind lr, $3  }
0x3a: {  	_ = 	snop  }
0x3b: {  	_ = 	snop  }
0x3c: {  	p2 =	seq.s32 s10, $0x1;
	s10 =	sld [smem:$0x3FA6]  }
0x3d: {  	_ =	shalt  }
0x3e: {  	_ =	shalt  }
0x3f: {  	_ =	shalt  }
0x40: {  	_ =	shalt  }
0x41: {  	_ =	shalt  }
0x42: {  	_ =	shalt  }
0x43: {  	_ =	shalt  }
0x44: {  	_ =	shalt  }
0x45: {  	_ =	shalt  }
0x46: {  	_ =	shalt  }
0x47: {  	_ =	shalt  }
0x48: {  	_ =	shalt  }
0x49: {  	_ =	shalt  }
0x4a: {  	_ =	shalt  }
0x4b: {  	_ =	shalt  }
0x4c: {  	_ =	shalt  }
0x4d: {  	_ =	shalt  }
0x4e: {  	_ =	shalt  }
0x4f: {  	_ =	shalt  }
0x50: {  	_ =	shalt  }
0x51: {  	_ =	shalt  }
0x52: {  	_ =	shalt  }
0x53: {  	_ =	shalt  }
0x54: {  	_ =	shalt  }
0x55: {  	_ =	shalt  }
0x56: {  	_ =	shalt  }
0x57: {  	_ =	shalt  }
0x58: {  	_ =	shalt  }
0x59: {  	_ =	shalt  }
0x5a: {  	_ =	shalt  }
0x5b: {  	_ =	shalt  }
0x5c: {  	_ =	shalt  }
0x5d: {  	_ =	shalt  }
0x5e: {  	_ =	shalt  }
0x5f: {  	_ =	shalt  }
0x60: {  	_ =	shalt  }
0x61: {  	_ =	shalt  }
0x62: {  	_ =	shalt  }
0x63: {  	_ =	shalt  }
0x64: {  	_ =	shalt  }
0x65: {  	_ =	shalt  }
0x66: {  	_ =	shalt  }
0x67: {  	_ =	shalt  }
0x68: {  	_ =	shalt  }
0x69: {  	_ =	shalt  }
0x6a: {  	_ =	shalt  }
0x6b: {  	_ =	shalt  }
0x6c: {  	_ =	shalt  }
0x6d: {  	_ =	shalt  }
0x6e: {  	_ =	shalt  }
0x6f: {  	_ =	shalt  }
0x70: {  	_ =	shalt  }
0x71: {  	_ =	shalt  }
0x72: {  	_ =	shalt  }
0x73: {  	_ =	shalt  }
0x74: {  	_ =	shalt  }
0x75: {  	_ =	shalt  }
0x76: {  	_ =	shalt  }
0x77: {  	_ =	shalt  }
0x78: {  	_ =	shalt  }
0x79: {  	_ =	shalt  }
0x7a: {  	_ =	shalt  }
0x7b: {  	_ =	shalt  }
0x7c: {  	_ =	shalt  }
0x7d: {  	_ =	shalt  }
0x7e: {  	_ =	shalt  }
0x7f: {  	_ =	shalt  }
0x80: {  	_ =	shalt  }
0x81: {  	_ =	shalt  }
0x82: {  	_ =	shalt  }
0x83: {  	_ =	shalt  }
0x84: {  	_ =	shalt  }
0x85: {  	_ =	shalt  }
0x86: {  	_ =	shalt  }
0x87: {  	_ =	shalt  }
.Lfunc_end0:
.L_simem_size_0:
called_computation.2_lowered:
.L_overlay_start_0:
0x88: {  	s2 =	sld [smem:$0x3FD9]  }
0x89: {  	s3 =	sld [smem:$0x3FFE];
	_ =	sdelay $0x1  }
0x8a: {  	s1 =	srdreg.scid  }
0x8b: {  	s0 =	sand.u32 $0x1, s1  }
0x8c: {  	s14 =	sshll.u32 s0, $0xA;
	s2 =	sadd.s32 s3, s2  }
0x8d: {  	s2 =	sadd.s32 s2, s14  }
0x8e: {  	[smem:$0x3FB2] =	sst s2  }
0x8f: {  	_ = 	snop  }
0x90: {  	s2 =	sld [smem:$0x3FD0];
	_ =	sdelay $0x2  }
0x91: {  	s15 =	simm.s32 $0xA;
	s4 =	simm.s32 $0x10  }
0x92: {  	[smem:s4], [sflag:s15] =	dma.local [hbm:s2], $0x1  }
0x93: {  	_ =	swait.eq [sflag:s15], $0x1  }
0x94: {  	[sflag:s15] =	ssyncset.done $0x0  }
0x95: {  	s16 =	sld [smem:$0x10];
	[sflag:s15] =	ssyncadd.s32 $0xFFFFFFFF  }
0x96: {  	s17 =	sld [smem:$0x11];
	(tm) =	ssettm $0x1  }
0x97: {  	s18 =	sld [smem:$0x3FFB];
	_ =	sdelay $0x3  }
0x98: {  	_ =	strace s18  }
0x99: {  	s4 =	sld [smem:$0x3FFC];
	_ =	sdelay $0x3  }
0x9a: {  	_ =	strace s4  }
0x9b: {  	s4 =	sld [smem:$0x3FFD];
	_ =	sdelay $0x3  }
0x9c: {  	_ =	strace s4  }
0x9d: {  	_ =	strace $0x8FFFFFFF  }
0x9e: {  	s19 =	sld [smem:$0x3FDB];
	_ =	sdelay $0x1  }
0x9f: {  	s5 =	simm.s32 $_scs_section_size  }
0xa0: {  	s6 =	simm.s32 $_size__tile_overlayer_lowered;
	s7 =	simm.s32 $_tile_overlayer_lowered  }
0xa1: {  	s22 =	simm.s32 $0x1BFF;
	s21 =	sshll.u32 s7, $0x1;
	s4 =	sadd.s32 s5, s19  }
0xa2: {  	s8 =	simm.s32 $0x0;
	s20 =	sshll.u32 s6, $0x1;
	s6 =	sadd.s32 s21, s4  }
0xa3: {  	[timem:s8], [sflag:s22] =	dma.local [hbm:s6], s20  }
0xa4: {  	_ =	swait.ge [sflag:s22], s20  }
0xa5: {  	s5 =	ssub.s32 $0x0, s20;
	[sflag:s22] =	ssyncset.done $0x0  }
0xa6: {  	[sflag:s22] =	ssyncadd.s32 s5;
	_ =	sdelay $0x1  }
0xa7: {  	s23 =	simm.s32 $0x1B8B  }
0xa8: {  	_ =	swait.ge [sflag:s23], $0x1  }
0xa9: {  	[sflag:s23] =	ssyncset.done $0x0  }
0xaa: {  	s25 =	simm.s32 $0x1B8E;
	s24 =	sld [smem:$0x3FFE];
	[sflag:s23] =	ssyncadd.s32 $0xFFFFFFFF  }
0xab: {  	s26 =	simm.s32 $execute0_lowered;
	[smem:$0x3FD2] =	sst s25  }
0xac: {  	s6 =	sshll.u32 s26, $0x1;
	_ =	strace $0x8000004C;
	[dreg:$0x1] =	wrdreg $0xFFFFFFFF  }
0xad: {  	s28 =	simm.s32 $_size_execute0_lowered;
	s4 =	sadd.s32 s4, s6;
	[dreg:$0x0] =	wrdreg $0x0  }
0xae: {  	s6 =	sshll.u32 s28, $0x1;
	[dreg:$0x2] =	wrdreg s4  }
0xaf: {  	[dreg:$0x3] =	wrdreg s6  }
0xb0: {  	[dreg:$0x4] =	wrdreg $0xC0  }
0xb1: {  	_ =	task [dreg:s8], $0x5FFFF  }
0xb2: {  	[dreg:$0x1] =	wrdreg $0xFFFFFFFF  }
0xb3: {  	[dreg:$0x0] =	wrdreg $0x60  }
0xb4: {  	[dreg:$0x2] =	wrdreg s24  }
0xb5: {  	[dreg:$0x3] =	wrdreg s17  }
0xb6: {  	[dreg:$0x4] =	wrdreg s16  }
0xb7: {  	[dreg:$0x5] =	wrdreg $0xB7800  }
0xb8: {  	[dreg:$0x6] =	wrdreg $0x9  }
0xb9: {  	_ =	task.clear_ibuf [dreg:s8], $0x7FFFF;
	_ =	strace $0x9000004C  }
0xba: {  	s29 =	simm.s32 $0x9;
	_ =	strace $0x8000004E  }
0xbb: {  	_ =	swait.ge [sflag:s29], $0x1  }
0xbc: {  	[sflag:s29] =	ssyncadd.s32 $0xFFFFFFFF  }
0xbd: {  	_ =	strace $0x9000004E  }
0xbe: {  	_ =	sfence  }
0xbf: {  	s30 =	sld [smem:$0x0];
	_ =	sdelay $0x2  }
0xc0: {  	s31 =	sshll.u32 s1, $0xD;
	s1 =	sshrl.u32 s1, $0x2  }
0xc1: {  	s3 =	sand.u32 $0x4000, s31;
	s1 =	sadd.s32 s1, s30  }
0xc2: {  	s0 =	sor.u32 s3, s0;
	s1 =	sshll.u32 s1, $0x11  }
0xc3: {  	s0 =	sor.u32 s1, s0  }
0xc4: {  	s0 =	sadd.s32 $0x8F2B, s0  }
0xc5: {  	[sflag:s0] =	ssyncadd.remote.s32 $0x1  }
0xc6: {  	_ =	sfence.sel $0xFFFF  }
0xc7: {  	[dreg:$0x0] =	wrdreg $0xFFFFFFFF;
	(pc) =	sbr.abs _section_cstart, $3  }
0xc8: {  	[dreg:$0x1] =	wrdreg $0xFFFFFFFF  }
0xc9: {  	_ =	task.clear_ibuf [dreg:s8], $0x2FFFF;
	_ =	strace $0x9FFFFFFF  }
0xca: {  	(tm) =	ssettm $0x7FFFFFFF  }
0xcb: {  	_ =	shalt  }
tec
execute0_lowered:
.L_overlay_start_1:
0x0: {  	(tag) =	ssettag $0x1  }
0x1: {  	s0 =	rddreg [dreg:$0x0]  }
0x2: {  	s2 =	srdreg.scid;
	s1 =	rddreg [dreg:$0x1]  }
0x3: {  	s18 =	stileid.u32;
	s7 =	rddreg [dreg:$0x2]  }
0x4: {  	s3 =	rddreg [dreg:$0x3];
	s28 =	simm.s32 $0x6480;
	s29 =	simm.s32 $0x26C0  }
0x5: {  	s30 =	simm.s32 $0x6500;
	s31 =	simm.s32 $0x6580;
	s2 =	sand.u32 $0x1, s2  }
0x6: {  	s4 =	sshrl.u32 s18, $0x3;
	s8 =	sshll.u32 s18, $0x7;
	s9 =	smul.u32 $0x4E000, s18  }
0x7: {  	s19 =	sshll.u32 s18, $0xB;
	s13 =	smul.u32 $0x13800, s18;
	s24 =	sadd.s32 $0x138000, s3  }
0x8: {  	p0 =	sne.s32 s18, $0xF;
	s18 =	simm.s32 $0x80;
	s5 =	smul.u32 $0x27800, s2  }
0x9: {  	s6 =	smul.u32 $0x13C00, s4;
	s4 =	simm.s32 $0x0;
	s16 =	sand.u32 $0x380, s8  }
0xa: {  	s10 =	sadd.s32 s19, s0;
	s11 =	ssub.s32 $0x2, s2;
	s2 =	smul.u32 $0x138800, s2  }
0xb: {  	s19 =	simm.s32 $0x400;
	[smem:$0x7FF] =	sst s4;
	s12 =	sshrl.u32 s11, $0x1  }
0xc: {  	s21 =	sadd.s32 $0x103E00, s10;
	s9 =	sshrl.u32 s9, $0x2;
	s14 =	sadd.s32 $0x10BE00, s10  }
0xd: {  	s5 =	sadd.s32 s5, s6;
	_ =	strace $0x8000004D;
	s11 =	ssub.s32 s11, s12  }
0xe: {  	[dreg:$0x6] =	wrdreg s21;
	s22 =	sadd.s32 s13, s2;
	s9 =	sadd.s32 s9, s3  }
0xf: {  	s2 =	sshrl.u32 s2, $0x3;
	[dreg:$0x8] =	wrdreg s24;
	s21 =	simm.s32 $0x2780  }
0x10: {  	s24 =	simm.s32 $0x8F80;
	s6 =	sor.u32 s16, s5;
	s5 =	sadd.s32 $0x7000, s0  }
0x11: {  	[dreg:$0x7] =	wrdreg s9;
	s23 =	sshrl.u32 s22, $0x3;
	s2 =	sadd.s32 $0x27000, s2  }
0x12: {  	s22 =	simm.s32 $0x50;
	s6 =	sshrl.u32 s6, $0x3;
	s25 =	sadd.s32 s7, s23  }
0x13: {  	s7 =	sadd.s32 s7, s2;
	s17 =	sadd.s32 s6, s0;
	[dreg:$0x9] =	wrdreg s25  }
0x14: {  	s6 =	sadd.s32 $0xB2E00, s0;
	s0 =	sadd.s32 $0xB5600, s0;
	[dreg:$0xa] =	wrdreg s7  }
0x15: {  	s25 =	simm.s32 $0x1;
	s20 =	sadd.s32 $0x113E00, s17;
	s26 =	sadd.s32 $0x11DC00, s17  }
0x16: {  	s15 =	sadd.s32 s0, s23;
	s16 =	sadd.s32 s0, s2;
	s17 =	smax.u32 s11, $0x1  }
0x17: {  	s23 =	simm.s32 $0x6780;
	s2 =	simm.s32 $0x0;
	[dreg:$0x5] =	wrdreg s20  }
0x18: {  	[dreg:$0xb] =	wrdreg s26;
	s20 =	simm.s32 $0x3;
	s26 =	simm.s32 $0x2  }
.LBB2_1:
0x19: {  	s0 =	rddreg [dreg:$0x5]  }
0x1a: {  	[tilespmem:s4], [sflag:$0x3] =	stream.strided.gather [hbm4b:s0+s18], $0x2780, s19, s18, $0x38;
	[tilespmem:$0x1F000] =	vst v63  }
0x1b: {  	_ =	swait.ge [sflag:s20], $0x2780  }
0x1c: {  	[sflag:s20] =	ssyncset.done $0x0  }
0x1d: {  	s9 =	rddreg [dreg:$0x6];
	[sflag:s20] =	ssyncadd.s32 $0xFFFFD880  }
0x1e: {  	[tilespmem:s21], [sflag:$0x3] =	stream.linear.gather [hbm4b:s9+s4], $0x3E80, $0x38;
	[tilespmem:$0x1F000] =	vst v63  }
0x1f: {  	s10 =	stileid.u32;
	_ =	swait.ge [sflag:s20], $0x3E80  }
0x20: {  	s0 =	sshll.u32 s10, $0x6;
	[sflag:s20] =	ssyncset.done $0x0;
	s7 =	rddreg [dreg:$0x7]  }
0x21: {  	s0 =	sor.u32 $0x1C03, s0;
	[sflag:s20] =	ssyncadd.s32 $0xFFFFC180;
	s7 =	sshrl.u32 s7, $0x3  }
0x22: {  	[spmem:s7], [sflag:s0] =	dma.local [hbm:s6], $0x2700  }
0x23: {  	_ =	swait.ge [sflag:s20], $0x2700  }
0x24: {  	[sflag:s20] =	ssyncset.done $0x0;
	s8 =	rddreg [dreg:$0x8]  }
0x25: {  	s9 =	simm.s32 @!p0 $0x3;
	[sflag:s20] =	ssyncadd.s32 $0xFFFFD900;
	s8 =	sshrl.u32 @!p0 s8, $0x3  }
0x26: {  	[spmem:s8], [sflag:s0] =	dma.local @!p0 [hbm:s6], $0x100  }
0x27: {  	_ =	swait.ge @!p0 [sflag:s9], $0x100  }
0x28: {  	[sflag:s9] =	ssyncset.done @!p0 $0x0  }
0x29: {  	[sflag:s9] =	ssyncadd.s32 @!p0 $0xFFFFFF00  }
0x2a: {  	[bflag:$0x0] =	sbarrier.arrive $0xFFFF  }
0x2b: {  	[tilespmem:s23], [sflag:$0x1] =	stream.indirect.gather [hbm4b:s5+s22], $0x80, s4, s22, $0xb8;
	[tilespmem:$0x1F000] =	vst v63  }
0x2c: {  	_ = 	snop  }
0x2d: {  	[tilespmem:s24], [sflag:$0x2] =	stream.indirect.gather [hbm4b:s5+s22], $0x80, s22, s22, $0xb8;
	[tilespmem:$0x1F000] =	vst v63  }
0x2e: {  	_ =	swait.ge [sflag:s25], $0x2800  }
0x2f: {  	[sflag:s25] =	ssyncset.done $0x0  }
0x30: {  	s11 =	simm.s32 $0x2780;
	[sflag:s25] =	ssyncadd.s32 $0xFFFFD800  }
0x31: {  	[spmem:s3] =	stream.indirect.scatter.add.f32 [tilespmem:s23], [sflag:$0x3], $0x80, s11, s22, $0xb8;
	[tilespmem:$0x1F000] =	vst v63  }
0x32: {  	_ =	swait.ge [sflag:s20], $0x2800  }
0x33: {  	[sflag:s20] =	ssyncset.done $0x0  }
0x34: {  	s12 =	simm.s32 $0xA0;
	[sflag:s20] =	ssyncadd.s32 $0xFFFFD800  }
0x35: {  	[tilespmem:s23], [sflag:$0x1] =	stream.indirect.gather [hbm4b:s5+s22], $0x80, s12, s22, $0xb8;
	[tilespmem:$0x1F000] =	vst v63  }
0x36: {  	_ =	swait.ge [sflag:s26], $0x2800  }
0x37: {  	[sflag:s26] =	ssyncset.done $0x0  }
0x38: {  	s13 =	simm.s32 $0x2800;
	[sflag:s26] =	ssyncadd.s32 $0xFFFFD800  }
0x39: {  	[spmem:s3] =	stream.indirect.scatter.add.f32 [tilespmem:s24], [sflag:$0x3], $0x80, s13, s22, $0xb8;
	[tilespmem:$0x1F000] =	vst v63  }
0x3a: {  	_ =	swait.ge [sflag:s20], $0x2800  }
0x3b: {  	s10 =	simm.s32 $0x400;
	[sflag:s20] =	ssyncset.done $0x0  }
0x3c: {  	s9 =	simm.s32 $0xF0;
	s11 =	simm.s32 $0x190;
	[sflag:s20] =	ssyncadd.s32 $0xFFFFD800  }
.LBB2_2:
0x3d: {  	[tilespmem:s24], [sflag:$0x2] =	stream.indirect.gather [hbm4b:s5+s22], $0x80, s9, s22, $0xb8;
	[tilespmem:$0x1F000] =	vst v63  }
0x3e: {  	s12 =	smov.u32 s10;
	s9 =	smov.u32 s11  }
0x3f: {  	p1 =	sne.s32 s10, $0xF000;
	s10 =	sadd.s32 $0x400, s10;
	_ =	swait.ge [sflag:s25], $0x2800  }
0x40: {  	s12 =	sshra.s32 s12, $0x2;
	[sflag:s25] =	ssyncset.done $0x0  }
0x41: {  	s13 =	sadd.s32 $0x2780, s12;
	[sflag:s25] =	ssyncadd.s32 $0xFFFFD800  }
0x42: {  	[spmem:s3] =	stream.indirect.scatter.add.f32 [tilespmem:s23], [sflag:$0x3], $0x80, s13, s22, $0xb8;
	[tilespmem:$0x1F000] =	vst v63  }
0x43: {  	_ =	swait.ge [sflag:s20], $0x2800  }
0x44: {  	[sflag:s20] =	ssyncset.done $0x0  }
0x45: {  	s13 =	sadd.s32 $0xFFFFFFB0, s11;
	[sflag:s20] =	ssyncadd.s32 $0xFFFFD800  }
0x46: {  	[tilespmem:s23], [sflag:$0x1] =	stream.indirect.gather [hbm4b:s5+s22], $0x80, s13, s22, $0xb8;
	[tilespmem:$0x1F000] =	vst v63  }
0x47: {  	_ =	swait.ge [sflag:s26], $0x2800  }
0x48: {  	[sflag:s26] =	ssyncset.done $0x0  }
.Ltmp0:
0x49: {  	s12 =	sadd.s32 $0x2800, s12;
	[sflag:s26] =	ssyncadd.s32 $0xFFFFD800;
	(pc) =	sbr.rel @p1 .LBB2_2-.Ltmp0, $4  }
0x4a: {  	[spmem:s3] =	stream.indirect.scatter.add.f32 [tilespmem:s24], [sflag:$0x3], $0x80, s12, s22, $0xb8;
	[tilespmem:$0x1F000] =	vst v63  }
0x4b: {  	_ =	swait.ge [sflag:s20], $0x2800  }
0x4c: {  	[sflag:s20] =	ssyncset.done $0x0  }
0x4d: {  	s11 =	sadd.s32 $0xA0, s11;
	[sflag:s20] =	ssyncadd.s32 $0xFFFFD800  }
0x4e: {  	[tilespmem:s24], [sflag:$0x2] =	stream.indirect.gather [hbm4b:s5+s22], $0x80, s9, s22, $0xb8;
	[tilespmem:$0x1F000] =	vst v63  }
0x4f: {  	_ =	swait.ge [sflag:s25], $0x2800  }
0x50: {  	[sflag:s25] =	ssyncset.done $0x0  }
0x51: {  	[sflag:s25] =	ssyncadd.s32 $0xFFFFD800  }
0x52: {  	[spmem:s3] =	stream.indirect.scatter.add.f32 [tilespmem:s23], [sflag:$0x3], $0x80, s28, s22, $0xb8;
	[tilespmem:$0x1F000] =	vst v63  }
0x53: {  	_ =	swait.ge [sflag:s20], $0x2800  }
0x54: {  	[sflag:s20] =	ssyncset.done $0x0  }
0x55: {  	[sflag:s20] =	ssyncadd.s32 $0xFFFFD800  }
0x56: {  	[tilespmem:s23], [sflag:$0x1] =	stream.indirect.gather [hbm4b:s5+s22], $0x80, s29, s22, $0xb8;
	[tilespmem:$0x1F000] =	vst v63  }
0x57: {  	_ =	swait.ge [sflag:s26], $0x2800  }
0x58: {  	[sflag:s26] =	ssyncset.done $0x0  }
0x59: {  	[sflag:s26] =	ssyncadd.s32 $0xFFFFD800  }
0x5a: {  	[spmem:s3] =	stream.indirect.scatter.add.f32 [tilespmem:s24], [sflag:$0x3], $0x80, s30, s22, $0xb8;
	[tilespmem:$0x1F000] =	vst v63  }
0x5b: {  	_ =	swait.ge [sflag:s20], $0x2800  }
0x5c: {  	[sflag:s20] =	ssyncset.done $0x0  }
0x5d: {  	[sflag:s20] =	ssyncadd.s32 $0xFFFFD800  }
0x5e: {  	_ =	swait.ge [sflag:s25], $0x2800  }
0x5f: {  	[sflag:s25] =	ssyncset.done $0x0  }
0x60: {  	[sflag:s25] =	ssyncadd.s32 $0xFFFFD800  }
0x61: {  	[spmem:s3] =	stream.indirect.scatter.add.f32 [tilespmem:s23], [sflag:$0x3], $0x80, s31, s22, $0xb8;
	[tilespmem:$0x1F000] =	vst v63  }
0x62: {  	_ =	swait.ge [sflag:s20], $0x2800  }
0x63: {  	[sflag:s20] =	ssyncset.done $0x0  }
0x64: {  	[sflag:s20] =	ssyncadd.s32 $0xFFFFD800  }
0x65: {  	[bflag:$0x0] =	sbarrier.arrive $0xFFFF  }
0x66: {  	s13 =	rddreg [dreg:$0x9]  }
0x67: {  	[hbm:s13], [sflag:s0] =	dma.local [spmem:s7], $0x2700  }
0x68: {  	_ =	swait.ge [sflag:s20], $0x2700  }
0x69: {  	[sflag:s20] =	ssyncset.done $0x0  }
0x6a: {  	s9 =	rddreg [dreg:$0xa];
	[sflag:s20] =	ssyncadd.s32 $0xFFFFD900  }
0x6b: {  	[hbm:s9], [sflag:s0] =	dma.local @!p0 [spmem:s8], $0x100  }
0x6c: {  	s9 =	simm.s32 @!p0 $0x3  }
0x6d: {  	_ =	swait.ge @!p0 [sflag:s9], $0x100  }
0x6e: {  	[sflag:s9] =	ssyncset.done @!p0 $0x0  }
0x6f: {  	[sflag:s9] =	ssyncadd.s32 @!p0 $0xFFFFFF00  }
0x70: {  	[bflag:$0x0] =	sbarrier.arrive $0xFFFF  }
0x71: {  	s10 =	rddreg [dreg:$0xb]  }
0x72: {  	[tilespmem:s4], [sflag:$0x3] =	stream.strided.gather [hbm4b:s10+s18], $0x2780, s19, s18, $0x38;
	[tilespmem:$0x1F000] =	vst v63  }
0x73: {  	_ =	swait.ge [sflag:s20], $0x2780  }
0x74: {  	[sflag:s20] =	ssyncset.done $0x0  }
0x75: {  	[sflag:s20] =	ssyncadd.s32 $0xFFFFD880  }
0x76: {  	[tilespmem:s21], [sflag:$0x3] =	stream.linear.gather [hbm4b:s14+s4], $0x3E80, $0x38;
	[tilespmem:$0x1F000] =	vst v63  }
0x77: {  	_ =	swait.ge [sflag:s20], $0x3E80  }
0x78: {  	[sflag:s20] =	ssyncset.done $0x0  }
0x79: {  	[sflag:s20] =	ssyncadd.s32 $0xFFFFC180  }
0x7a: {  	[spmem:s7], [sflag:s0] =	dma.local [hbm:s6], $0x2700  }
0x7b: {  	_ =	swait.ge [sflag:s20], $0x2700  }
0x7c: {  	[sflag:s20] =	ssyncset.done $0x0  }
0x7d: {  	[sflag:s20] =	ssyncadd.s32 $0xFFFFD900  }
0x7e: {  	[spmem:s8], [sflag:s0] =	dma.local @!p0 [hbm:s6], $0x100  }
0x7f: {  	_ =	swait.ge @!p0 [sflag:s9], $0x100  }
0x80: {  	[sflag:s9] =	ssyncset.done @!p0 $0x0  }
0x81: {  	[sflag:s9] =	ssyncadd.s32 @!p0 $0xFFFFFF00  }
0x82: {  	s10 =	simm.s32 $0x0;
	[bflag:$0x0] =	sbarrier.arrive $0xFFFF  }
0x83: {  	[tilespmem:s23], [sflag:$0x1] =	stream.indirect.gather [hbm4b:s1+s22], $0x80, s10, s22, $0xb8;
	[tilespmem:$0x1F000] =	vst v63  }
0x84: {  	_ = 	snop  }
0x85: {  	[tilespmem:s24], [sflag:$0x2] =	stream.indirect.gather [hbm4b:s1+s22], $0x80, s22, s22, $0xb8;
	[tilespmem:$0x1F000] =	vst v63  }
0x86: {  	_ =	swait.ge [sflag:s25], $0x2800  }
0x87: {  	[sflag:s25] =	ssyncset.done $0x0  }
0x88: {  	s11 =	simm.s32 $0x2780;
	[sflag:s25] =	ssyncadd.s32 $0xFFFFD800  }
0x89: {  	[spmem:s3] =	stream.indirect.scatter.add.f32 [tilespmem:s23], [sflag:$0x3], $0x80, s11, s22, $0xb8;
	[tilespmem:$0x1F000] =	vst v63  }
0x8a: {  	_ =	swait.ge [sflag:s20], $0x2800  }
0x8b: {  	[sflag:s20] =	ssyncset.done $0x0  }
0x8c: {  	s12 =	simm.s32 $0xA0;
	[sflag:s20] =	ssyncadd.s32 $0xFFFFD800  }
0x8d: {  	[tilespmem:s23], [sflag:$0x1] =	stream.indirect.gather [hbm4b:s1+s22], $0x80, s12, s22, $0xb8;
	[tilespmem:$0x1F000] =	vst v63  }
0x8e: {  	_ =	swait.ge [sflag:s26], $0x2800  }
0x8f: {  	[sflag:s26] =	ssyncset.done $0x0  }
0x90: {  	s13 =	simm.s32 $0x2800;
	[sflag:s26] =	ssyncadd.s32 $0xFFFFD800  }
0x91: {  	[spmem:s3] =	stream.indirect.scatter.add.f32 [tilespmem:s24], [sflag:$0x3], $0x80, s13, s22, $0xb8;
	[tilespmem:$0x1F000] =	vst v63  }
0x92: {  	_ =	swait.ge [sflag:s20], $0x2800  }
0x93: {  	s9 =	simm.s32 $0xF0;
	[sflag:s20] =	ssyncset.done $0x0  }
0x94: {  	s10 =	simm.s32 $0x400;
	s11 =	simm.s32 $0x190;
	[sflag:s20] =	ssyncadd.s32 $0xFFFFD800  }
.LBB2_4:
0x95: {  	[tilespmem:s24], [sflag:$0x2] =	stream.indirect.gather [hbm4b:s1+s22], $0x80, s9, s22, $0xb8;
	[tilespmem:$0x1F000] =	vst v63  }
0x96: {  	s12 =	smov.u32 s10;
	s9 =	smov.u32 s11  }
0x97: {  	p1 =	sne.s32 s10, $0xF000;
	s10 =	sadd.s32 $0x400, s10;
	_ =	swait.ge [sflag:s25], $0x2800  }
0x98: {  	s12 =	sshra.s32 s12, $0x2;
	[sflag:s25] =	ssyncset.done $0x0  }
0x99: {  	s13 =	sadd.s32 $0x2780, s12;
	[sflag:s25] =	ssyncadd.s32 $0xFFFFD800  }
0x9a: {  	[spmem:s3] =	stream.indirect.scatter.add.f32 [tilespmem:s23], [sflag:$0x3], $0x80, s13, s22, $0xb8;
	[tilespmem:$0x1F000] =	vst v63  }
0x9b: {  	_ =	swait.ge [sflag:s20], $0x2800  }
0x9c: {  	[sflag:s20] =	ssyncset.done $0x0  }
0x9d: {  	s13 =	sadd.s32 $0xFFFFFFB0, s11;
	[sflag:s20] =	ssyncadd.s32 $0xFFFFD800  }
0x9e: {  	[tilespmem:s23], [sflag:$0x1] =	stream.indirect.gather [hbm4b:s1+s22], $0x80, s13, s22, $0xb8;
	[tilespmem:$0x1F000] =	vst v63  }
0x9f: {  	_ =	swait.ge [sflag:s26], $0x2800  }
0xa0: {  	[sflag:s26] =	ssyncset.done $0x0  }
.Ltmp1:
0xa1: {  	s12 =	sadd.s32 $0x2800, s12;
	[sflag:s26] =	ssyncadd.s32 $0xFFFFD800;
	(pc) =	sbr.rel @p1 .LBB2_4-.Ltmp1, $4  }
0xa2: {  	[spmem:s3] =	stream.indirect.scatter.add.f32 [tilespmem:s24], [sflag:$0x3], $0x80, s12, s22, $0xb8;
	[tilespmem:$0x1F000] =	vst v63  }
0xa3: {  	_ =	swait.ge [sflag:s20], $0x2800  }
0xa4: {  	[sflag:s20] =	ssyncset.done $0x0  }
0xa5: {  	s11 =	sadd.s32 $0xA0, s11;
	[sflag:s20] =	ssyncadd.s32 $0xFFFFD800  }
0xa6: {  	[tilespmem:s24], [sflag:$0x2] =	stream.indirect.gather [hbm4b:s1+s22], $0x80, s9, s22, $0xb8;
	[tilespmem:$0x1F000] =	vst v63  }
0xa7: {  	_ =	swait.ge [sflag:s25], $0x2800  }
0xa8: {  	[sflag:s25] =	ssyncset.done $0x0  }
0xa9: {  	[sflag:s25] =	ssyncadd.s32 $0xFFFFD800  }
0xaa: {  	[spmem:s3] =	stream.indirect.scatter.add.f32 [tilespmem:s23], [sflag:$0x3], $0x80, s28, s22, $0xb8;
	[tilespmem:$0x1F000] =	vst v63  }
0xab: {  	_ =	swait.ge [sflag:s20], $0x2800  }
0xac: {  	[sflag:s20] =	ssyncset.done $0x0  }
0xad: {  	[sflag:s20] =	ssyncadd.s32 $0xFFFFD800  }
0xae: {  	[tilespmem:s23], [sflag:$0x1] =	stream.indirect.gather [hbm4b:s1+s22], $0x80, s29, s22, $0xb8;
	[tilespmem:$0x1F000] =	vst v63  }
0xaf: {  	_ =	swait.ge [sflag:s26], $0x2800  }
0xb0: {  	[sflag:s26] =	ssyncset.done $0x0  }
0xb1: {  	[sflag:s26] =	ssyncadd.s32 $0xFFFFD800  }
0xb2: {  	[spmem:s3] =	stream.indirect.scatter.add.f32 [tilespmem:s24], [sflag:$0x3], $0x80, s30, s22, $0xb8;
	[tilespmem:$0x1F000] =	vst v63  }
0xb3: {  	_ =	swait.ge [sflag:s20], $0x2800  }
0xb4: {  	[sflag:s20] =	ssyncset.done $0x0  }
0xb5: {  	[sflag:s20] =	ssyncadd.s32 $0xFFFFD800  }
0xb6: {  	_ =	swait.ge [sflag:s25], $0x2800  }
0xb7: {  	[sflag:s25] =	ssyncset.done $0x0  }
0xb8: {  	[sflag:s25] =	ssyncadd.s32 $0xFFFFD800  }
0xb9: {  	[spmem:s3] =	stream.indirect.scatter.add.f32 [tilespmem:s23], [sflag:$0x3], $0x80, s31, s22, $0xb8;
	[tilespmem:$0x1F000] =	vst v63  }
0xba: {  	_ =	swait.ge [sflag:s20], $0x2800  }
0xbb: {  	[sflag:s20] =	ssyncset.done $0x0  }
0xbc: {  	[sflag:s20] =	ssyncadd.s32 $0xFFFFD800  }
0xbd: {  	[bflag:$0x0] =	sbarrier.arrive $0xFFFF  }
0xbe: {  	[hbm:s15], [sflag:s0] =	dma.local [spmem:s7], $0x2700  }
0xbf: {  	_ =	swait.ge [sflag:s20], $0x2700  }
0xc0: {  	s2 =	sadd.s32 $0x1, s2;
	[sflag:s20] =	ssyncset.done $0x0  }
0xc1: {  	p1 =	sne.s32 s2, s17;
	[sflag:s20] =	ssyncadd.s32 $0xFFFFD900  }
0xc2: {  	[hbm:s16], [sflag:s0] =	dma.local @!p0 [spmem:s8], $0x100  }
.Ltmp2:
0xc3: {  	_ = 	snop;
	(pc) =	sbr.rel @p1 .LBB2_1-.Ltmp2, $4  }
0xc4: {  	s0 =	simm.s32 @!p0 $0x3  }
0xc5: {  	_ =	swait.ge @!p0 [sflag:s0], $0x100  }
0xc6: {  	[sflag:s0] =	ssyncset.done @!p0 $0x0  }
0xc7: {  	[sflag:s0] =	ssyncadd.s32 @!p0 $0xFFFFFF00  }
0xc8: {  	_ =	sfence.sel $0x180000  }
0xc9: {  	[bflag:$0x0] =	sbarrier.arrive $0xFFFF  }
0xca: {  	_ =	strace $0x9000004D  }
0xcb: {  	s0 =	stileid.u32;
	[bflag:$0x2] =	sbarrier.arrive $0xFFFF  }
0xcc: {  	p0 =	sne.s32 s0, $0x0;
	s0 =	rddreg [dreg:$0x4]  }
0xcd: {  	s0 =	sadd.s32 @!p0 $0x100000, s0  }
0xce: {  	[sflag:s0] =	ssyncadd.tile.s32 @!p0 $0x1;
	_ =	shalt  }
.Lfunc_end2:
_tile_overlayer_lowered:
.L_overlay_start_2:
0xcf: {  	(tag) =	ssettag $0x2  }
0xd0: {  	s0 =	rddreg [dreg:$0x0];
	s2 =	stileid.u32  }
0xd1: {  	s1 =	rddreg [dreg:$0x1];
	p0 =	sne.s32 s2, $0x0  }
0xd2: {  	s3 =	rddreg [dreg:$0x2];
	[bflag:$0x3] =	sbarrier.arrive $0xFFFF;
	s2 =	simm.s32 @!p0 $0x1C03  }
0xd3: {  	[timem:s3], [sflag:s2] =	dma.local @!p0 [hbm:s0], s1  }
0xd4: {  	s0 =	simm.s32 @!p0 $0x3  }
0xd5: {  	_ =	swait.ge @!p0 [sflag:s0], s1  }
0xd6: {  	s1 =	ssub.s32 @!p0 $0x0, s1;
	[sflag:s0] =	ssyncset.done @!p0 $0x0  }
0xd7: {  	[sflag:s0] =	ssyncadd.s32 @!p0 s1  }
0xd8: {  	[bflag:$0x3] =	sbarrier.arrive $0xFFFF  }
0xd9: {  	_ =	shalt  }

</sc_bundles>
